<compile_context>
chip_gen: v7x
topology: tpu7x:2x2x1
jax: 0.10.2.dev20260603
libtpu: 0.0.44.dev20260713+nightly
codegen_flags: <defaults>
</compile_context>

<pallas_src>
import functools

import jax
import jax.numpy as jnp
from jax import lax
from jax.experimental import pallas as pl
from jax.experimental.pallas import tpu as pltpu
from jax.experimental.pallas import tpu_sc as plsc

_NUM_FIELDS = 26
_VOCAB = 100000
_EMB = 32
_BATCH = 1024
_SEQ = 50
_NUM_DIM = 16
_LANES = 16

_OUT_ROWS = _NUM_DIM + _NUM_FIELDS * _EMB
_SB = 4
_NBLK = 13
_QB = _BATCH // _LANES


def _build_sc_call():
    info = plsc.get_sparse_core_info()
    nc, ns = info.num_cores, info.num_subcores
    nw = nc * ns
    ppw = (_NUM_FIELDS * _EMB) // nw

    mesh = plsc.VectorSubcoreMesh(core_axis_name="c", subcore_axis_name="s")

    @functools.partial(
        pl.kernel,
        mesh=mesh,
        compiler_params=pltpu.CompilerParams(needs_layout_passes=False),
        out_type=jax.ShapeDtypeStruct((_SEQ, _OUT_ROWS, _BATCH), jnp.float32),
        scratch_types=[
            pltpu.VMEM((_VOCAB,), jnp.float32),
            pltpu.VMEM((_SB, _BATCH), jnp.int32),
            pltpu.VMEM((_SB, _BATCH), jnp.int32),
            pltpu.VMEM((_SB, _BATCH), jnp.int32),
            pltpu.VMEM((_SB, _BATCH), jnp.int32),
            pltpu.VMEM((_SB, _BATCH), jnp.float32),
            pltpu.VMEM((_SB, _BATCH), jnp.float32),
            pltpu.VMEM((_SB, _BATCH), jnp.float32),
            pltpu.SemaphoreType.DMA,
            pltpu.SemaphoreType.DMA,
            pltpu.SemaphoreType.DMA,
            pltpu.SemaphoreType.DMA,
            pltpu.SemaphoreType.DMA,
            pltpu.SemaphoreType.DMA,
            pltpu.SemaphoreType.DMA,
            pltpu.SemaphoreType.DMA,
        ],
    )
    def fn(tab, cat, num, out, rowb, cb0, cb1, cb2, cb3, ob0, ob1, ob2,
           rsem, cs0, cs1, cs2, cs3, os0, os1, os2):
        wid = lax.axis_index("s") * nc + lax.axis_index("c")
        dyn0 = wid * 0
        catb = (cb0, cb1, cb2, cb3)
        outb = (ob0, ob1, ob2)
        csem = (cs0, cs1, cs2, cs3)
        osem = (os0, os1, os2)

        def num_slab(m):
            s = m // 4
            k0 = (m % 4) * 4
            pltpu.sync_copy(num.at[s, pl.ds(k0, _SB)], ob0)
            pltpu.sync_copy(ob0, out.at[s, pl.ds(k0, _SB)])

        for t in range(6):
            num_slab(wid + 32 * t)

        @pl.when(wid < 8)
        def _():
            num_slab(wid + 192)

        def unit_body(k, carry):
            p = wid * ppw + k
            d = p // _EMB
            e = p - d * _EMB
            c = _NUM_DIM + _EMB * d + e
            hrow = pltpu.async_copy(tab.at[d, e], rowb, rsem)

            def fire_cat(j):
                nrows = _SB if j < _NBLK - 1 else _SEQ - _SB * (_NBLK - 1)
                return pltpu.async_copy(
                    cat.at[d, pl.ds(dyn0 + _SB * j, nrows)],
                    catb[j % 4].at[pl.ds(0, nrows)], csem[j % 4])

            hcat = {j: fire_cat(j) for j in range(3)}
            hout = {}
            hrow.wait()
            for j in range(_NBLK):
                b = j % 3
                cbx = j % 4
                rows = _SB if j < _NBLK - 1 else _SEQ - _SB * (_NBLK - 1)
                if j + 3 < _NBLK:
                    hcat[j + 3] = fire_cat(j + 3)
                hcat.pop(j).wait()
                if j - 3 in hout:
                    hout.pop(j - 3).wait()
                @plsc.parallel_loop(0, rows * _QB, unroll=8)
                def _(q, b=b, cbx=cbx):
                    si = lax.shift_right_logical(q, 6)
                    sl = pl.ds((q & (_QB - 1)) * _LANES, _LANES)
                    idx = catb[cbx][si, sl]
                    outb[b][si, sl] = plsc.load_gather(rowb, [idx])
                hout[j] = pltpu.async_copy(
                    outb[b].at[pl.ds(0, rows)],
                    out.at[pl.ds(dyn0 + _SB * j, rows), c], osem[b])
            hout.pop(_NBLK - 3).wait()
            hout.pop(_NBLK - 2).wait()
            hout.pop(_NBLK - 1).wait()
            return carry

        lax.fori_loop(0, ppw, unit_body, 0)

    return fn


def kernel(num, cat, tables):
    tab_t = jnp.transpose(tables, (0, 2, 1))
    cat_t = jnp.transpose(cat.astype(jnp.int32), (1, 2, 0))
    num_t = jnp.transpose(num, (2, 1, 0))
    out_t = _build_sc_call()(tab_t, cat_t, num_t)
    return jnp.transpose(out_t, (2, 1, 0))

# --- scband reference (transcript-rebuilt; emitter-appended) ---
"""Pipeline reference for scband-inputs-38431367364786 (READ-ONLY COPY).

The authoritative reference and input builder live on the scoring server;
editing this copy changes nothing except your own understanding.
"""

import jax, jax.numpy as jnp
import numpy as np

NUM_FIELDS = 26
VOCAB = 100000
EMB_DIM = 32
BATCH = 1024
SEQ = 50
NUM_DIM = 16

def setup_inputs(seed: int = 0) -> dict:
    key = jax.random.key(seed)
    k1, k2, k3 = jax.random.split(key, 3)
    num = jax.random.normal(k1, (BATCH, NUM_DIM, SEQ), dtype=jnp.float32)
    cat = jax.random.randint(k2, (BATCH, NUM_FIELDS, SEQ), 0, VOCAB, dtype=jnp.int64)
    # Embedding tables for the 26 categorical fields (all [VOCAB, EMB_DIM]),
    # stacked into one array for convenience. nn.Embedding init ~ N(0,1).
    tables = jax.random.normal(k3, (NUM_FIELDS, VOCAB, EMB_DIM), dtype=jnp.float32)
    return {"num": num, "cat": cat, "tables": tables}

def reference(num, cat, tables):
    # seq_last=True path of Embeddings:
    # for each categorical field d: emb(cat[:, d]) -> [B, S, E], transpose(1,2) -> [B, E, S]
    # concat over fields at dim=1, then prepend numeric features at dim=1.
    embeds = []
    for d in range(NUM_FIELDS):
        e = jnp.take(tables[d], cat[:, d], axis=0)  # [B, S, E]
        embeds.append(jnp.transpose(e, (0, 2, 1)))  # [B, E, S]
    embed = jnp.concatenate(embeds, axis=1)  # [B, NUM_FIELDS*E, S]
    out = jnp.concatenate([num, embed], axis=1)  # [B, NUM_DIM + NUM_FIELDS*E, S]
    return out

if __name__ == "__main__":
    import jax
    _d = setup_inputs()
    print(jax.jit(kernel)(*tuple(_d.values())))

</pallas_src>

<mosaic_0001>
#map = affine_map<(d0, d1) -> (0, 0, 0)>
module attributes {stable_mosaic.version = 14 : i64} {
  func.func @fn(%arg0: i32, %arg1: i32, %arg2: memref<26x32x100000xf32, #tpu.memory_space<hbm>>, %arg3: memref<26x50x1024xi32, #tpu.memory_space<hbm>>, %arg4: memref<50x16x1024xf32, #tpu.memory_space<hbm>>, %arg5: memref<50x848x1024xf32, #tpu.memory_space<hbm>>, %arg6: memref<100000xf32, #tpu.memory_space<vmem>>, %arg7: memref<4x1024xi32, #tpu.memory_space<vmem>>, %arg8: memref<4x1024xi32, #tpu.memory_space<vmem>>, %arg9: memref<4x1024xi32, #tpu.memory_space<vmem>>, %arg10: memref<4x1024xi32, #tpu.memory_space<vmem>>, %arg11: memref<4x1024xf32, #tpu.memory_space<vmem>>, %arg12: memref<4x1024xf32, #tpu.memory_space<vmem>>, %arg13: memref<4x1024xf32, #tpu.memory_space<vmem>>, %arg14: memref<!tpu.dma_semaphore, #tpu.memory_space<semaphore_mem>>, %arg15: memref<!tpu.dma_semaphore, #tpu.memory_space<semaphore_mem>>, %arg16: memref<!tpu.dma_semaphore, #tpu.memory_space<semaphore_mem>>, %arg17: memref<!tpu.dma_semaphore, #tpu.memory_space<semaphore_mem>>, %arg18: memref<!tpu.dma_semaphore, #tpu.memory_space<semaphore_mem>>, %arg19: memref<!tpu.dma_semaphore, #tpu.memory_space<semaphore_mem>>, %arg20: memref<!tpu.dma_semaphore, #tpu.memory_space<semaphore_mem>>, %arg21: memref<!tpu.dma_semaphore, #tpu.memory_space<semaphore_mem>>) attributes {dimension_semantics = [#tpu.dimension_semantics<core_parallel>, #tpu.dimension_semantics<subcore_parallel>], iteration_bounds = array<i64: 2, 16>, scalar_prefetch = 0 : i64, scratch_operands = 16 : i64, tpu.core_type = #tpu.core_type<sc_vector_subcore>, window_params = [{transform_indices = #map}, {transform_indices = #map}, {transform_indices = #map}, {transform_indices = #map}]} {
    %mul3A = arith.constant 2 : i32
    %mul3A_0 = arith.muli %arg1, %mul3A : i32
    %add3A = arith.addi %mul3A_0, %arg0 : i32
    %mul3A_1 = arith.constant 0 : i32
    %mul3A_2 = arith.muli %add3A, %mul3A_1 : i32
    %add3A_3 = arith.constant 0 : i32
    %add3A_4 = arith.addi %add3A, %add3A_3 : i32
    %jit3A = arith.constant 4 : i32
    %div3A = arith.divsi %add3A_4, %jit3A : i32
    %sign3A = arith.constant 0 : i32
    %sign3A_5 = arith.cmpi sgt, %add3A_4, %sign3A : i32
    %sign3A_6 = arith.extui %sign3A_5 : i1 to i32
    %sign3A_7 = arith.constant 0 : i32
    %sign3A_8 = arith.cmpi slt, %add3A_4, %sign3A_7 : i32
    %sign3A_9 = arith.extui %sign3A_8 : i1 to i32
    %sign3A_10 = arith.subi %sign3A_6, %sign3A_9 : i32
    %sign3A_11 = arith.constant 0 : i32
    %sign3A_12 = arith.cmpi sgt, %jit3A, %sign3A_11 : i32
    %sign3A_13 = arith.extui %sign3A_12 : i1 to i32
    %sign3A_14 = arith.constant 0 : i32
    %sign3A_15 = arith.cmpi slt, %jit3A, %sign3A_14 : i32
    %sign3A_16 = arith.extui %sign3A_15 : i1 to i32
    %sign3A_17 = arith.subi %sign3A_13, %sign3A_16 : i32
    %ne3A = arith.cmpi ne, %sign3A_10, %sign3A_17 : i32
    %rem3A = arith.remsi %add3A_4, %jit3A : i32
    %ne3A_18 = arith.constant 0 : i32
    %ne3A_19 = arith.cmpi ne, %rem3A, %ne3A_18 : i32
    %and3A = arith.andi %ne3A, %ne3A_19 : i1
    %sub3A = arith.constant 1 : i32
    %sub3A_20 = arith.subi %div3A, %sub3A : i32
    %select_n3A = arith.select %and3A, %sub3A_20, %div3A : i32
    %jit3A_21 = arith.constant 4 : i32
    %eq3A = arith.constant 0 : i32
    %eq3A_22 = arith.cmpi eq, %jit3A_21, %eq3A : i32
    %jit3A_23 = arith.constant 1 : i32
    %select_n3A_24 = arith.select %eq3A_22, %jit3A_23, %jit3A_21 : i32
    %rem3A_25 = arith.remsi %add3A_4, %select_n3A_24 : i32
    %ne3A_26 = arith.constant 0 : i32
    %ne3A_27 = arith.cmpi ne, %rem3A_25, %ne3A_26 : i32
    %lt3A = arith.constant 0 : i32
    %lt3A_28 = arith.cmpi slt, %rem3A_25, %lt3A : i32
    %lt3A_29 = arith.constant 0 : i32
    %lt3A_30 = arith.cmpi slt, %select_n3A_24, %lt3A_29 : i32
    %ne3A_31 = arith.xori %lt3A_28, %lt3A_30 : i1
    %and3A_32 = arith.andi %ne3A_31, %ne3A_27 : i1
    %add3A_33 = arith.addi %rem3A_25, %select_n3A_24 : i32
    %select_n3A_34 = arith.select %and3A_32, %add3A_33, %rem3A_25 : i32
    %mul3A_35 = arith.constant 4 : i32
    %mul3A_36 = arith.muli %select_n3A_34, %mul3A_35 : i32
    "tpu.region"() ({
      %run_scoped3A = tpu.sem_alloc : memref<!tpu.dma_semaphore, #tpu.memory_space<semaphore_mem>>
      %dma_start3A = arith.constant 0 : i32
      %dma_start3A_265 = tpu.memref_slice %arg4[%select_n3A, %mul3A_36, %dma_start3A] : memref<50x16x1024xf32, #tpu.memory_space<hbm>> -> memref<1x4x1024xf32, #tpu.memory_space<hbm>>
      %dma_start3A_266 = tpu.memref_squeeze %dma_start3A_265 : memref<1x4x1024xf32, #tpu.memory_space<hbm>> -> memref<4x1024xf32, #tpu.memory_space<hbm>>
      %dma_start3A_267 = arith.constant 0 : i32
      %dma_start3A_268 = tpu.memref_slice %arg4[%select_n3A, %mul3A_36, %dma_start3A_267] : memref<50x16x1024xf32, #tpu.memory_space<hbm>> -> memref<1x4x1024xf32, #tpu.memory_space<hbm>>
      %dma_start3A_269 = tpu.memref_squeeze %dma_start3A_268 : memref<1x4x1024xf32, #tpu.memory_space<hbm>> -> memref<4x1024xf32, #tpu.memory_space<hbm>>
      tpu.enqueue_dma source(%dma_start3A_269 : memref<4x1024xf32, #tpu.memory_space<hbm>>) target(%arg11 : memref<4x1024xf32, #tpu.memory_space<vmem>>) target_semaphore(%run_scoped3A : memref<!tpu.dma_semaphore, #tpu.memory_space<semaphore_mem>>)
      %dma_wait3A = arith.constant 0 : i32
      %dma_wait3A_270 = tpu.memref_slice %arg4[%select_n3A, %mul3A_36, %dma_wait3A] : memref<50x16x1024xf32, #tpu.memory_space<hbm>> -> memref<1x4x1024xf32, #tpu.memory_space<hbm>>
      %dma_wait3A_271 = tpu.memref_squeeze %dma_wait3A_270 : memref<1x4x1024xf32, #tpu.memory_space<hbm>> -> memref<4x1024xf32, #tpu.memory_space<hbm>>
      %dma_wait3A_272 = arith.constant 0 : i32
      %dma_wait3A_273 = tpu.memref_slice %arg4[%select_n3A, %mul3A_36, %dma_wait3A_272] : memref<50x16x1024xf32, #tpu.memory_space<hbm>> -> memref<1x4x1024xf32, #tpu.memory_space<hbm>>
      %dma_wait3A_274 = tpu.memref_squeeze %dma_wait3A_273 : memref<1x4x1024xf32, #tpu.memory_space<hbm>> -> memref<4x1024xf32, #tpu.memory_space<hbm>>
      tpu.wait_dma2 semaphore(%run_scoped3A : memref<!tpu.dma_semaphore, #tpu.memory_space<semaphore_mem>>) src(%dma_wait3A_274 : memref<4x1024xf32, #tpu.memory_space<hbm>>) dst(%arg11 : memref<4x1024xf32, #tpu.memory_space<vmem>>)
      tpu.yield
    }) : () -> ()
    "tpu.region"() ({
      %run_scoped3A = tpu.sem_alloc : memref<!tpu.dma_semaphore, #tpu.memory_space<semaphore_mem>>
      %dma_start3A = arith.constant 0 : i32
      %dma_start3A_265 = tpu.memref_slice %arg5[%select_n3A, %mul3A_36, %dma_start3A] : memref<50x848x1024xf32, #tpu.memory_space<hbm>> -> memref<1x4x1024xf32, #tpu.memory_space<hbm>>
      %dma_start3A_266 = tpu.memref_squeeze %dma_start3A_265 : memref<1x4x1024xf32, #tpu.memory_space<hbm>> -> memref<4x1024xf32, #tpu.memory_space<hbm>>
      %dma_start3A_267 = arith.constant 0 : i32
      %dma_start3A_268 = tpu.memref_slice %arg5[%select_n3A, %mul3A_36, %dma_start3A_267] : memref<50x848x1024xf32, #tpu.memory_space<hbm>> -> memref<1x4x1024xf32, #tpu.memory_space<hbm>>
      %dma_start3A_269 = tpu.memref_squeeze %dma_start3A_268 : memref<1x4x1024xf32, #tpu.memory_space<hbm>> -> memref<4x1024xf32, #tpu.memory_space<hbm>>
      tpu.enqueue_dma source(%arg11 : memref<4x1024xf32, #tpu.memory_space<vmem>>) target(%dma_start3A_269 : memref<4x1024xf32, #tpu.memory_space<hbm>>) target_semaphore(%run_scoped3A : memref<!tpu.dma_semaphore, #tpu.memory_space<semaphore_mem>>)
      %dma_wait3A = arith.constant 0 : i32
      %dma_wait3A_270 = tpu.memref_slice %arg5[%select_n3A, %mul3A_36, %dma_wait3A] : memref<50x848x1024xf32, #tpu.memory_space<hbm>> -> memref<1x4x1024xf32, #tpu.memory_space<hbm>>
      %dma_wait3A_271 = tpu.memref_squeeze %dma_wait3A_270 : memref<1x4x1024xf32, #tpu.memory_space<hbm>> -> memref<4x1024xf32, #tpu.memory_space<hbm>>
      %dma_wait3A_272 = arith.constant 0 : i32
      %dma_wait3A_273 = tpu.memref_slice %arg5[%select_n3A, %mul3A_36, %dma_wait3A_272] : memref<50x848x1024xf32, #tpu.memory_space<hbm>> -> memref<1x4x1024xf32, #tpu.memory_space<hbm>>
      %dma_wait3A_274 = tpu.memref_squeeze %dma_wait3A_273 : memref<1x4x1024xf32, #tpu.memory_space<hbm>> -> memref<4x1024xf32, #tpu.memory_space<hbm>>
      tpu.wait_dma2 semaphore(%run_scoped3A : memref<!tpu.dma_semaphore, #tpu.memory_space<semaphore_mem>>) src(%arg11 : memref<4x1024xf32, #tpu.memory_space<vmem>>) dst(%dma_wait3A_274 : memref<4x1024xf32, #tpu.memory_space<hbm>>)
      tpu.yield
    }) : () -> ()
    %add3A_37 = arith.constant 32 : i32
    %add3A_38 = arith.addi %add3A, %add3A_37 : i32
    %jit3A_39 = arith.constant 4 : i32
    %div3A_40 = arith.divsi %add3A_38, %jit3A_39 : i32
    %sign3A_41 = arith.constant 0 : i32
    %sign3A_42 = arith.cmpi sgt, %add3A_38, %sign3A_41 : i32
    %sign3A_43 = arith.extui %sign3A_42 : i1 to i32
    %sign3A_44 = arith.constant 0 : i32
    %sign3A_45 = arith.cmpi slt, %add3A_38, %sign3A_44 : i32
    %sign3A_46 = arith.extui %sign3A_45 : i1 to i32
    %sign3A_47 = arith.subi %sign3A_43, %sign3A_46 : i32
    %sign3A_48 = arith.constant 0 : i32
    %sign3A_49 = arith.cmpi sgt, %jit3A_39, %sign3A_48 : i32
    %sign3A_50 = arith.extui %sign3A_49 : i1 to i32
    %sign3A_51 = arith.constant 0 : i32
    %sign3A_52 = arith.cmpi slt, %jit3A_39, %sign3A_51 : i32
    %sign3A_53 = arith.extui %sign3A_52 : i1 to i32
    %sign3A_54 = arith.subi %sign3A_50, %sign3A_53 : i32
    %ne3A_55 = arith.cmpi ne, %sign3A_47, %sign3A_54 : i32
    %rem3A_56 = arith.remsi %add3A_38, %jit3A_39 : i32
    %ne3A_57 = arith.constant 0 : i32
    %ne3A_58 = arith.cmpi ne, %rem3A_56, %ne3A_57 : i32
    %and3A_59 = arith.andi %ne3A_55, %ne3A_58 : i1
    %sub3A_60 = arith.constant 1 : i32
    %sub3A_61 = arith.subi %div3A_40, %sub3A_60 : i32
    %select_n3A_62 = arith.select %and3A_59, %sub3A_61, %div3A_40 : i32
    %jit3A_63 = arith.constant 4 : i32
    %eq3A_64 = arith.constant 0 : i32
    %eq3A_65 = arith.cmpi eq, %jit3A_63, %eq3A_64 : i32
    %jit3A_66 = arith.constant 1 : i32
    %select_n3A_67 = arith.select %eq3A_65, %jit3A_66, %jit3A_63 : i32
    %rem3A_68 = arith.remsi %add3A_38, %select_n3A_67 : i32
    %ne3A_69 = arith.constant 0 : i32
    %ne3A_70 = arith.cmpi ne, %rem3A_68, %ne3A_69 : i32
    %lt3A_71 = arith.constant 0 : i32
    %lt3A_72 = arith.cmpi slt, %rem3A_68, %lt3A_71 : i32
    %lt3A_73 = arith.constant 0 : i32
    %lt3A_74 = arith.cmpi slt, %select_n3A_67, %lt3A_73 : i32
    %ne3A_75 = arith.xori %lt3A_72, %lt3A_74 : i1
    %and3A_76 = arith.andi %ne3A_75, %ne3A_70 : i1
    %add3A_77 = arith.addi %rem3A_68, %select_n3A_67 : i32
    %select_n3A_78 = arith.select %and3A_76, %add3A_77, %rem3A_68 : i32
    %mul3A_79 = arith.constant 4 : i32
    %mul3A_80 = arith.muli %select_n3A_78, %mul3A_79 : i32
    "tpu.region"() ({
      %run_scoped3A = tpu.sem_alloc : memref<!tpu.dma_semaphore, #tpu.memory_space<semaphore_mem>>
      %dma_start3A = arith.constant 0 : i32
      %dma_start3A_265 = tpu.memref_slice %arg4[%select_n3A_62, %mul3A_80, %dma_start3A] : memref<50x16x1024xf32, #tpu.memory_space<hbm>> -> memref<1x4x1024xf32, #tpu.memory_space<hbm>>
      %dma_start3A_266 = tpu.memref_squeeze %dma_start3A_265 : memref<1x4x1024xf32, #tpu.memory_space<hbm>> -> memref<4x1024xf32, #tpu.memory_space<hbm>>
      %dma_start3A_267 = arith.constant 0 : i32
      %dma_start3A_268 = tpu.memref_slice %arg4[%select_n3A_62, %mul3A_80, %dma_start3A_267] : memref<50x16x1024xf32, #tpu.memory_space<hbm>> -> memref<1x4x1024xf32, #tpu.memory_space<hbm>>
      %dma_start3A_269 = tpu.memref_squeeze %dma_start3A_268 : memref<1x4x1024xf32, #tpu.memory_space<hbm>> -> memref<4x1024xf32, #tpu.memory_space<hbm>>
      tpu.enqueue_dma source(%dma_start3A_269 : memref<4x1024xf32, #tpu.memory_space<hbm>>) target(%arg11 : memref<4x1024xf32, #tpu.memory_space<vmem>>) target_semaphore(%run_scoped3A : memref<!tpu.dma_semaphore, #tpu.memory_space<semaphore_mem>>)
      %dma_wait3A = arith.constant 0 : i32
      %dma_wait3A_270 = tpu.memref_slice %arg4[%select_n3A_62, %mul3A_80, %dma_wait3A] : memref<50x16x1024xf32, #tpu.memory_space<hbm>> -> memref<1x4x1024xf32, #tpu.memory_space<hbm>>
      %dma_wait3A_271 = tpu.memref_squeeze %dma_wait3A_270 : memref<1x4x1024xf32, #tpu.memory_space<hbm>> -> memref<4x1024xf32, #tpu.memory_space<hbm>>
      %dma_wait3A_272 = arith.constant 0 : i32
      %dma_wait3A_273 = tpu.memref_slice %arg4[%select_n3A_62, %mul3A_80, %dma_wait3A_272] : memref<50x16x1024xf32, #tpu.memory_space<hbm>> -> memref<1x4x1024xf32, #tpu.memory_space<hbm>>
      %dma_wait3A_274 = tpu.memref_squeeze %dma_wait3A_273 : memref<1x4x1024xf32, #tpu.memory_space<hbm>> -> memref<4x1024xf32, #tpu.memory_space<hbm>>
      tpu.wait_dma2 semaphore(%run_scoped3A : memref<!tpu.dma_semaphore, #tpu.memory_space<semaphore_mem>>) src(%dma_wait3A_274 : memref<4x1024xf32, #tpu.memory_space<hbm>>) dst(%arg11 : memref<4x1024xf32, #tpu.memory_space<vmem>>)
      tpu.yield
    }) : () -> ()
    "tpu.region"() ({
      %run_scoped3A = tpu.sem_alloc : memref<!tpu.dma_semaphore, #tpu.memory_space<semaphore_mem>>
      %dma_start3A = arith.constant 0 : i32
      %dma_start3A_265 = tpu.memref_slice %arg5[%select_n3A_62, %mul3A_80, %dma_start3A] : memref<50x848x1024xf32, #tpu.memory_space<hbm>> -> memref<1x4x1024xf32, #tpu.memory_space<hbm>>
      %dma_start3A_266 = tpu.memref_squeeze %dma_start3A_265 : memref<1x4x1024xf32, #tpu.memory_space<hbm>> -> memref<4x1024xf32, #tpu.memory_space<hbm>>
      %dma_start3A_267 = arith.constant 0 : i32
      %dma_start3A_268 = tpu.memref_slice %arg5[%select_n3A_62, %mul3A_80, %dma_start3A_267] : memref<50x848x1024xf32, #tpu.memory_space<hbm>> -> memref<1x4x1024xf32, #tpu.memory_space<hbm>>
      %dma_start3A_269 = tpu.memref_squeeze %dma_start3A_268 : memref<1x4x1024xf32, #tpu.memory_space<hbm>> -> memref<4x1024xf32, #tpu.memory_space<hbm>>
      tpu.enqueue_dma source(%arg11 : memref<4x1024xf32, #tpu.memory_space<vmem>>) target(%dma_start3A_269 : memref<4x1024xf32, #tpu.memory_space<hbm>>) target_semaphore(%run_scoped3A : memref<!tpu.dma_semaphore, #tpu.memory_space<semaphore_mem>>)
      %dma_wait3A = arith.constant 0 : i32
      %dma_wait3A_270 = tpu.memref_slice %arg5[%select_n3A_62, %mul3A_80, %dma_wait3A] : memref<50x848x1024xf32, #tpu.memory_space<hbm>> -> memref<1x4x1024xf32, #tpu.memory_space<hbm>>
      %dma_wait3A_271 = tpu.memref_squeeze %dma_wait3A_270 : memref<1x4x1024xf32, #tpu.memory_space<hbm>> -> memref<4x1024xf32, #tpu.memory_space<hbm>>
      %dma_wait3A_272 = arith.constant 0 : i32
      %dma_wait3A_273 = tpu.memref_slice %arg5[%select_n3A_62, %mul3A_80, %dma_wait3A_272] : memref<50x848x1024xf32, #tpu.memory_space<hbm>> -> memref<1x4x1024xf32, #tpu.memory_space<hbm>>
      %dma_wait3A_274 = tpu.memref_squeeze %dma_wait3A_273 : memref<1x4x1024xf32, #tpu.memory_space<hbm>> -> memref<4x1024xf32, #tpu.memory_space<hbm>>
      tpu.wait_dma2 semaphore(%run_scoped3A : memref<!tpu.dma_semaphore, #tpu.memory_space<semaphore_mem>>) src(%arg11 : memref<4x1024xf32, #tpu.memory_space<vmem>>) dst(%dma_wait3A_274 : memref<4x1024xf32, #tpu.memory_space<hbm>>)
      tpu.yield
    }) : () -> ()
    %add3A_81 = arith.constant 64 : i32
    %add3A_82 = arith.addi %add3A, %add3A_81 : i32
    %jit3A_83 = arith.constant 4 : i32
    %div3A_84 = arith.divsi %add3A_82, %jit3A_83 : i32
    %sign3A_85 = arith.constant 0 : i32
    %sign3A_86 = arith.cmpi sgt, %add3A_82, %sign3A_85 : i32
    %sign3A_87 = arith.extui %sign3A_86 : i1 to i32
    %sign3A_88 = arith.constant 0 : i32
    %sign3A_89 = arith.cmpi slt, %add3A_82, %sign3A_88 : i32
    %sign3A_90 = arith.extui %sign3A_89 : i1 to i32
    %sign3A_91 = arith.subi %sign3A_87, %sign3A_90 : i32
    %sign3A_92 = arith.constant 0 : i32
    %sign3A_93 = arith.cmpi sgt, %jit3A_83, %sign3A_92 : i32
    %sign3A_94 = arith.extui %sign3A_93 : i1 to i32
    %sign3A_95 = arith.constant 0 : i32
    %sign3A_96 = arith.cmpi slt, %jit3A_83, %sign3A_95 : i32
    %sign3A_97 = arith.extui %sign3A_96 : i1 to i32
    %sign3A_98 = arith.subi %sign3A_94, %sign3A_97 : i32
    %ne3A_99 = arith.cmpi ne, %sign3A_91, %sign3A_98 : i32
    %rem3A_100 = arith.remsi %add3A_82, %jit3A_83 : i32
    %ne3A_101 = arith.constant 0 : i32
    %ne3A_102 = arith.cmpi ne, %rem3A_100, %ne3A_101 : i32
    %and3A_103 = arith.andi %ne3A_99, %ne3A_102 : i1
    %sub3A_104 = arith.constant 1 : i32
    %sub3A_105 = arith.subi %div3A_84, %sub3A_104 : i32
    %select_n3A_106 = arith.select %and3A_103, %sub3A_105, %div3A_84 : i32
    %jit3A_107 = arith.constant 4 : i32
    %eq3A_108 = arith.constant 0 : i32
    %eq3A_109 = arith.cmpi eq, %jit3A_107, %eq3A_108 : i32
    %jit3A_110 = arith.constant 1 : i32
    %select_n3A_111 = arith.select %eq3A_109, %jit3A_110, %jit3A_107 : i32
    %rem3A_112 = arith.remsi %add3A_82, %select_n3A_111 : i32
    %ne3A_113 = arith.constant 0 : i32
    %ne3A_114 = arith.cmpi ne, %rem3A_112, %ne3A_113 : i32
    %lt3A_115 = arith.constant 0 : i32
    %lt3A_116 = arith.cmpi slt, %rem3A_112, %lt3A_115 : i32
    %lt3A_117 = arith.constant 0 : i32
    %lt3A_118 = arith.cmpi slt, %select_n3A_111, %lt3A_117 : i32
    %ne3A_119 = arith.xori %lt3A_116, %lt3A_118 : i1
    %and3A_120 = arith.andi %ne3A_119, %ne3A_114 : i1
    %add3A_121 = arith.addi %rem3A_112, %select_n3A_111 : i32
    %select_n3A_122 = arith.select %and3A_120, %add3A_121, %rem3A_112 : i32
    %mul3A_123 = arith.constant 4 : i32
    %mul3A_124 = arith.muli %select_n3A_122, %mul3A_123 : i32
    "tpu.region"() ({
      %run_scoped3A = tpu.sem_alloc : memref<!tpu.dma_semaphore, #tpu.memory_space<semaphore_mem>>
      %dma_start3A = arith.constant 0 : i32
      %dma_start3A_265 = tpu.memref_slice %arg4[%select_n3A_106, %mul3A_124, %dma_start3A] : memref<50x16x1024xf32, #tpu.memory_space<hbm>> -> memref<1x4x1024xf32, #tpu.memory_space<hbm>>
      %dma_start3A_266 = tpu.memref_squeeze %dma_start3A_265 : memref<1x4x1024xf32, #tpu.memory_space<hbm>> -> memref<4x1024xf32, #tpu.memory_space<hbm>>
      %dma_start3A_267 = arith.constant 0 : i32
      %dma_start3A_268 = tpu.memref_slice %arg4[%select_n3A_106, %mul3A_124, %dma_start3A_267] : memref<50x16x1024xf32, #tpu.memory_space<hbm>> -> memref<1x4x1024xf32, #tpu.memory_space<hbm>>
      %dma_start3A_269 = tpu.memref_squeeze %dma_start3A_268 : memref<1x4x1024xf32, #tpu.memory_space<hbm>> -> memref<4x1024xf32, #tpu.memory_space<hbm>>
      tpu.enqueue_dma source(%dma_start3A_269 : memref<4x1024xf32, #tpu.memory_space<hbm>>) target(%arg11 : memref<4x1024xf32, #tpu.memory_space<vmem>>) target_semaphore(%run_scoped3A : memref<!tpu.dma_semaphore, #tpu.memory_space<semaphore_mem>>)
      %dma_wait3A = arith.constant 0 : i32
      %dma_wait3A_270 = tpu.memref_slice %arg4[%select_n3A_106, %mul3A_124, %dma_wait3A] : memref<50x16x1024xf32, #tpu.memory_space<hbm>> -> memref<1x4x1024xf32, #tpu.memory_space<hbm>>
      %dma_wait3A_271 = tpu.memref_squeeze %dma_wait3A_270 : memref<1x4x1024xf32, #tpu.memory_space<hbm>> -> memref<4x1024xf32, #tpu.memory_space<hbm>>
      %dma_wait3A_272 = arith.constant 0 : i32
      %dma_wait3A_273 = tpu.memref_slice %arg4[%select_n3A_106, %mul3A_124, %dma_wait3A_272] : memref<50x16x1024xf32, #tpu.memory_space<hbm>> -> memref<1x4x1024xf32, #tpu.memory_space<hbm>>
      %dma_wait3A_274 = tpu.memref_squeeze %dma_wait3A_273 : memref<1x4x1024xf32, #tpu.memory_space<hbm>> -> memref<4x1024xf32, #tpu.memory_space<hbm>>
      tpu.wait_dma2 semaphore(%run_scoped3A : memref<!tpu.dma_semaphore, #tpu.memory_space<semaphore_mem>>) src(%dma_wait3A_274 : memref<4x1024xf32, #tpu.memory_space<hbm>>) dst(%arg11 : memref<4x1024xf32, #tpu.memory_space<vmem>>)
      tpu.yield
    }) : () -> ()
    "tpu.region"() ({
      %run_scoped3A = tpu.sem_alloc : memref<!tpu.dma_semaphore, #tpu.memory_space<semaphore_mem>>
      %dma_start3A = arith.constant 0 : i32
      %dma_start3A_265 = tpu.memref_slice %arg5[%select_n3A_106, %mul3A_124, %dma_start3A] : memref<50x848x1024xf32, #tpu.memory_space<hbm>> -> memref<1x4x1024xf32, #tpu.memory_space<hbm>>
      %dma_start3A_266 = tpu.memref_squeeze %dma_start3A_265 : memref<1x4x1024xf32, #tpu.memory_space<hbm>> -> memref<4x1024xf32, #tpu.memory_space<hbm>>
      %dma_start3A_267 = arith.constant 0 : i32
      %dma_start3A_268 = tpu.memref_slice %arg5[%select_n3A_106, %mul3A_124, %dma_start3A_267] : memref<50x848x1024xf32, #tpu.memory_space<hbm>> -> memref<1x4x1024xf32, #tpu.memory_space<hbm>>
      %dma_start3A_269 = tpu.memref_squeeze %dma_start3A_268 : memref<1x4x1024xf32, #tpu.memory_space<hbm>> -> memref<4x1024xf32, #tpu.memory_space<hbm>>
      tpu.enqueue_dma source(%arg11 : memref<4x1024xf32, #tpu.memory_space<vmem>>) target(%dma_start3A_269 : memref<4x1024xf32, #tpu.memory_space<hbm>>) target_semaphore(%run_scoped3A : memref<!tpu.dma_semaphore, #tpu.memory_space<semaphore_mem>>)
      %dma_wait3A = arith.constant 0 : i32
      %dma_wait3A_270 = tpu.memref_slice %arg5[%select_n3A_106, %mul3A_124, %dma_wait3A] : memref<50x848x1024xf32, #tpu.memory_space<hbm>> -> memref<1x4x1024xf32, #tpu.memory_space<hbm>>
      %dma_wait3A_271 = tpu.memref_squeeze %dma_wait3A_270 : memref<1x4x1024xf32, #tpu.memory_space<hbm>> -> memref<4x1024xf32, #tpu.memory_space<hbm>>
      %dma_wait3A_272 = arith.constant 0 : i32
      %dma_wait3A_273 = tpu.memref_slice %arg5[%select_n3A_106, %mul3A_124, %dma_wait3A_272] : memref<50x848x1024xf32, #tpu.memory_space<hbm>> -> memref<1x4x1024xf32, #tpu.memory_space<hbm>>
      %dma_wait3A_274 = tpu.memref_squeeze %dma_wait3A_273 : memref<1x4x1024xf32, #tpu.memory_space<hbm>> -> memref<4x1024xf32, #tpu.memory_space<hbm>>
      tpu.wait_dma2 semaphore(%run_scoped3A : memref<!tpu.dma_semaphore, #tpu.memory_space<semaphore_mem>>) src(%arg11 : memref<4x1024xf32, #tpu.memory_space<vmem>>) dst(%dma_wait3A_274 : memref<4x1024xf32, #tpu.memory_space<hbm>>)
      tpu.yield
    }) : () -> ()
    %add3A_125 = arith.constant 96 : i32
    %add3A_126 = arith.addi %add3A, %add3A_125 : i32
    %jit3A_127 = arith.constant 4 : i32
    %div3A_128 = arith.divsi %add3A_126, %jit3A_127 : i32
    %sign3A_129 = arith.constant 0 : i32
    %sign3A_130 = arith.cmpi sgt, %add3A_126, %sign3A_129 : i32
    %sign3A_131 = arith.extui %sign3A_130 : i1 to i32
    %sign3A_132 = arith.constant 0 : i32
    %sign3A_133 = arith.cmpi slt, %add3A_126, %sign3A_132 : i32
    %sign3A_134 = arith.extui %sign3A_133 : i1 to i32
    %sign3A_135 = arith.subi %sign3A_131, %sign3A_134 : i32
    %sign3A_136 = arith.constant 0 : i32
    %sign3A_137 = arith.cmpi sgt, %jit3A_127, %sign3A_136 : i32
    %sign3A_138 = arith.extui %sign3A_137 : i1 to i32
    %sign3A_139 = arith.constant 0 : i32
    %sign3A_140 = arith.cmpi slt, %jit3A_127, %sign3A_139 : i32
    %sign3A_141 = arith.extui %sign3A_140 : i1 to i32
    %sign3A_142 = arith.subi %sign3A_138, %sign3A_141 : i32
    %ne3A_143 = arith.cmpi ne, %sign3A_135, %sign3A_142 : i32
    %rem3A_144 = arith.remsi %add3A_126, %jit3A_127 : i32
    %ne3A_145 = arith.constant 0 : i32
    %ne3A_146 = arith.cmpi ne, %rem3A_144, %ne3A_145 : i32
    %and3A_147 = arith.andi %ne3A_143, %ne3A_146 : i1
    %sub3A_148 = arith.constant 1 : i32
    %sub3A_149 = arith.subi %div3A_128, %sub3A_148 : i32
    %select_n3A_150 = arith.select %and3A_147, %sub3A_149, %div3A_128 : i32
    %jit3A_151 = arith.constant 4 : i32
    %eq3A_152 = arith.constant 0 : i32
    %eq3A_153 = arith.cmpi eq, %jit3A_151, %eq3A_152 : i32
    %jit3A_154 = arith.constant 1 : i32
    %select_n3A_155 = arith.select %eq3A_153, %jit3A_154, %jit3A_151 : i32
    %rem3A_156 = arith.remsi %add3A_126, %select_n3A_155 : i32
    %ne3A_157 = arith.constant 0 : i32
    %ne3A_158 = arith.cmpi ne, %rem3A_156, %ne3A_157 : i32
    %lt3A_159 = arith.constant 0 : i32
    %lt3A_160 = arith.cmpi slt, %rem3A_156, %lt3A_159 : i32
    %lt3A_161 = arith.constant 0 : i32
    %lt3A_162 = arith.cmpi slt, %select_n3A_155, %lt3A_161 : i32
    %ne3A_163 = arith.xori %lt3A_160, %lt3A_162 : i1
    %and3A_164 = arith.andi %ne3A_163, %ne3A_158 : i1
    %add3A_165 = arith.addi %rem3A_156, %select_n3A_155 : i32
    %select_n3A_166 = arith.select %and3A_164, %add3A_165, %rem3A_156 : i32
    %mul3A_167 = arith.constant 4 : i32
    %mul3A_168 = arith.muli %select_n3A_166, %mul3A_167 : i32
    "tpu.region"() ({
      %run_scoped3A = tpu.sem_alloc : memref<!tpu.dma_semaphore, #tpu.memory_space<semaphore_mem>>
      %dma_start3A = arith.constant 0 : i32
      %dma_start3A_265 = tpu.memref_slice %arg4[%select_n3A_150, %mul3A_168, %dma_start3A] : memref<50x16x1024xf32, #tpu.memory_space<hbm>> -> memref<1x4x1024xf32, #tpu.memory_space<hbm>>
      %dma_start3A_266 = tpu.memref_squeeze %dma_start3A_265 : memref<1x4x1024xf32, #tpu.memory_space<hbm>> -> memref<4x1024xf32, #tpu.memory_space<hbm>>
      %dma_start3A_267 = arith.constant 0 : i32
      %dma_start3A_268 = tpu.memref_slice %arg4[%select_n3A_150, %mul3A_168, %dma_start3A_267] : memref<50x16x1024xf32, #tpu.memory_space<hbm>> -> memref<1x4x1024xf32, #tpu.memory_space<hbm>>
      %dma_start3A_269 = tpu.memref_squeeze %dma_start3A_268 : memref<1x4x1024xf32, #tpu.memory_space<hbm>> -> memref<4x1024xf32, #tpu.memory_space<hbm>>
      tpu.enqueue_dma source(%dma_start3A_269 : memref<4x1024xf32, #tpu.memory_space<hbm>>) target(%arg11 : memref<4x1024xf32, #tpu.memory_space<vmem>>) target_semaphore(%run_scoped3A : memref<!tpu.dma_semaphore, #tpu.memory_space<semaphore_mem>>)
      %dma_wait3A = arith.constant 0 : i32
      %dma_wait3A_270 = tpu.memref_slice %arg4[%select_n3A_150, %mul3A_168, %dma_wait3A] : memref<50x16x1024xf32, #tpu.memory_space<hbm>> -> memref<1x4x1024xf32, #tpu.memory_space<hbm>>
      %dma_wait3A_271 = tpu.memref_squeeze %dma_wait3A_270 : memref<1x4x1024xf32, #tpu.memory_space<hbm>> -> memref<4x1024xf32, #tpu.memory_space<hbm>>
      %dma_wait3A_272 = arith.constant 0 : i32
      %dma_wait3A_273 = tpu.memref_slice %arg4[%select_n3A_150, %mul3A_168, %dma_wait3A_272] : memref<50x16x1024xf32, #tpu.memory_space<hbm>> -> memref<1x4x1024xf32, #tpu.memory_space<hbm>>
      %dma_wait3A_274 = tpu.memref_squeeze %dma_wait3A_273 : memref<1x4x1024xf32, #tpu.memory_space<hbm>> -> memref<4x1024xf32, #tpu.memory_space<hbm>>
      tpu.wait_dma2 semaphore(%run_scoped3A : memref<!tpu.dma_semaphore, #tpu.memory_space<semaphore_mem>>) src(%dma_wait3A_274 : memref<4x1024xf32, #tpu.memory_space<hbm>>) dst(%arg11 : memref<4x1024xf32, #tpu.memory_space<vmem>>)
      tpu.yield
    }) : () -> ()
    "tpu.region"() ({
      %run_scoped3A = tpu.sem_alloc : memref<!tpu.dma_semaphore, #tpu.memory_space<semaphore_mem>>
      %dma_start3A = arith.constant 0 : i32
      %dma_start3A_265 = tpu.memref_slice %arg5[%select_n3A_150, %mul3A_168, %dma_start3A] : memref<50x848x1024xf32, #tpu.memory_space<hbm>> -> memref<1x4x1024xf32, #tpu.memory_space<hbm>>
      %dma_start3A_266 = tpu.memref_squeeze %dma_start3A_265 : memref<1x4x1024xf32, #tpu.memory_space<hbm>> -> memref<4x1024xf32, #tpu.memory_space<hbm>>
      %dma_start3A_267 = arith.constant 0 : i32
      %dma_start3A_268 = tpu.memref_slice %arg5[%select_n3A_150, %mul3A_168, %dma_start3A_267] : memref<50x848x1024xf32, #tpu.memory_space<hbm>> -> memref<1x4x1024xf32, #tpu.memory_space<hbm>>
      %dma_start3A_269 = tpu.memref_squeeze %dma_start3A_268 : memref<1x4x1024xf32, #tpu.memory_space<hbm>> -> memref<4x1024xf32, #tpu.memory_space<hbm>>
      tpu.enqueue_dma source(%arg11 : memref<4x1024xf32, #tpu.memory_space<vmem>>) target(%dma_start3A_269 : memref<4x1024xf32, #tpu.memory_space<hbm>>) target_semaphore(%run_scoped3A : memref<!tpu.dma_semaphore, #tpu.memory_space<semaphore_mem>>)
      %dma_wait3A = arith.constant 0 : i32
      %dma_wait3A_270 = tpu.memref_slice %arg5[%select_n3A_150, %mul3A_168, %dma_wait3A] : memref<50x848x1024xf32, #tpu.memory_space<hbm>> -> memref<1x4x1024xf32, #tpu.memory_space<hbm>>
      %dma_wait3A_271 = tpu.memref_squeeze %dma_wait3A_270 : memref<1x4x1024xf32, #tpu.memory_space<hbm>> -> memref<4x1024xf32, #tpu.memory_space<hbm>>
      %dma_wait3A_272 = arith.constant 0 : i32
      %dma_wait3A_273 = tpu.memref_slice %arg5[%select_n3A_150, %mul3A_168, %dma_wait3A_272] : memref<50x848x1024xf32, #tpu.memory_space<hbm>> -> memref<1x4x1024xf32, #tpu.memory_space<hbm>>
      %dma_wait3A_274 = tpu.memref_squeeze %dma_wait3A_273 : memref<1x4x1024xf32, #tpu.memory_space<hbm>> -> memref<4x1024xf32, #tpu.memory_space<hbm>>
      tpu.wait_dma2 semaphore(%run_scoped3A : memref<!tpu.dma_semaphore, #tpu.memory_space<semaphore_mem>>) src(%arg11 : memref<4x1024xf32, #tpu.memory_space<vmem>>) dst(%dma_wait3A_274 : memref<4x1024xf32, #tpu.memory_space<hbm>>)
      tpu.yield
    }) : () -> ()
    %add3A_169 = arith.constant 128 : i32
    %add3A_170 = arith.addi %add3A, %add3A_169 : i32
    %jit3A_171 = arith.constant 4 : i32
    %div3A_172 = arith.divsi %add3A_170, %jit3A_171 : i32
    %sign3A_173 = arith.constant 0 : i32
    %sign3A_174 = arith.cmpi sgt, %add3A_170, %sign3A_173 : i32
    %sign3A_175 = arith.extui %sign3A_174 : i1 to i32
    %sign3A_176 = arith.constant 0 : i32
    %sign3A_177 = arith.cmpi slt, %add3A_170, %sign3A_176 : i32
    %sign3A_178 = arith.extui %sign3A_177 : i1 to i32
    %sign3A_179 = arith.subi %sign3A_175, %sign3A_178 : i32
    %sign3A_180 = arith.constant 0 : i32
    %sign3A_181 = arith.cmpi sgt, %jit3A_171, %sign3A_180 : i32
    %sign3A_182 = arith.extui %sign3A_181 : i1 to i32
    %sign3A_183 = arith.constant 0 : i32
    %sign3A_184 = arith.cmpi slt, %jit3A_171, %sign3A_183 : i32
    %sign3A_185 = arith.extui %sign3A_184 : i1 to i32
    %sign3A_186 = arith.subi %sign3A_182, %sign3A_185 : i32
    %ne3A_187 = arith.cmpi ne, %sign3A_179, %sign3A_186 : i32
    %rem3A_188 = arith.remsi %add3A_170, %jit3A_171 : i32
    %ne3A_189 = arith.constant 0 : i32
    %ne3A_190 = arith.cmpi ne, %rem3A_188, %ne3A_189 : i32
    %and3A_191 = arith.andi %ne3A_187, %ne3A_190 : i1
    %sub3A_192 = arith.constant 1 : i32
    %sub3A_193 = arith.subi %div3A_172, %sub3A_192 : i32
    %select_n3A_194 = arith.select %and3A_191, %sub3A_193, %div3A_172 : i32
    %jit3A_195 = arith.constant 4 : i32
    %eq3A_196 = arith.constant 0 : i32
    %eq3A_197 = arith.cmpi eq, %jit3A_195, %eq3A_196 : i32
    %jit3A_198 = arith.constant 1 : i32
    %select_n3A_199 = arith.select %eq3A_197, %jit3A_198, %jit3A_195 : i32
    %rem3A_200 = arith.remsi %add3A_170, %select_n3A_199 : i32
    %ne3A_201 = arith.constant 0 : i32
    %ne3A_202 = arith.cmpi ne, %rem3A_200, %ne3A_201 : i32
    %lt3A_203 = arith.constant 0 : i32
    %lt3A_204 = arith.cmpi slt, %rem3A_200, %lt3A_203 : i32
    %lt3A_205 = arith.constant 0 : i32
    %lt3A_206 = arith.cmpi slt, %select_n3A_199, %lt3A_205 : i32
    %ne3A_207 = arith.xori %lt3A_204, %lt3A_206 : i1
    %and3A_208 = arith.andi %ne3A_207, %ne3A_202 : i1
    %add3A_209 = arith.addi %rem3A_200, %select_n3A_199 : i32
    %select_n3A_210 = arith.select %and3A_208, %add3A_209, %rem3A_200 : i32
    %mul3A_211 = arith.constant 4 : i32
    %mul3A_212 = arith.muli %select_n3A_210, %mul3A_211 : i32
    "tpu.region"() ({
      %run_scoped3A = tpu.sem_alloc : memref<!tpu.dma_semaphore, #tpu.memory_space<semaphore_mem>>
      %dma_start3A = arith.constant 0 : i32
      %dma_start3A_265 = tpu.memref_slice %arg4[%select_n3A_194, %mul3A_212, %dma_start3A] : memref<50x16x1024xf32, #tpu.memory_space<hbm>> -> memref<1x4x1024xf32, #tpu.memory_space<hbm>>
      %dma_start3A_266 = tpu.memref_squeeze %dma_start3A_265 : memref<1x4x1024xf32, #tpu.memory_space<hbm>> -> memref<4x1024xf32, #tpu.memory_space<hbm>>
      %dma_start3A_267 = arith.constant 0 : i32
      %dma_start3A_268 = tpu.memref_slice %arg4[%select_n3A_194, %mul3A_212, %dma_start3A_267] : memref<50x16x1024xf32, #tpu.memory_space<hbm>> -> memref<1x4x1024xf32, #tpu.memory_space<hbm>>
      %dma_start3A_269 = tpu.memref_squeeze %dma_start3A_268 : memref<1x4x1024xf32, #tpu.memory_space<hbm>> -> memref<4x1024xf32, #tpu.memory_space<hbm>>
      tpu.enqueue_dma source(%dma_start3A_269 : memref<4x1024xf32, #tpu.memory_space<hbm>>) target(%arg11 : memref<4x1024xf32, #tpu.memory_space<vmem>>) target_semaphore(%run_scoped3A : memref<!tpu.dma_semaphore, #tpu.memory_space<semaphore_mem>>)
      %dma_wait3A = arith.constant 0 : i32
      %dma_wait3A_270 = tpu.memref_slice %arg4[%select_n3A_194, %mul3A_212, %dma_wait3A] : memref<50x16x1024xf32, #tpu.memory_space<hbm>> -> memref<1x4x1024xf32, #tpu.memory_space<hbm>>
      %dma_wait3A_271 = tpu.memref_squeeze %dma_wait3A_270 : memref<1x4x1024xf32, #tpu.memory_space<hbm>> -> memref<4x1024xf32, #tpu.memory_space<hbm>>
      %dma_wait3A_272 = arith.constant 0 : i32
      %dma_wait3A_273 = tpu.memref_slice %arg4[%select_n3A_194, %mul3A_212, %dma_wait3A_272] : memref<50x16x1024xf32, #tpu.memory_space<hbm>> -> memref<1x4x1024xf32, #tpu.memory_space<hbm>>
      %dma_wait3A_274 = tpu.memref_squeeze %dma_wait3A_273 : memref<1x4x1024xf32, #tpu.memory_space<hbm>> -> memref<4x1024xf32, #tpu.memory_space<hbm>>
      tpu.wait_dma2 semaphore(%run_scoped3A : memref<!tpu.dma_semaphore, #tpu.memory_space<semaphore_mem>>) src(%dma_wait3A_274 : memref<4x1024xf32, #tpu.memory_space<hbm>>) dst(%arg11 : memref<4x1024xf32, #tpu.memory_space<vmem>>)
      tpu.yield
    }) : () -> ()
    "tpu.region"() ({
      %run_scoped3A = tpu.sem_alloc : memref<!tpu.dma_semaphore, #tpu.memory_space<semaphore_mem>>
      %dma_start3A = arith.constant 0 : i32
      %dma_start3A_265 = tpu.memref_slice %arg5[%select_n3A_194, %mul3A_212, %dma_start3A] : memref<50x848x1024xf32, #tpu.memory_space<hbm>> -> memref<1x4x1024xf32, #tpu.memory_space<hbm>>
      %dma_start3A_266 = tpu.memref_squeeze %dma_start3A_265 : memref<1x4x1024xf32, #tpu.memory_space<hbm>> -> memref<4x1024xf32, #tpu.memory_space<hbm>>
      %dma_start3A_267 = arith.constant 0 : i32
      %dma_start3A_268 = tpu.memref_slice %arg5[%select_n3A_194, %mul3A_212, %dma_start3A_267] : memref<50x848x1024xf32, #tpu.memory_space<hbm>> -> memref<1x4x1024xf32, #tpu.memory_space<hbm>>
      %dma_start3A_269 = tpu.memref_squeeze %dma_start3A_268 : memref<1x4x1024xf32, #tpu.memory_space<hbm>> -> memref<4x1024xf32, #tpu.memory_space<hbm>>
      tpu.enqueue_dma source(%arg11 : memref<4x1024xf32, #tpu.memory_space<vmem>>) target(%dma_start3A_269 : memref<4x1024xf32, #tpu.memory_space<hbm>>) target_semaphore(%run_scoped3A : memref<!tpu.dma_semaphore, #tpu.memory_space<semaphore_mem>>)
      %dma_wait3A = arith.constant 0 : i32
      %dma_wait3A_270 = tpu.memref_slice %arg5[%select_n3A_194, %mul3A_212, %dma_wait3A] : memref<50x848x1024xf32, #tpu.memory_space<hbm>> -> memref<1x4x1024xf32, #tpu.memory_space<hbm>>
      %dma_wait3A_271 = tpu.memref_squeeze %dma_wait3A_270 : memref<1x4x1024xf32, #tpu.memory_space<hbm>> -> memref<4x1024xf32, #tpu.memory_space<hbm>>
      %dma_wait3A_272 = arith.constant 0 : i32
      %dma_wait3A_273 = tpu.memref_slice %arg5[%select_n3A_194, %mul3A_212, %dma_wait3A_272] : memref<50x848x1024xf32, #tpu.memory_space<hbm>> -> memref<1x4x1024xf32, #tpu.memory_space<hbm>>
      %dma_wait3A_274 = tpu.memref_squeeze %dma_wait3A_273 : memref<1x4x1024xf32, #tpu.memory_space<hbm>> -> memref<4x1024xf32, #tpu.memory_space<hbm>>
      tpu.wait_dma2 semaphore(%run_scoped3A : memref<!tpu.dma_semaphore, #tpu.memory_space<semaphore_mem>>) src(%arg11 : memref<4x1024xf32, #tpu.memory_space<vmem>>) dst(%dma_wait3A_274 : memref<4x1024xf32, #tpu.memory_space<hbm>>)
      tpu.yield
    }) : () -> ()
    %add3A_213 = arith.constant 160 : i32
    %add3A_214 = arith.addi %add3A, %add3A_213 : i32
    %jit3A_215 = arith.constant 4 : i32
    %div3A_216 = arith.divsi %add3A_214, %jit3A_215 : i32
    %sign3A_217 = arith.constant 0 : i32
    %sign3A_218 = arith.cmpi sgt, %add3A_214, %sign3A_217 : i32
    %sign3A_219 = arith.extui %sign3A_218 : i1 to i32
    %sign3A_220 = arith.constant 0 : i32
    %sign3A_221 = arith.cmpi slt, %add3A_214, %sign3A_220 : i32
    %sign3A_222 = arith.extui %sign3A_221 : i1 to i32
    %sign3A_223 = arith.subi %sign3A_219, %sign3A_222 : i32
    %sign3A_224 = arith.constant 0 : i32
    %sign3A_225 = arith.cmpi sgt, %jit3A_215, %sign3A_224 : i32
    %sign3A_226 = arith.extui %sign3A_225 : i1 to i32
    %sign3A_227 = arith.constant 0 : i32
    %sign3A_228 = arith.cmpi slt, %jit3A_215, %sign3A_227 : i32
    %sign3A_229 = arith.extui %sign3A_228 : i1 to i32
    %sign3A_230 = arith.subi %sign3A_226, %sign3A_229 : i32
    %ne3A_231 = arith.cmpi ne, %sign3A_223, %sign3A_230 : i32
    %rem3A_232 = arith.remsi %add3A_214, %jit3A_215 : i32
    %ne3A_233 = arith.constant 0 : i32
    %ne3A_234 = arith.cmpi ne, %rem3A_232, %ne3A_233 : i32
    %and3A_235 = arith.andi %ne3A_231, %ne3A_234 : i1
    %sub3A_236 = arith.constant 1 : i32
    %sub3A_237 = arith.subi %div3A_216, %sub3A_236 : i32
    %select_n3A_238 = arith.select %and3A_235, %sub3A_237, %div3A_216 : i32
    %jit3A_239 = arith.constant 4 : i32
    %eq3A_240 = arith.constant 0 : i32
    %eq3A_241 = arith.cmpi eq, %jit3A_239, %eq3A_240 : i32
    %jit3A_242 = arith.constant 1 : i32
    %select_n3A_243 = arith.select %eq3A_241, %jit3A_242, %jit3A_239 : i32
    %rem3A_244 = arith.remsi %add3A_214, %select_n3A_243 : i32
    %ne3A_245 = arith.constant 0 : i32
    %ne3A_246 = arith.cmpi ne, %rem3A_244, %ne3A_245 : i32
    %lt3A_247 = arith.constant 0 : i32
    %lt3A_248 = arith.cmpi slt, %rem3A_244, %lt3A_247 : i32
    %lt3A_249 = arith.constant 0 : i32
    %lt3A_250 = arith.cmpi slt, %select_n3A_243, %lt3A_249 : i32
    %ne3A_251 = arith.xori %lt3A_248, %lt3A_250 : i1
    %and3A_252 = arith.andi %ne3A_251, %ne3A_246 : i1
    %add3A_253 = arith.addi %rem3A_244, %select_n3A_243 : i32
    %select_n3A_254 = arith.select %and3A_252, %add3A_253, %rem3A_244 : i32
    %mul3A_255 = arith.constant 4 : i32
    %mul3A_256 = arith.muli %select_n3A_254, %mul3A_255 : i32
    "tpu.region"() ({
      %run_scoped3A = tpu.sem_alloc : memref<!tpu.dma_semaphore, #tpu.memory_space<semaphore_mem>>
      %dma_start3A = arith.constant 0 : i32
      %dma_start3A_265 = tpu.memref_slice %arg4[%select_n3A_238, %mul3A_256, %dma_start3A] : memref<50x16x1024xf32, #tpu.memory_space<hbm>> -> memref<1x4x1024xf32, #tpu.memory_space<hbm>>
      %dma_start3A_266 = tpu.memref_squeeze %dma_start3A_265 : memref<1x4x1024xf32, #tpu.memory_space<hbm>> -> memref<4x1024xf32, #tpu.memory_space<hbm>>
      %dma_start3A_267 = arith.constant 0 : i32
      %dma_start3A_268 = tpu.memref_slice %arg4[%select_n3A_238, %mul3A_256, %dma_start3A_267] : memref<50x16x1024xf32, #tpu.memory_space<hbm>> -> memref<1x4x1024xf32, #tpu.memory_space<hbm>>
      %dma_start3A_269 = tpu.memref_squeeze %dma_start3A_268 : memref<1x4x1024xf32, #tpu.memory_space<hbm>> -> memref<4x1024xf32, #tpu.memory_space<hbm>>
      tpu.enqueue_dma source(%dma_start3A_269 : memref<4x1024xf32, #tpu.memory_space<hbm>>) target(%arg11 : memref<4x1024xf32, #tpu.memory_space<vmem>>) target_semaphore(%run_scoped3A : memref<!tpu.dma_semaphore, #tpu.memory_space<semaphore_mem>>)
      %dma_wait3A = arith.constant 0 : i32
      %dma_wait3A_270 = tpu.memref_slice %arg4[%select_n3A_238, %mul3A_256, %dma_wait3A] : memref<50x16x1024xf32, #tpu.memory_space<hbm>> -> memref<1x4x1024xf32, #tpu.memory_space<hbm>>
      %dma_wait3A_271 = tpu.memref_squeeze %dma_wait3A_270 : memref<1x4x1024xf32, #tpu.memory_space<hbm>> -> memref<4x1024xf32, #tpu.memory_space<hbm>>
      %dma_wait3A_272 = arith.constant 0 : i32
      %dma_wait3A_273 = tpu.memref_slice %arg4[%select_n3A_238, %mul3A_256, %dma_wait3A_272] : memref<50x16x1024xf32, #tpu.memory_space<hbm>> -> memref<1x4x1024xf32, #tpu.memory_space<hbm>>
      %dma_wait3A_274 = tpu.memref_squeeze %dma_wait3A_273 : memref<1x4x1024xf32, #tpu.memory_space<hbm>> -> memref<4x1024xf32, #tpu.memory_space<hbm>>
      tpu.wait_dma2 semaphore(%run_scoped3A : memref<!tpu.dma_semaphore, #tpu.memory_space<semaphore_mem>>) src(%dma_wait3A_274 : memref<4x1024xf32, #tpu.memory_space<hbm>>) dst(%arg11 : memref<4x1024xf32, #tpu.memory_space<vmem>>)
      tpu.yield
    }) : () -> ()
    "tpu.region"() ({
      %run_scoped3A = tpu.sem_alloc : memref<!tpu.dma_semaphore, #tpu.memory_space<semaphore_mem>>
      %dma_start3A = arith.constant 0 : i32
      %dma_start3A_265 = tpu.memref_slice %arg5[%select_n3A_238, %mul3A_256, %dma_start3A] : memref<50x848x1024xf32, #tpu.memory_space<hbm>> -> memref<1x4x1024xf32, #tpu.memory_space<hbm>>
      %dma_start3A_266 = tpu.memref_squeeze %dma_start3A_265 : memref<1x4x1024xf32, #tpu.memory_space<hbm>> -> memref<4x1024xf32, #tpu.memory_space<hbm>>
      %dma_start3A_267 = arith.constant 0 : i32
      %dma_start3A_268 = tpu.memref_slice %arg5[%select_n3A_238, %mul3A_256, %dma_start3A_267] : memref<50x848x1024xf32, #tpu.memory_space<hbm>> -> memref<1x4x1024xf32, #tpu.memory_space<hbm>>
      %dma_start3A_269 = tpu.memref_squeeze %dma_start3A_268 : memref<1x4x1024xf32, #tpu.memory_space<hbm>> -> memref<4x1024xf32, #tpu.memory_space<hbm>>
      tpu.enqueue_dma source(%arg11 : memref<4x1024xf32, #tpu.memory_space<vmem>>) target(%dma_start3A_269 : memref<4x1024xf32, #tpu.memory_space<hbm>>) target_semaphore(%run_scoped3A : memref<!tpu.dma_semaphore, #tpu.memory_space<semaphore_mem>>)
      %dma_wait3A = arith.constant 0 : i32
      %dma_wait3A_270 = tpu.memref_slice %arg5[%select_n3A_238, %mul3A_256, %dma_wait3A] : memref<50x848x1024xf32, #tpu.memory_space<hbm>> -> memref<1x4x1024xf32, #tpu.memory_space<hbm>>
      %dma_wait3A_271 = tpu.memref_squeeze %dma_wait3A_270 : memref<1x4x1024xf32, #tpu.memory_space<hbm>> -> memref<4x1024xf32, #tpu.memory_space<hbm>>
      %dma_wait3A_272 = arith.constant 0 : i32
      %dma_wait3A_273 = tpu.memref_slice %arg5[%select_n3A_238, %mul3A_256, %dma_wait3A_272] : memref<50x848x1024xf32, #tpu.memory_space<hbm>> -> memref<1x4x1024xf32, #tpu.memory_space<hbm>>
      %dma_wait3A_274 = tpu.memref_squeeze %dma_wait3A_273 : memref<1x4x1024xf32, #tpu.memory_space<hbm>> -> memref<4x1024xf32, #tpu.memory_space<hbm>>
      tpu.wait_dma2 semaphore(%run_scoped3A : memref<!tpu.dma_semaphore, #tpu.memory_space<semaphore_mem>>) src(%arg11 : memref<4x1024xf32, #tpu.memory_space<vmem>>) dst(%dma_wait3A_274 : memref<4x1024xf32, #tpu.memory_space<hbm>>)
      tpu.yield
    }) : () -> ()
    %lt3A_257 = arith.constant 8 : i32
    %lt3A_258 = arith.cmpi slt, %add3A, %lt3A_257 : i32
    %convert_element_type3A = arith.extui %lt3A_258 : i1 to i32
    %cond3A = arith.constant 0 : i32
    %cond3A_259 = arith.cmpi ne, %convert_element_type3A, %cond3A : i32
    scf.if %cond3A_259 {
      %add3A_265 = arith.constant 192 : i32
      %add3A_266 = arith.addi %add3A, %add3A_265 : i32
      %jit3A_267 = arith.constant 4 : i32
      %div3A_268 = arith.divsi %add3A_266, %jit3A_267 : i32
      %sign3A_269 = arith.constant 0 : i32
      %sign3A_270 = arith.cmpi sgt, %add3A_266, %sign3A_269 : i32
      %sign3A_271 = arith.extui %sign3A_270 : i1 to i32
      %sign3A_272 = arith.constant 0 : i32
      %sign3A_273 = arith.cmpi slt, %add3A_266, %sign3A_272 : i32
      %sign3A_274 = arith.extui %sign3A_273 : i1 to i32
      %sign3A_275 = arith.subi %sign3A_271, %sign3A_274 : i32
      %sign3A_276 = arith.constant 0 : i32
      %sign3A_277 = arith.cmpi sgt, %jit3A_267, %sign3A_276 : i32
      %sign3A_278 = arith.extui %sign3A_277 : i1 to i32
      %sign3A_279 = arith.constant 0 : i32
      %sign3A_280 = arith.cmpi slt, %jit3A_267, %sign3A_279 : i32
      %sign3A_281 = arith.extui %sign3A_280 : i1 to i32
      %sign3A_282 = arith.subi %sign3A_278, %sign3A_281 : i32
      %ne3A_283 = arith.cmpi ne, %sign3A_275, %sign3A_282 : i32
      %rem3A_284 = arith.remsi %add3A_266, %jit3A_267 : i32
      %ne3A_285 = arith.constant 0 : i32
      %ne3A_286 = arith.cmpi ne, %rem3A_284, %ne3A_285 : i32
      %and3A_287 = arith.andi %ne3A_283, %ne3A_286 : i1
      %sub3A_288 = arith.constant 1 : i32
      %sub3A_289 = arith.subi %div3A_268, %sub3A_288 : i32
      %select_n3A_290 = arith.select %and3A_287, %sub3A_289, %div3A_268 : i32
      %jit3A_291 = arith.constant 4 : i32
      %eq3A_292 = arith.constant 0 : i32
      %eq3A_293 = arith.cmpi eq, %jit3A_291, %eq3A_292 : i32
      %jit3A_294 = arith.constant 1 : i32
      %select_n3A_295 = arith.select %eq3A_293, %jit3A_294, %jit3A_291 : i32
      %rem3A_296 = arith.remsi %add3A_266, %select_n3A_295 : i32
      %ne3A_297 = arith.constant 0 : i32
      %ne3A_298 = arith.cmpi ne, %rem3A_296, %ne3A_297 : i32
      %lt3A_299 = arith.constant 0 : i32
      %lt3A_300 = arith.cmpi slt, %rem3A_296, %lt3A_299 : i32
      %lt3A_301 = arith.constant 0 : i32
      %lt3A_302 = arith.cmpi slt, %select_n3A_295, %lt3A_301 : i32
      %ne3A_303 = arith.xori %lt3A_300, %lt3A_302 : i1
      %and3A_304 = arith.andi %ne3A_303, %ne3A_298 : i1
      %add3A_305 = arith.addi %rem3A_296, %select_n3A_295 : i32
      %select_n3A_306 = arith.select %and3A_304, %add3A_305, %rem3A_296 : i32
      %mul3A_307 = arith.constant 4 : i32
      %mul3A_308 = arith.muli %select_n3A_306, %mul3A_307 : i32
      "tpu.region"() ({
        %run_scoped3A = tpu.sem_alloc : memref<!tpu.dma_semaphore, #tpu.memory_space<semaphore_mem>>
        %dma_start3A = arith.constant 0 : i32
        %dma_start3A_309 = tpu.memref_slice %arg4[%select_n3A_290, %mul3A_308, %dma_start3A] : memref<50x16x1024xf32, #tpu.memory_space<hbm>> -> memref<1x4x1024xf32, #tpu.memory_space<hbm>>
        %dma_start3A_310 = tpu.memref_squeeze %dma_start3A_309 : memref<1x4x1024xf32, #tpu.memory_space<hbm>> -> memref<4x1024xf32, #tpu.memory_space<hbm>>
        %dma_start3A_311 = arith.constant 0 : i32
        %dma_start3A_312 = tpu.memref_slice %arg4[%select_n3A_290, %mul3A_308, %dma_start3A_311] : memref<50x16x1024xf32, #tpu.memory_space<hbm>> -> memref<1x4x1024xf32, #tpu.memory_space<hbm>>
        %dma_start3A_313 = tpu.memref_squeeze %dma_start3A_312 : memref<1x4x1024xf32, #tpu.memory_space<hbm>> -> memref<4x1024xf32, #tpu.memory_space<hbm>>
        tpu.enqueue_dma source(%dma_start3A_313 : memref<4x1024xf32, #tpu.memory_space<hbm>>) target(%arg11 : memref<4x1024xf32, #tpu.memory_space<vmem>>) target_semaphore(%run_scoped3A : memref<!tpu.dma_semaphore, #tpu.memory_space<semaphore_mem>>)
        %dma_wait3A = arith.constant 0 : i32
        %dma_wait3A_314 = tpu.memref_slice %arg4[%select_n3A_290, %mul3A_308, %dma_wait3A] : memref<50x16x1024xf32, #tpu.memory_space<hbm>> -> memref<1x4x1024xf32, #tpu.memory_space<hbm>>
        %dma_wait3A_315 = tpu.memref_squeeze %dma_wait3A_314 : memref<1x4x1024xf32, #tpu.memory_space<hbm>> -> memref<4x1024xf32, #tpu.memory_space<hbm>>
        %dma_wait3A_316 = arith.constant 0 : i32
        %dma_wait3A_317 = tpu.memref_slice %arg4[%select_n3A_290, %mul3A_308, %dma_wait3A_316] : memref<50x16x1024xf32, #tpu.memory_space<hbm>> -> memref<1x4x1024xf32, #tpu.memory_space<hbm>>
        %dma_wait3A_318 = tpu.memref_squeeze %dma_wait3A_317 : memref<1x4x1024xf32, #tpu.memory_space<hbm>> -> memref<4x1024xf32, #tpu.memory_space<hbm>>
        tpu.wait_dma2 semaphore(%run_scoped3A : memref<!tpu.dma_semaphore, #tpu.memory_space<semaphore_mem>>) src(%dma_wait3A_318 : memref<4x1024xf32, #tpu.memory_space<hbm>>) dst(%arg11 : memref<4x1024xf32, #tpu.memory_space<vmem>>)
        tpu.yield
      }) : () -> ()
      "tpu.region"() ({
        %run_scoped3A = tpu.sem_alloc : memref<!tpu.dma_semaphore, #tpu.memory_space<semaphore_mem>>
        %dma_start3A = arith.constant 0 : i32
        %dma_start3A_309 = tpu.memref_slice %arg5[%select_n3A_290, %mul3A_308, %dma_start3A] : memref<50x848x1024xf32, #tpu.memory_space<hbm>> -> memref<1x4x1024xf32, #tpu.memory_space<hbm>>
        %dma_start3A_310 = tpu.memref_squeeze %dma_start3A_309 : memref<1x4x1024xf32, #tpu.memory_space<hbm>> -> memref<4x1024xf32, #tpu.memory_space<hbm>>
        %dma_start3A_311 = arith.constant 0 : i32
        %dma_start3A_312 = tpu.memref_slice %arg5[%select_n3A_290, %mul3A_308, %dma_start3A_311] : memref<50x848x1024xf32, #tpu.memory_space<hbm>> -> memref<1x4x1024xf32, #tpu.memory_space<hbm>>
        %dma_start3A_313 = tpu.memref_squeeze %dma_start3A_312 : memref<1x4x1024xf32, #tpu.memory_space<hbm>> -> memref<4x1024xf32, #tpu.memory_space<hbm>>
        tpu.enqueue_dma source(%arg11 : memref<4x1024xf32, #tpu.memory_space<vmem>>) target(%dma_start3A_313 : memref<4x1024xf32, #tpu.memory_space<hbm>>) target_semaphore(%run_scoped3A : memref<!tpu.dma_semaphore, #tpu.memory_space<semaphore_mem>>)
        %dma_wait3A = arith.constant 0 : i32
        %dma_wait3A_314 = tpu.memref_slice %arg5[%select_n3A_290, %mul3A_308, %dma_wait3A] : memref<50x848x1024xf32, #tpu.memory_space<hbm>> -> memref<1x4x1024xf32, #tpu.memory_space<hbm>>
        %dma_wait3A_315 = tpu.memref_squeeze %dma_wait3A_314 : memref<1x4x1024xf32, #tpu.memory_space<hbm>> -> memref<4x1024xf32, #tpu.memory_space<hbm>>
        %dma_wait3A_316 = arith.constant 0 : i32
        %dma_wait3A_317 = tpu.memref_slice %arg5[%select_n3A_290, %mul3A_308, %dma_wait3A_316] : memref<50x848x1024xf32, #tpu.memory_space<hbm>> -> memref<1x4x1024xf32, #tpu.memory_space<hbm>>
        %dma_wait3A_318 = tpu.memref_squeeze %dma_wait3A_317 : memref<1x4x1024xf32, #tpu.memory_space<hbm>> -> memref<4x1024xf32, #tpu.memory_space<hbm>>
        tpu.wait_dma2 semaphore(%run_scoped3A : memref<!tpu.dma_semaphore, #tpu.memory_space<semaphore_mem>>) src(%arg11 : memref<4x1024xf32, #tpu.memory_space<vmem>>) dst(%dma_wait3A_318 : memref<4x1024xf32, #tpu.memory_space<hbm>>)
        tpu.yield
      }) : () -> ()
    } else {
    }
    %scan3A = arith.constant 0 : i32
    %scan3A_260 = arith.constant 0 : i32
    %scan3A_261 = arith.constant 26 : i32
    %scan3A_262 = arith.addi %scan3A_260, %scan3A_261 : i32
    %scan3A_263 = arith.constant 1 : i32
    scf.for %scan3A_265 = %scan3A_260 to %scan3A_262 step %scan3A_263  : i32 {
      %mul3A_266 = arith.constant 26 : i32
      %mul3A_267 = arith.muli %add3A, %mul3A_266 : i32
      %add3A_268 = arith.addi %mul3A_267, %scan3A_265 : i32
      %jit3A_269 = arith.constant 32 : i32
      %div3A_270 = arith.divsi %add3A_268, %jit3A_269 : i32
      %sign3A_271 = arith.constant 0 : i32
      %sign3A_272 = arith.cmpi sgt, %add3A_268, %sign3A_271 : i32
      %sign3A_273 = arith.extui %sign3A_272 : i1 to i32
      %sign3A_274 = arith.constant 0 : i32
      %sign3A_275 = arith.cmpi slt, %add3A_268, %sign3A_274 : i32
      %sign3A_276 = arith.extui %sign3A_275 : i1 to i32
      %sign3A_277 = arith.subi %sign3A_273, %sign3A_276 : i32
      %sign3A_278 = arith.constant 0 : i32
      %sign3A_279 = arith.cmpi sgt, %jit3A_269, %sign3A_278 : i32
      %sign3A_280 = arith.extui %sign3A_279 : i1 to i32
      %sign3A_281 = arith.constant 0 : i32
      %sign3A_282 = arith.cmpi slt, %jit3A_269, %sign3A_281 : i32
      %sign3A_283 = arith.extui %sign3A_282 : i1 to i32
      %sign3A_284 = arith.subi %sign3A_280, %sign3A_283 : i32
      %ne3A_285 = arith.cmpi ne, %sign3A_277, %sign3A_284 : i32
      %rem3A_286 = arith.remsi %add3A_268, %jit3A_269 : i32
      %ne3A_287 = arith.constant 0 : i32
      %ne3A_288 = arith.cmpi ne, %rem3A_286, %ne3A_287 : i32
      %and3A_289 = arith.andi %ne3A_285, %ne3A_288 : i1
      %sub3A_290 = arith.constant 1 : i32
      %sub3A_291 = arith.subi %div3A_270, %sub3A_290 : i32
      %select_n3A_292 = arith.select %and3A_289, %sub3A_291, %div3A_270 : i32
      %mul3A_293 = arith.constant 32 : i32
      %mul3A_294 = arith.muli %select_n3A_292, %mul3A_293 : i32
      %sub3A_295 = arith.subi %add3A_268, %mul3A_294 : i32
      %mul3A_296 = arith.constant 32 : i32
      %mul3A_297 = arith.muli %mul3A_296, %select_n3A_292 : i32
      %add3A_298 = arith.constant 16 : i32
      %add3A_299 = arith.addi %add3A_298, %mul3A_297 : i32
      %add3A_300 = arith.addi %add3A_299, %sub3A_295 : i32
      %dma_start3A = arith.constant 0 : i32
      %dma_start3A_301 = tpu.memref_slice %arg2[%select_n3A_292, %sub3A_295, %dma_start3A] : memref<26x32x100000xf32, #tpu.memory_space<hbm>> -> memref<1x1x100000xf32, #tpu.memory_space<hbm>>
      %dma_start3A_302 = tpu.memref_squeeze %dma_start3A_301 : memref<1x1x100000xf32, #tpu.memory_space<hbm>> -> memref<100000xf32, #tpu.memory_space<hbm>>
      %dma_start3A_303 = arith.constant 0 : i32
      %dma_start3A_304 = tpu.memref_slice %arg2[%select_n3A_292, %sub3A_295, %dma_start3A_303] : memref<26x32x100000xf32, #tpu.memory_space<hbm>> -> memref<1x1x100000xf32, #tpu.memory_space<hbm>>
      %dma_start3A_305 = tpu.memref_squeeze %dma_start3A_304 : memref<1x1x100000xf32, #tpu.memory_space<hbm>> -> memref<100000xf32, #tpu.memory_space<hbm>>
      tpu.enqueue_dma source(%dma_start3A_305 : memref<100000xf32, #tpu.memory_space<hbm>>) target(%arg6 : memref<100000xf32, #tpu.memory_space<vmem>>) target_semaphore(%arg14 : memref<!tpu.dma_semaphore, #tpu.memory_space<semaphore_mem>>)
      %add3A_306 = arith.constant 0 : i32
      %add3A_307 = arith.addi %mul3A_2, %add3A_306 : i32
      %dma_start3A_308 = arith.constant 0 : i32
      %dma_start3A_309 = arith.constant 0 : i32
      %dma_start3A_310 = tpu.memref_slice %arg7[%dma_start3A_308, %dma_start3A_309] : memref<4x1024xi32, #tpu.memory_space<vmem>> -> memref<4x1024xi32, #tpu.memory_space<vmem>>
      %dma_start3A_311 = arith.constant 0 : i32
      %dma_start3A_312 = tpu.memref_slice %arg3[%select_n3A_292, %add3A_307, %dma_start3A_311] : memref<26x50x1024xi32, #tpu.memory_space<hbm>> -> memref<1x4x1024xi32, #tpu.memory_space<hbm>>
      %dma_start3A_313 = tpu.memref_squeeze %dma_start3A_312 : memref<1x4x1024xi32, #tpu.memory_space<hbm>> -> memref<4x1024xi32, #tpu.memory_space<hbm>>
      %dma_start3A_314 = arith.constant 0 : i32
      %dma_start3A_315 = arith.constant 0 : i32
      %dma_start3A_316 = tpu.memref_slice %arg7[%dma_start3A_314, %dma_start3A_315] : memref<4x1024xi32, #tpu.memory_space<vmem>> -> memref<4x1024xi32, #tpu.memory_space<vmem>>
      %dma_start3A_317 = arith.constant 0 : i32
      %dma_start3A_318 = tpu.memref_slice %arg3[%select_n3A_292, %add3A_307, %dma_start3A_317] : memref<26x50x1024xi32, #tpu.memory_space<hbm>> -> memref<1x4x1024xi32, #tpu.memory_space<hbm>>
      %dma_start3A_319 = tpu.memref_squeeze %dma_start3A_318 : memref<1x4x1024xi32, #tpu.memory_space<hbm>> -> memref<4x1024xi32, #tpu.memory_space<hbm>>
      tpu.enqueue_dma source(%dma_start3A_319 : memref<4x1024xi32, #tpu.memory_space<hbm>>) target(%dma_start3A_316 : memref<4x1024xi32, #tpu.memory_space<vmem>>) target_semaphore(%arg15 : memref<!tpu.dma_semaphore, #tpu.memory_space<semaphore_mem>>)
      %add3A_320 = arith.constant 4 : i32
      %add3A_321 = arith.addi %mul3A_2, %add3A_320 : i32
      %dma_start3A_322 = arith.constant 0 : i32
      %dma_start3A_323 = arith.constant 0 : i32
      %dma_start3A_324 = tpu.memref_slice %arg8[%dma_start3A_322, %dma_start3A_323] : memref<4x1024xi32, #tpu.memory_space<vmem>> -> memref<4x1024xi32, #tpu.memory_space<vmem>>
      %dma_start3A_325 = arith.constant 0 : i32
      %dma_start3A_326 = tpu.memref_slice %arg3[%select_n3A_292, %add3A_321, %dma_start3A_325] : memref<26x50x1024xi32, #tpu.memory_space<hbm>> -> memref<1x4x1024xi32, #tpu.memory_space<hbm>>
      %dma_start3A_327 = tpu.memref_squeeze %dma_start3A_326 : memref<1x4x1024xi32, #tpu.memory_space<hbm>> -> memref<4x1024xi32, #tpu.memory_space<hbm>>
      %dma_start3A_328 = arith.constant 0 : i32
      %dma_start3A_329 = arith.constant 0 : i32
      %dma_start3A_330 = tpu.memref_slice %arg8[%dma_start3A_328, %dma_start3A_329] : memref<4x1024xi32, #tpu.memory_space<vmem>> -> memref<4x1024xi32, #tpu.memory_space<vmem>>
      %dma_start3A_331 = arith.constant 0 : i32
      %dma_start3A_332 = tpu.memref_slice %arg3[%select_n3A_292, %add3A_321, %dma_start3A_331] : memref<26x50x1024xi32, #tpu.memory_space<hbm>> -> memref<1x4x1024xi32, #tpu.memory_space<hbm>>
      %dma_start3A_333 = tpu.memref_squeeze %dma_start3A_332 : memref<1x4x1024xi32, #tpu.memory_space<hbm>> -> memref<4x1024xi32, #tpu.memory_space<hbm>>
      tpu.enqueue_dma source(%dma_start3A_333 : memref<4x1024xi32, #tpu.memory_space<hbm>>) target(%dma_start3A_330 : memref<4x1024xi32, #tpu.memory_space<vmem>>) target_semaphore(%arg16 : memref<!tpu.dma_semaphore, #tpu.memory_space<semaphore_mem>>)
      %add3A_334 = arith.constant 8 : i32
      %add3A_335 = arith.addi %mul3A_2, %add3A_334 : i32
      %dma_start3A_336 = arith.constant 0 : i32
      %dma_start3A_337 = arith.constant 0 : i32
      %dma_start3A_338 = tpu.memref_slice %arg9[%dma_start3A_336, %dma_start3A_337] : memref<4x1024xi32, #tpu.memory_space<vmem>> -> memref<4x1024xi32, #tpu.memory_space<vmem>>
      %dma_start3A_339 = arith.constant 0 : i32
      %dma_start3A_340 = tpu.memref_slice %arg3[%select_n3A_292, %add3A_335, %dma_start3A_339] : memref<26x50x1024xi32, #tpu.memory_space<hbm>> -> memref<1x4x1024xi32, #tpu.memory_space<hbm>>
      %dma_start3A_341 = tpu.memref_squeeze %dma_start3A_340 : memref<1x4x1024xi32, #tpu.memory_space<hbm>> -> memref<4x1024xi32, #tpu.memory_space<hbm>>
      %dma_start3A_342 = arith.constant 0 : i32
      %dma_start3A_343 = arith.constant 0 : i32
      %dma_start3A_344 = tpu.memref_slice %arg9[%dma_start3A_342, %dma_start3A_343] : memref<4x1024xi32, #tpu.memory_space<vmem>> -> memref<4x1024xi32, #tpu.memory_space<vmem>>
      %dma_start3A_345 = arith.constant 0 : i32
      %dma_start3A_346 = tpu.memref_slice %arg3[%select_n3A_292, %add3A_335, %dma_start3A_345] : memref<26x50x1024xi32, #tpu.memory_space<hbm>> -> memref<1x4x1024xi32, #tpu.memory_space<hbm>>
      %dma_start3A_347 = tpu.memref_squeeze %dma_start3A_346 : memref<1x4x1024xi32, #tpu.memory_space<hbm>> -> memref<4x1024xi32, #tpu.memory_space<hbm>>
      tpu.enqueue_dma source(%dma_start3A_347 : memref<4x1024xi32, #tpu.memory_space<hbm>>) target(%dma_start3A_344 : memref<4x1024xi32, #tpu.memory_space<vmem>>) target_semaphore(%arg17 : memref<!tpu.dma_semaphore, #tpu.memory_space<semaphore_mem>>)
      %dma_wait3A = arith.constant 0 : i32
      %dma_wait3A_348 = tpu.memref_slice %arg2[%select_n3A_292, %sub3A_295, %dma_wait3A] : memref<26x32x100000xf32, #tpu.memory_space<hbm>> -> memref<1x1x100000xf32, #tpu.memory_space<hbm>>
      %dma_wait3A_349 = tpu.memref_squeeze %dma_wait3A_348 : memref<1x1x100000xf32, #tpu.memory_space<hbm>> -> memref<100000xf32, #tpu.memory_space<hbm>>
      %dma_wait3A_350 = arith.constant 0 : i32
      %dma_wait3A_351 = tpu.memref_slice %arg2[%select_n3A_292, %sub3A_295, %dma_wait3A_350] : memref<26x32x100000xf32, #tpu.memory_space<hbm>> -> memref<1x1x100000xf32, #tpu.memory_space<hbm>>
      %dma_wait3A_352 = tpu.memref_squeeze %dma_wait3A_351 : memref<1x1x100000xf32, #tpu.memory_space<hbm>> -> memref<100000xf32, #tpu.memory_space<hbm>>
      tpu.wait_dma2 semaphore(%arg14 : memref<!tpu.dma_semaphore, #tpu.memory_space<semaphore_mem>>) src(%dma_wait3A_352 : memref<100000xf32, #tpu.memory_space<hbm>>) dst(%arg6 : memref<100000xf32, #tpu.memory_space<vmem>>)
      %add3A_353 = arith.constant 12 : i32
      %add3A_354 = arith.addi %mul3A_2, %add3A_353 : i32
      %dma_start3A_355 = arith.constant 0 : i32
      %dma_start3A_356 = arith.constant 0 : i32
      %dma_start3A_357 = tpu.memref_slice %arg10[%dma_start3A_355, %dma_start3A_356] : memref<4x1024xi32, #tpu.memory_space<vmem>> -> memref<4x1024xi32, #tpu.memory_space<vmem>>
      %dma_start3A_358 = arith.constant 0 : i32
      %dma_start3A_359 = tpu.memref_slice %arg3[%select_n3A_292, %add3A_354, %dma_start3A_358] : memref<26x50x1024xi32, #tpu.memory_space<hbm>> -> memref<1x4x1024xi32, #tpu.memory_space<hbm>>
      %dma_start3A_360 = tpu.memref_squeeze %dma_start3A_359 : memref<1x4x1024xi32, #tpu.memory_space<hbm>> -> memref<4x1024xi32, #tpu.memory_space<hbm>>
      %dma_start3A_361 = arith.constant 0 : i32
      %dma_start3A_362 = arith.constant 0 : i32
      %dma_start3A_363 = tpu.memref_slice %arg10[%dma_start3A_361, %dma_start3A_362] : memref<4x1024xi32, #tpu.memory_space<vmem>> -> memref<4x1024xi32, #tpu.memory_space<vmem>>
      %dma_start3A_364 = arith.constant 0 : i32
      %dma_start3A_365 = tpu.memref_slice %arg3[%select_n3A_292, %add3A_354, %dma_start3A_364] : memref<26x50x1024xi32, #tpu.memory_space<hbm>> -> memref<1x4x1024xi32, #tpu.memory_space<hbm>>
      %dma_start3A_366 = tpu.memref_squeeze %dma_start3A_365 : memref<1x4x1024xi32, #tpu.memory_space<hbm>> -> memref<4x1024xi32, #tpu.memory_space<hbm>>
      tpu.enqueue_dma source(%dma_start3A_366 : memref<4x1024xi32, #tpu.memory_space<hbm>>) target(%dma_start3A_363 : memref<4x1024xi32, #tpu.memory_space<vmem>>) target_semaphore(%arg18 : memref<!tpu.dma_semaphore, #tpu.memory_space<semaphore_mem>>)
      %dma_wait3A_367 = arith.constant 0 : i32
      %dma_wait3A_368 = arith.constant 0 : i32
      %dma_wait3A_369 = tpu.memref_slice %arg7[%dma_wait3A_367, %dma_wait3A_368] : memref<4x1024xi32, #tpu.memory_space<vmem>> -> memref<4x1024xi32, #tpu.memory_space<vmem>>
      %dma_wait3A_370 = arith.constant 0 : i32
      %dma_wait3A_371 = tpu.memref_slice %arg3[%select_n3A_292, %add3A_307, %dma_wait3A_370] : memref<26x50x1024xi32, #tpu.memory_space<hbm>> -> memref<1x4x1024xi32, #tpu.memory_space<hbm>>
      %dma_wait3A_372 = tpu.memref_squeeze %dma_wait3A_371 : memref<1x4x1024xi32, #tpu.memory_space<hbm>> -> memref<4x1024xi32, #tpu.memory_space<hbm>>
      %dma_wait3A_373 = arith.constant 0 : i32
      %dma_wait3A_374 = arith.constant 0 : i32
      %dma_wait3A_375 = tpu.memref_slice %arg7[%dma_wait3A_373, %dma_wait3A_374] : memref<4x1024xi32, #tpu.memory_space<vmem>> -> memref<4x1024xi32, #tpu.memory_space<vmem>>
      %dma_wait3A_376 = arith.constant 0 : i32
      %dma_wait3A_377 = tpu.memref_slice %arg3[%select_n3A_292, %add3A_307, %dma_wait3A_376] : memref<26x50x1024xi32, #tpu.memory_space<hbm>> -> memref<1x4x1024xi32, #tpu.memory_space<hbm>>
      %dma_wait3A_378 = tpu.memref_squeeze %dma_wait3A_377 : memref<1x4x1024xi32, #tpu.memory_space<hbm>> -> memref<4x1024xi32, #tpu.memory_space<hbm>>
      tpu.wait_dma2 semaphore(%arg15 : memref<!tpu.dma_semaphore, #tpu.memory_space<semaphore_mem>>) src(%dma_wait3A_378 : memref<4x1024xi32, #tpu.memory_space<hbm>>) dst(%dma_wait3A_375 : memref<4x1024xi32, #tpu.memory_space<vmem>>)
      %parallel_loop3A = arith.constant 0 : i32
      %parallel_loop3A_379 = arith.constant 256 : i32
      %parallel_loop3A_380 = arith.constant 1 : i32
      scf.for %parallel_loop3A_1025 = %parallel_loop3A to %parallel_loop3A_379 step %parallel_loop3A_380  : i32 {
        %parallel_loop3A_1026 = arith.constant 6 : i32
        %parallel_loop3A_1027 = arith.shrui %parallel_loop3A_1025, %parallel_loop3A_1026 : i32
        %parallel_loop3A_1028 = arith.constant 63 : i32
        %parallel_loop3A_1029 = arith.andi %parallel_loop3A_1025, %parallel_loop3A_1028 : i32
        %parallel_loop3A_1030 = arith.constant 16 : i32
        %parallel_loop3A_1031 = arith.muli %parallel_loop3A_1029, %parallel_loop3A_1030 : i32
        %parallel_loop3A_1032 = arith.index_cast %parallel_loop3A_1027 : i32 to index
        %parallel_loop3A_1033 = arith.index_cast %parallel_loop3A_1031 : i32 to index
        %parallel_loop3A_1034 = tpu.vector_load %arg7[%parallel_loop3A_1032, %parallel_loop3A_1033] {strides = array<i32>} : memref<4x1024xi32, #tpu.memory_space<vmem>>, vector<16xi32>,
        %parallel_loop3A_1035 = tpu.vector_load_idx %arg6[%parallel_loop3A_1034] : memref<100000xf32, #tpu.memory_space<vmem>>[vector<16xi32>], vector<16xf32>,
        %parallel_loop3A_1036 = arith.index_cast %parallel_loop3A_1027 : i32 to index
        %parallel_loop3A_1037 = arith.index_cast %parallel_loop3A_1031 : i32 to index
        %parallel_loop3A_1038 = tpu.vector_load %arg11[%parallel_loop3A_1036, %parallel_loop3A_1037] {strides = array<i32>} : memref<4x1024xf32, #tpu.memory_space<vmem>>, vector<16xf32>,
        tpu.vector_store %arg11[%parallel_loop3A_1036, %parallel_loop3A_1037], %parallel_loop3A_1035 {strides = array<i32>} : memref<4x1024xf32, #tpu.memory_space<vmem>>, vector<16xf32>,
      } {sc.loop_unroll_factor = 8 : i64, sc.parallel_access}
      %add3A_381 = arith.constant 0 : i32
      %add3A_382 = arith.addi %mul3A_2, %add3A_381 : i32
      %dma_start3A_383 = arith.constant 0 : i32
      %dma_start3A_384 = arith.constant 0 : i32
      %dma_start3A_385 = tpu.memref_slice %arg11[%dma_start3A_383, %dma_start3A_384] : memref<4x1024xf32, #tpu.memory_space<vmem>> -> memref<4x1024xf32, #tpu.memory_space<vmem>>
      %dma_start3A_386 = arith.constant 0 : i32
      %dma_start3A_387 = tpu.memref_slice %arg5[%add3A_382, %add3A_300, %dma_start3A_386] : memref<50x848x1024xf32, #tpu.memory_space<hbm>> -> memref<4x1x1024xf32, #tpu.memory_space<hbm>>
      %dma_start3A_388 = tpu.memref_squeeze %dma_start3A_387 : memref<4x1x1024xf32, #tpu.memory_space<hbm>> -> memref<4x1024xf32, #tpu.memory_space<hbm>>
      %dma_start3A_389 = arith.constant 0 : i32
      %dma_start3A_390 = tpu.memref_slice %arg5[%add3A_382, %add3A_300, %dma_start3A_389] : memref<50x848x1024xf32, #tpu.memory_space<hbm>> -> memref<4x1x1024xf32, #tpu.memory_space<hbm>>
      %dma_start3A_391 = tpu.memref_squeeze %dma_start3A_390 : memref<4x1x1024xf32, #tpu.memory_space<hbm>> -> memref<4x1024xf32, #tpu.memory_space<hbm>>
      %dma_start3A_392 = arith.constant 0 : i32
      %dma_start3A_393 = arith.constant 0 : i32
      %dma_start3A_394 = tpu.memref_slice %arg11[%dma_start3A_392, %dma_start3A_393] : memref<4x1024xf32, #tpu.memory_space<vmem>> -> memref<4x1024xf32, #tpu.memory_space<vmem>>
      tpu.enqueue_dma source(%dma_start3A_394 : memref<4x1024xf32, #tpu.memory_space<vmem>>) target(%dma_start3A_391 : memref<4x1024xf32, #tpu.memory_space<hbm>>) target_semaphore(%arg19 : memref<!tpu.dma_semaphore, #tpu.memory_space<semaphore_mem>>)
      %add3A_395 = arith.constant 16 : i32
      %add3A_396 = arith.addi %mul3A_2, %add3A_395 : i32
      %dma_start3A_397 = arith.constant 0 : i32
      %dma_start3A_398 = arith.constant 0 : i32
      %dma_start3A_399 = tpu.memref_slice %arg7[%dma_start3A_397, %dma_start3A_398] : memref<4x1024xi32, #tpu.memory_space<vmem>> -> memref<4x1024xi32, #tpu.memory_space<vmem>>
      %dma_start3A_400 = arith.constant 0 : i32
      %dma_start3A_401 = tpu.memref_slice %arg3[%select_n3A_292, %add3A_396, %dma_start3A_400] : memref<26x50x1024xi32, #tpu.memory_space<hbm>> -> memref<1x4x1024xi32, #tpu.memory_space<hbm>>
      %dma_start3A_402 = tpu.memref_squeeze %dma_start3A_401 : memref<1x4x1024xi32, #tpu.memory_space<hbm>> -> memref<4x1024xi32, #tpu.memory_space<hbm>>
      %dma_start3A_403 = arith.constant 0 : i32
      %dma_start3A_404 = arith.constant 0 : i32
      %dma_start3A_405 = tpu.memref_slice %arg7[%dma_start3A_403, %dma_start3A_404] : memref<4x1024xi32, #tpu.memory_space<vmem>> -> memref<4x1024xi32, #tpu.memory_space<vmem>>
      %dma_start3A_406 = arith.constant 0 : i32
      %dma_start3A_407 = tpu.memref_slice %arg3[%select_n3A_292, %add3A_396, %dma_start3A_406] : memref<26x50x1024xi32, #tpu.memory_space<hbm>> -> memref<1x4x1024xi32, #tpu.memory_space<hbm>>
      %dma_start3A_408 = tpu.memref_squeeze %dma_start3A_407 : memref<1x4x1024xi32, #tpu.memory_space<hbm>> -> memref<4x1024xi32, #tpu.memory_space<hbm>>
      tpu.enqueue_dma source(%dma_start3A_408 : memref<4x1024xi32, #tpu.memory_space<hbm>>) target(%dma_start3A_405 : memref<4x1024xi32, #tpu.memory_space<vmem>>) target_semaphore(%arg15 : memref<!tpu.dma_semaphore, #tpu.memory_space<semaphore_mem>>)
      %dma_wait3A_409 = arith.constant 0 : i32
      %dma_wait3A_410 = arith.constant 0 : i32
      %dma_wait3A_411 = tpu.memref_slice %arg8[%dma_wait3A_409, %dma_wait3A_410] : memref<4x1024xi32, #tpu.memory_space<vmem>> -> memref<4x1024xi32, #tpu.memory_space<vmem>>
      %dma_wait3A_412 = arith.constant 0 : i32
      %dma_wait3A_413 = tpu.memref_slice %arg3[%select_n3A_292, %add3A_321, %dma_wait3A_412] : memref<26x50x1024xi32, #tpu.memory_space<hbm>> -> memref<1x4x1024xi32, #tpu.memory_space<hbm>>
      %dma_wait3A_414 = tpu.memref_squeeze %dma_wait3A_413 : memref<1x4x1024xi32, #tpu.memory_space<hbm>> -> memref<4x1024xi32, #tpu.memory_space<hbm>>
      %dma_wait3A_415 = arith.constant 0 : i32
      %dma_wait3A_416 = arith.constant 0 : i32
      %dma_wait3A_417 = tpu.memref_slice %arg8[%dma_wait3A_415, %dma_wait3A_416] : memref<4x1024xi32, #tpu.memory_space<vmem>> -> memref<4x1024xi32, #tpu.memory_space<vmem>>
      %dma_wait3A_418 = arith.constant 0 : i32
      %dma_wait3A_419 = tpu.memref_slice %arg3[%select_n3A_292, %add3A_321, %dma_wait3A_418] : memref<26x50x1024xi32, #tpu.memory_space<hbm>> -> memref<1x4x1024xi32, #tpu.memory_space<hbm>>
      %dma_wait3A_420 = tpu.memref_squeeze %dma_wait3A_419 : memref<1x4x1024xi32, #tpu.memory_space<hbm>> -> memref<4x1024xi32, #tpu.memory_space<hbm>>
      tpu.wait_dma2 semaphore(%arg16 : memref<!tpu.dma_semaphore, #tpu.memory_space<semaphore_mem>>) src(%dma_wait3A_420 : memref<4x1024xi32, #tpu.memory_space<hbm>>) dst(%dma_wait3A_417 : memref<4x1024xi32, #tpu.memory_space<vmem>>)
      %parallel_loop3A_421 = arith.constant 0 : i32
      %parallel_loop3A_422 = arith.constant 256 : i32
      %parallel_loop3A_423 = arith.constant 1 : i32
      scf.for %parallel_loop3A_1025 = %parallel_loop3A_421 to %parallel_loop3A_422 step %parallel_loop3A_423  : i32 {
        %parallel_loop3A_1026 = arith.constant 6 : i32
        %parallel_loop3A_1027 = arith.shrui %parallel_loop3A_1025, %parallel_loop3A_1026 : i32
        %parallel_loop3A_1028 = arith.constant 63 : i32
        %parallel_loop3A_1029 = arith.andi %parallel_loop3A_1025, %parallel_loop3A_1028 : i32
        %parallel_loop3A_1030 = arith.constant 16 : i32
        %parallel_loop3A_1031 = arith.muli %parallel_loop3A_1029, %parallel_loop3A_1030 : i32
        %parallel_loop3A_1032 = arith.index_cast %parallel_loop3A_1027 : i32 to index
        %parallel_loop3A_1033 = arith.index_cast %parallel_loop3A_1031 : i32 to index
        %parallel_loop3A_1034 = tpu.vector_load %arg8[%parallel_loop3A_1032, %parallel_loop3A_1033] {strides = array<i32>} : memref<4x1024xi32, #tpu.memory_space<vmem>>, vector<16xi32>,
        %parallel_loop3A_1035 = tpu.vector_load_idx %arg6[%parallel_loop3A_1034] : memref<100000xf32, #tpu.memory_space<vmem>>[vector<16xi32>], vector<16xf32>,
        %parallel_loop3A_1036 = arith.index_cast %parallel_loop3A_1027 : i32 to index
        %parallel_loop3A_1037 = arith.index_cast %parallel_loop3A_1031 : i32 to index
        %parallel_loop3A_1038 = tpu.vector_load %arg12[%parallel_loop3A_1036, %parallel_loop3A_1037] {strides = array<i32>} : memref<4x1024xf32, #tpu.memory_space<vmem>>, vector<16xf32>,
        tpu.vector_store %arg12[%parallel_loop3A_1036, %parallel_loop3A_1037], %parallel_loop3A_1035 {strides = array<i32>} : memref<4x1024xf32, #tpu.memory_space<vmem>>, vector<16xf32>,
      } {sc.loop_unroll_factor = 8 : i64, sc.parallel_access}
      %add3A_424 = arith.constant 4 : i32
      %add3A_425 = arith.addi %mul3A_2, %add3A_424 : i32
      %dma_start3A_426 = arith.constant 0 : i32
      %dma_start3A_427 = arith.constant 0 : i32
      %dma_start3A_428 = tpu.memref_slice %arg12[%dma_start3A_426, %dma_start3A_427] : memref<4x1024xf32, #tpu.memory_space<vmem>> -> memref<4x1024xf32, #tpu.memory_space<vmem>>
      %dma_start3A_429 = arith.constant 0 : i32
      %dma_start3A_430 = tpu.memref_slice %arg5[%add3A_425, %add3A_300, %dma_start3A_429] : memref<50x848x1024xf32, #tpu.memory_space<hbm>> -> memref<4x1x1024xf32, #tpu.memory_space<hbm>>
      %dma_start3A_431 = tpu.memref_squeeze %dma_start3A_430 : memref<4x1x1024xf32, #tpu.memory_space<hbm>> -> memref<4x1024xf32, #tpu.memory_space<hbm>>
      %dma_start3A_432 = arith.constant 0 : i32
      %dma_start3A_433 = tpu.memref_slice %arg5[%add3A_425, %add3A_300, %dma_start3A_432] : memref<50x848x1024xf32, #tpu.memory_space<hbm>> -> memref<4x1x1024xf32, #tpu.memory_space<hbm>>
      %dma_start3A_434 = tpu.memref_squeeze %dma_start3A_433 : memref<4x1x1024xf32, #tpu.memory_space<hbm>> -> memref<4x1024xf32, #tpu.memory_space<hbm>>
      %dma_start3A_435 = arith.constant 0 : i32
      %dma_start3A_436 = arith.constant 0 : i32
      %dma_start3A_437 = tpu.memref_slice %arg12[%dma_start3A_435, %dma_start3A_436] : memref<4x1024xf32, #tpu.memory_space<vmem>> -> memref<4x1024xf32, #tpu.memory_space<vmem>>
      tpu.enqueue_dma source(%dma_start3A_437 : memref<4x1024xf32, #tpu.memory_space<vmem>>) target(%dma_start3A_434 : memref<4x1024xf32, #tpu.memory_space<hbm>>) target_semaphore(%arg20 : memref<!tpu.dma_semaphore, #tpu.memory_space<semaphore_mem>>)
      %add3A_438 = arith.constant 20 : i32
      %add3A_439 = arith.addi %mul3A_2, %add3A_438 : i32
      %dma_start3A_440 = arith.constant 0 : i32
      %dma_start3A_441 = arith.constant 0 : i32
      %dma_start3A_442 = tpu.memref_slice %arg8[%dma_start3A_440, %dma_start3A_441] : memref<4x1024xi32, #tpu.memory_space<vmem>> -> memref<4x1024xi32, #tpu.memory_space<vmem>>
      %dma_start3A_443 = arith.constant 0 : i32
      %dma_start3A_444 = tpu.memref_slice %arg3[%select_n3A_292, %add3A_439, %dma_start3A_443] : memref<26x50x1024xi32, #tpu.memory_space<hbm>> -> memref<1x4x1024xi32, #tpu.memory_space<hbm>>
      %dma_start3A_445 = tpu.memref_squeeze %dma_start3A_444 : memref<1x4x1024xi32, #tpu.memory_space<hbm>> -> memref<4x1024xi32, #tpu.memory_space<hbm>>
      %dma_start3A_446 = arith.constant 0 : i32
      %dma_start3A_447 = arith.constant 0 : i32
      %dma_start3A_448 = tpu.memref_slice %arg8[%dma_start3A_446, %dma_start3A_447] : memref<4x1024xi32, #tpu.memory_space<vmem>> -> memref<4x1024xi32, #tpu.memory_space<vmem>>
      %dma_start3A_449 = arith.constant 0 : i32
      %dma_start3A_450 = tpu.memref_slice %arg3[%select_n3A_292, %add3A_439, %dma_start3A_449] : memref<26x50x1024xi32, #tpu.memory_space<hbm>> -> memref<1x4x1024xi32, #tpu.memory_space<hbm>>
      %dma_start3A_451 = tpu.memref_squeeze %dma_start3A_450 : memref<1x4x1024xi32, #tpu.memory_space<hbm>> -> memref<4x1024xi32, #tpu.memory_space<hbm>>
      tpu.enqueue_dma source(%dma_start3A_451 : memref<4x1024xi32, #tpu.memory_space<hbm>>) target(%dma_start3A_448 : memref<4x1024xi32, #tpu.memory_space<vmem>>) target_semaphore(%arg16 : memref<!tpu.dma_semaphore, #tpu.memory_space<semaphore_mem>>)
      %dma_wait3A_452 = arith.constant 0 : i32
      %dma_wait3A_453 = arith.constant 0 : i32
      %dma_wait3A_454 = tpu.memref_slice %arg9[%dma_wait3A_452, %dma_wait3A_453] : memref<4x1024xi32, #tpu.memory_space<vmem>> -> memref<4x1024xi32, #tpu.memory_space<vmem>>
      %dma_wait3A_455 = arith.constant 0 : i32
      %dma_wait3A_456 = tpu.memref_slice %arg3[%select_n3A_292, %add3A_335, %dma_wait3A_455] : memref<26x50x1024xi32, #tpu.memory_space<hbm>> -> memref<1x4x1024xi32, #tpu.memory_space<hbm>>
      %dma_wait3A_457 = tpu.memref_squeeze %dma_wait3A_456 : memref<1x4x1024xi32, #tpu.memory_space<hbm>> -> memref<4x1024xi32, #tpu.memory_space<hbm>>
      %dma_wait3A_458 = arith.constant 0 : i32
      %dma_wait3A_459 = arith.constant 0 : i32
      %dma_wait3A_460 = tpu.memref_slice %arg9[%dma_wait3A_458, %dma_wait3A_459] : memref<4x1024xi32, #tpu.memory_space<vmem>> -> memref<4x1024xi32, #tpu.memory_space<vmem>>
      %dma_wait3A_461 = arith.constant 0 : i32
      %dma_wait3A_462 = tpu.memref_slice %arg3[%select_n3A_292, %add3A_335, %dma_wait3A_461] : memref<26x50x1024xi32, #tpu.memory_space<hbm>> -> memref<1x4x1024xi32, #tpu.memory_space<hbm>>
      %dma_wait3A_463 = tpu.memref_squeeze %dma_wait3A_462 : memref<1x4x1024xi32, #tpu.memory_space<hbm>> -> memref<4x1024xi32, #tpu.memory_space<hbm>>
      tpu.wait_dma2 semaphore(%arg17 : memref<!tpu.dma_semaphore, #tpu.memory_space<semaphore_mem>>) src(%dma_wait3A_463 : memref<4x1024xi32, #tpu.memory_space<hbm>>) dst(%dma_wait3A_460 : memref<4x1024xi32, #tpu.memory_space<vmem>>)
      %parallel_loop3A_464 = arith.constant 0 : i32
      %parallel_loop3A_465 = arith.constant 256 : i32
      %parallel_loop3A_466 = arith.constant 1 : i32
      scf.for %parallel_loop3A_1025 = %parallel_loop3A_464 to %parallel_loop3A_465 step %parallel_loop3A_466  : i32 {
        %parallel_loop3A_1026 = arith.constant 6 : i32
        %parallel_loop3A_1027 = arith.shrui %parallel_loop3A_1025, %parallel_loop3A_1026 : i32
        %parallel_loop3A_1028 = arith.constant 63 : i32
        %parallel_loop3A_1029 = arith.andi %parallel_loop3A_1025, %parallel_loop3A_1028 : i32
        %parallel_loop3A_1030 = arith.constant 16 : i32
        %parallel_loop3A_1031 = arith.muli %parallel_loop3A_1029, %parallel_loop3A_1030 : i32
        %parallel_loop3A_1032 = arith.index_cast %parallel_loop3A_1027 : i32 to index
        %parallel_loop3A_1033 = arith.index_cast %parallel_loop3A_1031 : i32 to index
        %parallel_loop3A_1034 = tpu.vector_load %arg9[%parallel_loop3A_1032, %parallel_loop3A_1033] {strides = array<i32>} : memref<4x1024xi32, #tpu.memory_space<vmem>>, vector<16xi32>,
        %parallel_loop3A_1035 = tpu.vector_load_idx %arg6[%parallel_loop3A_1034] : memref<100000xf32, #tpu.memory_space<vmem>>[vector<16xi32>], vector<16xf32>,
        %parallel_loop3A_1036 = arith.index_cast %parallel_loop3A_1027 : i32 to index
        %parallel_loop3A_1037 = arith.index_cast %parallel_loop3A_1031 : i32 to index
        %parallel_loop3A_1038 = tpu.vector_load %arg13[%parallel_loop3A_1036, %parallel_loop3A_1037] {strides = array<i32>} : memref<4x1024xf32, #tpu.memory_space<vmem>>, vector<16xf32>,
        tpu.vector_store %arg13[%parallel_loop3A_1036, %parallel_loop3A_1037], %parallel_loop3A_1035 {strides = array<i32>} : memref<4x1024xf32, #tpu.memory_space<vmem>>, vector<16xf32>,
      } {sc.loop_unroll_factor = 8 : i64, sc.parallel_access}
      %add3A_467 = arith.constant 8 : i32
      %add3A_468 = arith.addi %mul3A_2, %add3A_467 : i32
      %dma_start3A_469 = arith.constant 0 : i32
      %dma_start3A_470 = arith.constant 0 : i32
      %dma_start3A_471 = tpu.memref_slice %arg13[%dma_start3A_469, %dma_start3A_470] : memref<4x1024xf32, #tpu.memory_space<vmem>> -> memref<4x1024xf32, #tpu.memory_space<vmem>>
      %dma_start3A_472 = arith.constant 0 : i32
      %dma_start3A_473 = tpu.memref_slice %arg5[%add3A_468, %add3A_300, %dma_start3A_472] : memref<50x848x1024xf32, #tpu.memory_space<hbm>> -> memref<4x1x1024xf32, #tpu.memory_space<hbm>>
      %dma_start3A_474 = tpu.memref_squeeze %dma_start3A_473 : memref<4x1x1024xf32, #tpu.memory_space<hbm>> -> memref<4x1024xf32, #tpu.memory_space<hbm>>
      %dma_start3A_475 = arith.constant 0 : i32
      %dma_start3A_476 = tpu.memref_slice %arg5[%add3A_468, %add3A_300, %dma_start3A_475] : memref<50x848x1024xf32, #tpu.memory_space<hbm>> -> memref<4x1x1024xf32, #tpu.memory_space<hbm>>
      %dma_start3A_477 = tpu.memref_squeeze %dma_start3A_476 : memref<4x1x1024xf32, #tpu.memory_space<hbm>> -> memref<4x1024xf32, #tpu.memory_space<hbm>>
      %dma_start3A_478 = arith.constant 0 : i32
      %dma_start3A_479 = arith.constant 0 : i32
      %dma_start3A_480 = tpu.memref_slice %arg13[%dma_start3A_478, %dma_start3A_479] : memref<4x1024xf32, #tpu.memory_space<vmem>> -> memref<4x1024xf32, #tpu.memory_space<vmem>>
      tpu.enqueue_dma source(%dma_start3A_480 : memref<4x1024xf32, #tpu.memory_space<vmem>>) target(%dma_start3A_477 : memref<4x1024xf32, #tpu.memory_space<hbm>>) target_semaphore(%arg21 : memref<!tpu.dma_semaphore, #tpu.memory_space<semaphore_mem>>)
      %add3A_481 = arith.constant 24 : i32
      %add3A_482 = arith.addi %mul3A_2, %add3A_481 : i32
      %dma_start3A_483 = arith.constant 0 : i32
      %dma_start3A_484 = arith.constant 0 : i32
      %dma_start3A_485 = tpu.memref_slice %arg9[%dma_start3A_483, %dma_start3A_484] : memref<4x1024xi32, #tpu.memory_space<vmem>> -> memref<4x1024xi32, #tpu.memory_space<vmem>>
      %dma_start3A_486 = arith.constant 0 : i32
      %dma_start3A_487 = tpu.memref_slice %arg3[%select_n3A_292, %add3A_482, %dma_start3A_486] : memref<26x50x1024xi32, #tpu.memory_space<hbm>> -> memref<1x4x1024xi32, #tpu.memory_space<hbm>>
      %dma_start3A_488 = tpu.memref_squeeze %dma_start3A_487 : memref<1x4x1024xi32, #tpu.memory_space<hbm>> -> memref<4x1024xi32, #tpu.memory_space<hbm>>
      %dma_start3A_489 = arith.constant 0 : i32
      %dma_start3A_490 = arith.constant 0 : i32
      %dma_start3A_491 = tpu.memref_slice %arg9[%dma_start3A_489, %dma_start3A_490] : memref<4x1024xi32, #tpu.memory_space<vmem>> -> memref<4x1024xi32, #tpu.memory_space<vmem>>
      %dma_start3A_492 = arith.constant 0 : i32
      %dma_start3A_493 = tpu.memref_slice %arg3[%select_n3A_292, %add3A_482, %dma_start3A_492] : memref<26x50x1024xi32, #tpu.memory_space<hbm>> -> memref<1x4x1024xi32, #tpu.memory_space<hbm>>
      %dma_start3A_494 = tpu.memref_squeeze %dma_start3A_493 : memref<1x4x1024xi32, #tpu.memory_space<hbm>> -> memref<4x1024xi32, #tpu.memory_space<hbm>>
      tpu.enqueue_dma source(%dma_start3A_494 : memref<4x1024xi32, #tpu.memory_space<hbm>>) target(%dma_start3A_491 : memref<4x1024xi32, #tpu.memory_space<vmem>>) target_semaphore(%arg17 : memref<!tpu.dma_semaphore, #tpu.memory_space<semaphore_mem>>)
      %dma_wait3A_495 = arith.constant 0 : i32
      %dma_wait3A_496 = arith.constant 0 : i32
      %dma_wait3A_497 = tpu.memref_slice %arg10[%dma_wait3A_495, %dma_wait3A_496] : memref<4x1024xi32, #tpu.memory_space<vmem>> -> memref<4x1024xi32, #tpu.memory_space<vmem>>
      %dma_wait3A_498 = arith.constant 0 : i32
      %dma_wait3A_499 = tpu.memref_slice %arg3[%select_n3A_292, %add3A_354, %dma_wait3A_498] : memref<26x50x1024xi32, #tpu.memory_space<hbm>> -> memref<1x4x1024xi32, #tpu.memory_space<hbm>>
      %dma_wait3A_500 = tpu.memref_squeeze %dma_wait3A_499 : memref<1x4x1024xi32, #tpu.memory_space<hbm>> -> memref<4x1024xi32, #tpu.memory_space<hbm>>
      %dma_wait3A_501 = arith.constant 0 : i32
      %dma_wait3A_502 = arith.constant 0 : i32
      %dma_wait3A_503 = tpu.memref_slice %arg10[%dma_wait3A_501, %dma_wait3A_502] : memref<4x1024xi32, #tpu.memory_space<vmem>> -> memref<4x1024xi32, #tpu.memory_space<vmem>>
      %dma_wait3A_504 = arith.constant 0 : i32
      %dma_wait3A_505 = tpu.memref_slice %arg3[%select_n3A_292, %add3A_354, %dma_wait3A_504] : memref<26x50x1024xi32, #tpu.memory_space<hbm>> -> memref<1x4x1024xi32, #tpu.memory_space<hbm>>
      %dma_wait3A_506 = tpu.memref_squeeze %dma_wait3A_505 : memref<1x4x1024xi32, #tpu.memory_space<hbm>> -> memref<4x1024xi32, #tpu.memory_space<hbm>>
      tpu.wait_dma2 semaphore(%arg18 : memref<!tpu.dma_semaphore, #tpu.memory_space<semaphore_mem>>) src(%dma_wait3A_506 : memref<4x1024xi32, #tpu.memory_space<hbm>>) dst(%dma_wait3A_503 : memref<4x1024xi32, #tpu.memory_space<vmem>>)
      %dma_wait3A_507 = arith.constant 0 : i32
      %dma_wait3A_508 = arith.constant 0 : i32
      %dma_wait3A_509 = tpu.memref_slice %arg11[%dma_wait3A_507, %dma_wait3A_508] : memref<4x1024xf32, #tpu.memory_space<vmem>> -> memref<4x1024xf32, #tpu.memory_space<vmem>>
      %dma_wait3A_510 = arith.constant 0 : i32
      %dma_wait3A_511 = tpu.memref_slice %arg5[%add3A_382, %add3A_300, %dma_wait3A_510] : memref<50x848x1024xf32, #tpu.memory_space<hbm>> -> memref<4x1x1024xf32, #tpu.memory_space<hbm>>
      %dma_wait3A_512 = tpu.memref_squeeze %dma_wait3A_511 : memref<4x1x1024xf32, #tpu.memory_space<hbm>> -> memref<4x1024xf32, #tpu.memory_space<hbm>>
      %dma_wait3A_513 = arith.constant 0 : i32
      %dma_wait3A_514 = tpu.memref_slice %arg5[%add3A_382, %add3A_300, %dma_wait3A_513] : memref<50x848x1024xf32, #tpu.memory_space<hbm>> -> memref<4x1x1024xf32, #tpu.memory_space<hbm>>
      %dma_wait3A_515 = tpu.memref_squeeze %dma_wait3A_514 : memref<4x1x1024xf32, #tpu.memory_space<hbm>> -> memref<4x1024xf32, #tpu.memory_space<hbm>>
      %dma_wait3A_516 = arith.constant 0 : i32
      %dma_wait3A_517 = arith.constant 0 : i32
      %dma_wait3A_518 = tpu.memref_slice %arg11[%dma_wait3A_516, %dma_wait3A_517] : memref<4x1024xf32, #tpu.memory_space<vmem>> -> memref<4x1024xf32, #tpu.memory_space<vmem>>
      tpu.wait_dma2 semaphore(%arg19 : memref<!tpu.dma_semaphore, #tpu.memory_space<semaphore_mem>>) src(%dma_wait3A_518 : memref<4x1024xf32, #tpu.memory_space<vmem>>) dst(%dma_wait3A_515 : memref<4x1024xf32, #tpu.memory_space<hbm>>)
      %parallel_loop3A_519 = arith.constant 0 : i32
      %parallel_loop3A_520 = arith.constant 256 : i32
      %parallel_loop3A_521 = arith.constant 1 : i32
      scf.for %parallel_loop3A_1025 = %parallel_loop3A_519 to %parallel_loop3A_520 step %parallel_loop3A_521  : i32 {
        %parallel_loop3A_1026 = arith.constant 6 : i32
        %parallel_loop3A_1027 = arith.shrui %parallel_loop3A_1025, %parallel_loop3A_1026 : i32
        %parallel_loop3A_1028 = arith.constant 63 : i32
        %parallel_loop3A_1029 = arith.andi %parallel_loop3A_1025, %parallel_loop3A_1028 : i32
        %parallel_loop3A_1030 = arith.constant 16 : i32
        %parallel_loop3A_1031 = arith.muli %parallel_loop3A_1029, %parallel_loop3A_1030 : i32
        %parallel_loop3A_1032 = arith.index_cast %parallel_loop3A_1027 : i32 to index
        %parallel_loop3A_1033 = arith.index_cast %parallel_loop3A_1031 : i32 to index
        %parallel_loop3A_1034 = tpu.vector_load %arg10[%parallel_loop3A_1032, %parallel_loop3A_1033] {strides = array<i32>} : memref<4x1024xi32, #tpu.memory_space<vmem>>, vector<16xi32>,
        %parallel_loop3A_1035 = tpu.vector_load_idx %arg6[%parallel_loop3A_1034] : memref<100000xf32, #tpu.memory_space<vmem>>[vector<16xi32>], vector<16xf32>,
        %parallel_loop3A_1036 = arith.index_cast %parallel_loop3A_1027 : i32 to index
        %parallel_loop3A_1037 = arith.index_cast %parallel_loop3A_1031 : i32 to index
        %parallel_loop3A_1038 = tpu.vector_load %arg11[%parallel_loop3A_1036, %parallel_loop3A_1037] {strides = array<i32>} : memref<4x1024xf32, #tpu.memory_space<vmem>>, vector<16xf32>,
        tpu.vector_store %arg11[%parallel_loop3A_1036, %parallel_loop3A_1037], %parallel_loop3A_1035 {strides = array<i32>} : memref<4x1024xf32, #tpu.memory_space<vmem>>, vector<16xf32>,
      } {sc.loop_unroll_factor = 8 : i64, sc.parallel_access}
      %add3A_522 = arith.constant 12 : i32
      %add3A_523 = arith.addi %mul3A_2, %add3A_522 : i32
      %dma_start3A_524 = arith.constant 0 : i32
      %dma_start3A_525 = arith.constant 0 : i32
      %dma_start3A_526 = tpu.memref_slice %arg11[%dma_start3A_524, %dma_start3A_525] : memref<4x1024xf32, #tpu.memory_space<vmem>> -> memref<4x1024xf32, #tpu.memory_space<vmem>>
      %dma_start3A_527 = arith.constant 0 : i32
      %dma_start3A_528 = tpu.memref_slice %arg5[%add3A_523, %add3A_300, %dma_start3A_527] : memref<50x848x1024xf32, #tpu.memory_space<hbm>> -> memref<4x1x1024xf32, #tpu.memory_space<hbm>>
      %dma_start3A_529 = tpu.memref_squeeze %dma_start3A_528 : memref<4x1x1024xf32, #tpu.memory_space<hbm>> -> memref<4x1024xf32, #tpu.memory_space<hbm>>
      %dma_start3A_530 = arith.constant 0 : i32
      %dma_start3A_531 = tpu.memref_slice %arg5[%add3A_523, %add3A_300, %dma_start3A_530] : memref<50x848x1024xf32, #tpu.memory_space<hbm>> -> memref<4x1x1024xf32, #tpu.memory_space<hbm>>
      %dma_start3A_532 = tpu.memref_squeeze %dma_start3A_531 : memref<4x1x1024xf32, #tpu.memory_space<hbm>> -> memref<4x1024xf32, #tpu.memory_space<hbm>>
      %dma_start3A_533 = arith.constant 0 : i32
      %dma_start3A_534 = arith.constant 0 : i32
      %dma_start3A_535 = tpu.memref_slice %arg11[%dma_start3A_533, %dma_start3A_534] : memref<4x1024xf32, #tpu.memory_space<vmem>> -> memref<4x1024xf32, #tpu.memory_space<vmem>>
      tpu.enqueue_dma source(%dma_start3A_535 : memref<4x1024xf32, #tpu.memory_space<vmem>>) target(%dma_start3A_532 : memref<4x1024xf32, #tpu.memory_space<hbm>>) target_semaphore(%arg19 : memref<!tpu.dma_semaphore, #tpu.memory_space<semaphore_mem>>)
      %add3A_536 = arith.constant 28 : i32
      %add3A_537 = arith.addi %mul3A_2, %add3A_536 : i32
      %dma_start3A_538 = arith.constant 0 : i32
      %dma_start3A_539 = arith.constant 0 : i32
      %dma_start3A_540 = tpu.memref_slice %arg10[%dma_start3A_538, %dma_start3A_539] : memref<4x1024xi32, #tpu.memory_space<vmem>> -> memref<4x1024xi32, #tpu.memory_space<vmem>>
      %dma_start3A_541 = arith.constant 0 : i32
      %dma_start3A_542 = tpu.memref_slice %arg3[%select_n3A_292, %add3A_537, %dma_start3A_541] : memref<26x50x1024xi32, #tpu.memory_space<hbm>> -> memref<1x4x1024xi32, #tpu.memory_space<hbm>>
      %dma_start3A_543 = tpu.memref_squeeze %dma_start3A_542 : memref<1x4x1024xi32, #tpu.memory_space<hbm>> -> memref<4x1024xi32, #tpu.memory_space<hbm>>
      %dma_start3A_544 = arith.constant 0 : i32
      %dma_start3A_545 = arith.constant 0 : i32
      %dma_start3A_546 = tpu.memref_slice %arg10[%dma_start3A_544, %dma_start3A_545] : memref<4x1024xi32, #tpu.memory_space<vmem>> -> memref<4x1024xi32, #tpu.memory_space<vmem>>
      %dma_start3A_547 = arith.constant 0 : i32
      %dma_start3A_548 = tpu.memref_slice %arg3[%select_n3A_292, %add3A_537, %dma_start3A_547] : memref<26x50x1024xi32, #tpu.memory_space<hbm>> -> memref<1x4x1024xi32, #tpu.memory_space<hbm>>
      %dma_start3A_549 = tpu.memref_squeeze %dma_start3A_548 : memref<1x4x1024xi32, #tpu.memory_space<hbm>> -> memref<4x1024xi32, #tpu.memory_space<hbm>>
      tpu.enqueue_dma source(%dma_start3A_549 : memref<4x1024xi32, #tpu.memory_space<hbm>>) target(%dma_start3A_546 : memref<4x1024xi32, #tpu.memory_space<vmem>>) target_semaphore(%arg18 : memref<!tpu.dma_semaphore, #tpu.memory_space<semaphore_mem>>)
      %dma_wait3A_550 = arith.constant 0 : i32
      %dma_wait3A_551 = arith.constant 0 : i32
      %dma_wait3A_552 = tpu.memref_slice %arg7[%dma_wait3A_550, %dma_wait3A_551] : memref<4x1024xi32, #tpu.memory_space<vmem>> -> memref<4x1024xi32, #tpu.memory_space<vmem>>
      %dma_wait3A_553 = arith.constant 0 : i32
      %dma_wait3A_554 = tpu.memref_slice %arg3[%select_n3A_292, %add3A_396, %dma_wait3A_553] : memref<26x50x1024xi32, #tpu.memory_space<hbm>> -> memref<1x4x1024xi32, #tpu.memory_space<hbm>>
      %dma_wait3A_555 = tpu.memref_squeeze %dma_wait3A_554 : memref<1x4x1024xi32, #tpu.memory_space<hbm>> -> memref<4x1024xi32, #tpu.memory_space<hbm>>
      %dma_wait3A_556 = arith.constant 0 : i32
      %dma_wait3A_557 = arith.constant 0 : i32
      %dma_wait3A_558 = tpu.memref_slice %arg7[%dma_wait3A_556, %dma_wait3A_557] : memref<4x1024xi32, #tpu.memory_space<vmem>> -> memref<4x1024xi32, #tpu.memory_space<vmem>>
      %dma_wait3A_559 = arith.constant 0 : i32
      %dma_wait3A_560 = tpu.memref_slice %arg3[%select_n3A_292, %add3A_396, %dma_wait3A_559] : memref<26x50x1024xi32, #tpu.memory_space<hbm>> -> memref<1x4x1024xi32, #tpu.memory_space<hbm>>
      %dma_wait3A_561 = tpu.memref_squeeze %dma_wait3A_560 : memref<1x4x1024xi32, #tpu.memory_space<hbm>> -> memref<4x1024xi32, #tpu.memory_space<hbm>>
      tpu.wait_dma2 semaphore(%arg15 : memref<!tpu.dma_semaphore, #tpu.memory_space<semaphore_mem>>) src(%dma_wait3A_561 : memref<4x1024xi32, #tpu.memory_space<hbm>>) dst(%dma_wait3A_558 : memref<4x1024xi32, #tpu.memory_space<vmem>>)
      %dma_wait3A_562 = arith.constant 0 : i32
      %dma_wait3A_563 = arith.constant 0 : i32
      %dma_wait3A_564 = tpu.memref_slice %arg12[%dma_wait3A_562, %dma_wait3A_563] : memref<4x1024xf32, #tpu.memory_space<vmem>> -> memref<4x1024xf32, #tpu.memory_space<vmem>>
      %dma_wait3A_565 = arith.constant 0 : i32
      %dma_wait3A_566 = tpu.memref_slice %arg5[%add3A_425, %add3A_300, %dma_wait3A_565] : memref<50x848x1024xf32, #tpu.memory_space<hbm>> -> memref<4x1x1024xf32, #tpu.memory_space<hbm>>
      %dma_wait3A_567 = tpu.memref_squeeze %dma_wait3A_566 : memref<4x1x1024xf32, #tpu.memory_space<hbm>> -> memref<4x1024xf32, #tpu.memory_space<hbm>>
      %dma_wait3A_568 = arith.constant 0 : i32
      %dma_wait3A_569 = tpu.memref_slice %arg5[%add3A_425, %add3A_300, %dma_wait3A_568] : memref<50x848x1024xf32, #tpu.memory_space<hbm>> -> memref<4x1x1024xf32, #tpu.memory_space<hbm>>
      %dma_wait3A_570 = tpu.memref_squeeze %dma_wait3A_569 : memref<4x1x1024xf32, #tpu.memory_space<hbm>> -> memref<4x1024xf32, #tpu.memory_space<hbm>>
      %dma_wait3A_571 = arith.constant 0 : i32
      %dma_wait3A_572 = arith.constant 0 : i32
      %dma_wait3A_573 = tpu.memref_slice %arg12[%dma_wait3A_571, %dma_wait3A_572] : memref<4x1024xf32, #tpu.memory_space<vmem>> -> memref<4x1024xf32, #tpu.memory_space<vmem>>
      tpu.wait_dma2 semaphore(%arg20 : memref<!tpu.dma_semaphore, #tpu.memory_space<semaphore_mem>>) src(%dma_wait3A_573 : memref<4x1024xf32, #tpu.memory_space<vmem>>) dst(%dma_wait3A_570 : memref<4x1024xf32, #tpu.memory_space<hbm>>)
      %parallel_loop3A_574 = arith.constant 0 : i32
      %parallel_loop3A_575 = arith.constant 256 : i32
      %parallel_loop3A_576 = arith.constant 1 : i32
      scf.for %parallel_loop3A_1025 = %parallel_loop3A_574 to %parallel_loop3A_575 step %parallel_loop3A_576  : i32 {
        %parallel_loop3A_1026 = arith.constant 6 : i32
        %parallel_loop3A_1027 = arith.shrui %parallel_loop3A_1025, %parallel_loop3A_1026 : i32
        %parallel_loop3A_1028 = arith.constant 63 : i32
        %parallel_loop3A_1029 = arith.andi %parallel_loop3A_1025, %parallel_loop3A_1028 : i32
        %parallel_loop3A_1030 = arith.constant 16 : i32
        %parallel_loop3A_1031 = arith.muli %parallel_loop3A_1029, %parallel_loop3A_1030 : i32
        %parallel_loop3A_1032 = arith.index_cast %parallel_loop3A_1027 : i32 to index
        %parallel_loop3A_1033 = arith.index_cast %parallel_loop3A_1031 : i32 to index
        %parallel_loop3A_1034 = tpu.vector_load %arg7[%parallel_loop3A_1032, %parallel_loop3A_1033] {strides = array<i32>} : memref<4x1024xi32, #tpu.memory_space<vmem>>, vector<16xi32>,
        %parallel_loop3A_1035 = tpu.vector_load_idx %arg6[%parallel_loop3A_1034] : memref<100000xf32, #tpu.memory_space<vmem>>[vector<16xi32>], vector<16xf32>,
        %parallel_loop3A_1036 = arith.index_cast %parallel_loop3A_1027 : i32 to index
        %parallel_loop3A_1037 = arith.index_cast %parallel_loop3A_1031 : i32 to index
        %parallel_loop3A_1038 = tpu.vector_load %arg12[%parallel_loop3A_1036, %parallel_loop3A_1037] {strides = array<i32>} : memref<4x1024xf32, #tpu.memory_space<vmem>>, vector<16xf32>,
        tpu.vector_store %arg12[%parallel_loop3A_1036, %parallel_loop3A_1037], %parallel_loop3A_1035 {strides = array<i32>} : memref<4x1024xf32, #tpu.memory_space<vmem>>, vector<16xf32>,
      } {sc.loop_unroll_factor = 8 : i64, sc.parallel_access}
      %add3A_577 = arith.constant 16 : i32
      %add3A_578 = arith.addi %mul3A_2, %add3A_577 : i32
      %dma_start3A_579 = arith.constant 0 : i32
      %dma_start3A_580 = arith.constant 0 : i32
      %dma_start3A_581 = tpu.memref_slice %arg12[%dma_start3A_579, %dma_start3A_580] : memref<4x1024xf32, #tpu.memory_space<vmem>> -> memref<4x1024xf32, #tpu.memory_space<vmem>>
      %dma_start3A_582 = arith.constant 0 : i32
      %dma_start3A_583 = tpu.memref_slice %arg5[%add3A_578, %add3A_300, %dma_start3A_582] : memref<50x848x1024xf32, #tpu.memory_space<hbm>> -> memref<4x1x1024xf32, #tpu.memory_space<hbm>>
      %dma_start3A_584 = tpu.memref_squeeze %dma_start3A_583 : memref<4x1x1024xf32, #tpu.memory_space<hbm>> -> memref<4x1024xf32, #tpu.memory_space<hbm>>
      %dma_start3A_585 = arith.constant 0 : i32
      %dma_start3A_586 = tpu.memref_slice %arg5[%add3A_578, %add3A_300, %dma_start3A_585] : memref<50x848x1024xf32, #tpu.memory_space<hbm>> -> memref<4x1x1024xf32, #tpu.memory_space<hbm>>
      %dma_start3A_587 = tpu.memref_squeeze %dma_start3A_586 : memref<4x1x1024xf32, #tpu.memory_space<hbm>> -> memref<4x1024xf32, #tpu.memory_space<hbm>>
      %dma_start3A_588 = arith.constant 0 : i32
      %dma_start3A_589 = arith.constant 0 : i32
      %dma_start3A_590 = tpu.memref_slice %arg12[%dma_start3A_588, %dma_start3A_589] : memref<4x1024xf32, #tpu.memory_space<vmem>> -> memref<4x1024xf32, #tpu.memory_space<vmem>>
      tpu.enqueue_dma source(%dma_start3A_590 : memref<4x1024xf32, #tpu.memory_space<vmem>>) target(%dma_start3A_587 : memref<4x1024xf32, #tpu.memory_space<hbm>>) target_semaphore(%arg20 : memref<!tpu.dma_semaphore, #tpu.memory_space<semaphore_mem>>)
      %add3A_591 = arith.constant 32 : i32
      %add3A_592 = arith.addi %mul3A_2, %add3A_591 : i32
      %dma_start3A_593 = arith.constant 0 : i32
      %dma_start3A_594 = arith.constant 0 : i32
      %dma_start3A_595 = tpu.memref_slice %arg7[%dma_start3A_593, %dma_start3A_594] : memref<4x1024xi32, #tpu.memory_space<vmem>> -> memref<4x1024xi32, #tpu.memory_space<vmem>>
      %dma_start3A_596 = arith.constant 0 : i32
      %dma_start3A_597 = tpu.memref_slice %arg3[%select_n3A_292, %add3A_592, %dma_start3A_596] : memref<26x50x1024xi32, #tpu.memory_space<hbm>> -> memref<1x4x1024xi32, #tpu.memory_space<hbm>>
      %dma_start3A_598 = tpu.memref_squeeze %dma_start3A_597 : memref<1x4x1024xi32, #tpu.memory_space<hbm>> -> memref<4x1024xi32, #tpu.memory_space<hbm>>
      %dma_start3A_599 = arith.constant 0 : i32
      %dma_start3A_600 = arith.constant 0 : i32
      %dma_start3A_601 = tpu.memref_slice %arg7[%dma_start3A_599, %dma_start3A_600] : memref<4x1024xi32, #tpu.memory_space<vmem>> -> memref<4x1024xi32, #tpu.memory_space<vmem>>
      %dma_start3A_602 = arith.constant 0 : i32
      %dma_start3A_603 = tpu.memref_slice %arg3[%select_n3A_292, %add3A_592, %dma_start3A_602] : memref<26x50x1024xi32, #tpu.memory_space<hbm>> -> memref<1x4x1024xi32, #tpu.memory_space<hbm>>
      %dma_start3A_604 = tpu.memref_squeeze %dma_start3A_603 : memref<1x4x1024xi32, #tpu.memory_space<hbm>> -> memref<4x1024xi32, #tpu.memory_space<hbm>>
      tpu.enqueue_dma source(%dma_start3A_604 : memref<4x1024xi32, #tpu.memory_space<hbm>>) target(%dma_start3A_601 : memref<4x1024xi32, #tpu.memory_space<vmem>>) target_semaphore(%arg15 : memref<!tpu.dma_semaphore, #tpu.memory_space<semaphore_mem>>)
      %dma_wait3A_605 = arith.constant 0 : i32
      %dma_wait3A_606 = arith.constant 0 : i32
      %dma_wait3A_607 = tpu.memref_slice %arg8[%dma_wait3A_605, %dma_wait3A_606] : memref<4x1024xi32, #tpu.memory_space<vmem>> -> memref<4x1024xi32, #tpu.memory_space<vmem>>
      %dma_wait3A_608 = arith.constant 0 : i32
      %dma_wait3A_609 = tpu.memref_slice %arg3[%select_n3A_292, %add3A_439, %dma_wait3A_608] : memref<26x50x1024xi32, #tpu.memory_space<hbm>> -> memref<1x4x1024xi32, #tpu.memory_space<hbm>>
      %dma_wait3A_610 = tpu.memref_squeeze %dma_wait3A_609 : memref<1x4x1024xi32, #tpu.memory_space<hbm>> -> memref<4x1024xi32, #tpu.memory_space<hbm>>
      %dma_wait3A_611 = arith.constant 0 : i32
      %dma_wait3A_612 = arith.constant 0 : i32
      %dma_wait3A_613 = tpu.memref_slice %arg8[%dma_wait3A_611, %dma_wait3A_612] : memref<4x1024xi32, #tpu.memory_space<vmem>> -> memref<4x1024xi32, #tpu.memory_space<vmem>>
      %dma_wait3A_614 = arith.constant 0 : i32
      %dma_wait3A_615 = tpu.memref_slice %arg3[%select_n3A_292, %add3A_439, %dma_wait3A_614] : memref<26x50x1024xi32, #tpu.memory_space<hbm>> -> memref<1x4x1024xi32, #tpu.memory_space<hbm>>
      %dma_wait3A_616 = tpu.memref_squeeze %dma_wait3A_615 : memref<1x4x1024xi32, #tpu.memory_space<hbm>> -> memref<4x1024xi32, #tpu.memory_space<hbm>>
      tpu.wait_dma2 semaphore(%arg16 : memref<!tpu.dma_semaphore, #tpu.memory_space<semaphore_mem>>) src(%dma_wait3A_616 : memref<4x1024xi32, #tpu.memory_space<hbm>>) dst(%dma_wait3A_613 : memref<4x1024xi32, #tpu.memory_space<vmem>>)
      %dma_wait3A_617 = arith.constant 0 : i32
      %dma_wait3A_618 = arith.constant 0 : i32
      %dma_wait3A_619 = tpu.memref_slice %arg13[%dma_wait3A_617, %dma_wait3A_618] : memref<4x1024xf32, #tpu.memory_space<vmem>> -> memref<4x1024xf32, #tpu.memory_space<vmem>>
      %dma_wait3A_620 = arith.constant 0 : i32
      %dma_wait3A_621 = tpu.memref_slice %arg5[%add3A_468, %add3A_300, %dma_wait3A_620] : memref<50x848x1024xf32, #tpu.memory_space<hbm>> -> memref<4x1x1024xf32, #tpu.memory_space<hbm>>
      %dma_wait3A_622 = tpu.memref_squeeze %dma_wait3A_621 : memref<4x1x1024xf32, #tpu.memory_space<hbm>> -> memref<4x1024xf32, #tpu.memory_space<hbm>>
      %dma_wait3A_623 = arith.constant 0 : i32
      %dma_wait3A_624 = tpu.memref_slice %arg5[%add3A_468, %add3A_300, %dma_wait3A_623] : memref<50x848x1024xf32, #tpu.memory_space<hbm>> -> memref<4x1x1024xf32, #tpu.memory_space<hbm>>
      %dma_wait3A_625 = tpu.memref_squeeze %dma_wait3A_624 : memref<4x1x1024xf32, #tpu.memory_space<hbm>> -> memref<4x1024xf32, #tpu.memory_space<hbm>>
      %dma_wait3A_626 = arith.constant 0 : i32
      %dma_wait3A_627 = arith.constant 0 : i32
      %dma_wait3A_628 = tpu.memref_slice %arg13[%dma_wait3A_626, %dma_wait3A_627] : memref<4x1024xf32, #tpu.memory_space<vmem>> -> memref<4x1024xf32, #tpu.memory_space<vmem>>
      tpu.wait_dma2 semaphore(%arg21 : memref<!tpu.dma_semaphore, #tpu.memory_space<semaphore_mem>>) src(%dma_wait3A_628 : memref<4x1024xf32, #tpu.memory_space<vmem>>) dst(%dma_wait3A_625 : memref<4x1024xf32, #tpu.memory_space<hbm>>)
      %parallel_loop3A_629 = arith.constant 0 : i32
      %parallel_loop3A_630 = arith.constant 256 : i32
      %parallel_loop3A_631 = arith.constant 1 : i32
      scf.for %parallel_loop3A_1025 = %parallel_loop3A_629 to %parallel_loop3A_630 step %parallel_loop3A_631  : i32 {
        %parallel_loop3A_1026 = arith.constant 6 : i32
        %parallel_loop3A_1027 = arith.shrui %parallel_loop3A_1025, %parallel_loop3A_1026 : i32
        %parallel_loop3A_1028 = arith.constant 63 : i32
        %parallel_loop3A_1029 = arith.andi %parallel_loop3A_1025, %parallel_loop3A_1028 : i32
        %parallel_loop3A_1030 = arith.constant 16 : i32
        %parallel_loop3A_1031 = arith.muli %parallel_loop3A_1029, %parallel_loop3A_1030 : i32
        %parallel_loop3A_1032 = arith.index_cast %parallel_loop3A_1027 : i32 to index
        %parallel_loop3A_1033 = arith.index_cast %parallel_loop3A_1031 : i32 to index
        %parallel_loop3A_1034 = tpu.vector_load %arg8[%parallel_loop3A_1032, %parallel_loop3A_1033] {strides = array<i32>} : memref<4x1024xi32, #tpu.memory_space<vmem>>, vector<16xi32>,
        %parallel_loop3A_1035 = tpu.vector_load_idx %arg6[%parallel_loop3A_1034] : memref<100000xf32, #tpu.memory_space<vmem>>[vector<16xi32>], vector<16xf32>,
        %parallel_loop3A_1036 = arith.index_cast %parallel_loop3A_1027 : i32 to index
        %parallel_loop3A_1037 = arith.index_cast %parallel_loop3A_1031 : i32 to index
        %parallel_loop3A_1038 = tpu.vector_load %arg13[%parallel_loop3A_1036, %parallel_loop3A_1037] {strides = array<i32>} : memref<4x1024xf32, #tpu.memory_space<vmem>>, vector<16xf32>,
        tpu.vector_store %arg13[%parallel_loop3A_1036, %parallel_loop3A_1037], %parallel_loop3A_1035 {strides = array<i32>} : memref<4x1024xf32, #tpu.memory_space<vmem>>, vector<16xf32>,
      } {sc.loop_unroll_factor = 8 : i64, sc.parallel_access}
      %add3A_632 = arith.constant 20 : i32
      %add3A_633 = arith.addi %mul3A_2, %add3A_632 : i32
      %dma_start3A_634 = arith.constant 0 : i32
      %dma_start3A_635 = arith.constant 0 : i32
      %dma_start3A_636 = tpu.memref_slice %arg13[%dma_start3A_634, %dma_start3A_635] : memref<4x1024xf32, #tpu.memory_space<vmem>> -> memref<4x1024xf32, #tpu.memory_space<vmem>>
      %dma_start3A_637 = arith.constant 0 : i32
      %dma_start3A_638 = tpu.memref_slice %arg5[%add3A_633, %add3A_300, %dma_start3A_637] : memref<50x848x1024xf32, #tpu.memory_space<hbm>> -> memref<4x1x1024xf32, #tpu.memory_space<hbm>>
      %dma_start3A_639 = tpu.memref_squeeze %dma_start3A_638 : memref<4x1x1024xf32, #tpu.memory_space<hbm>> -> memref<4x1024xf32, #tpu.memory_space<hbm>>
      %dma_start3A_640 = arith.constant 0 : i32
      %dma_start3A_641 = tpu.memref_slice %arg5[%add3A_633, %add3A_300, %dma_start3A_640] : memref<50x848x1024xf32, #tpu.memory_space<hbm>> -> memref<4x1x1024xf32, #tpu.memory_space<hbm>>
      %dma_start3A_642 = tpu.memref_squeeze %dma_start3A_641 : memref<4x1x1024xf32, #tpu.memory_space<hbm>> -> memref<4x1024xf32, #tpu.memory_space<hbm>>
      %dma_start3A_643 = arith.constant 0 : i32
      %dma_start3A_644 = arith.constant 0 : i32
      %dma_start3A_645 = tpu.memref_slice %arg13[%dma_start3A_643, %dma_start3A_644] : memref<4x1024xf32, #tpu.memory_space<vmem>> -> memref<4x1024xf32, #tpu.memory_space<vmem>>
      tpu.enqueue_dma source(%dma_start3A_645 : memref<4x1024xf32, #tpu.memory_space<vmem>>) target(%dma_start3A_642 : memref<4x1024xf32, #tpu.memory_space<hbm>>) target_semaphore(%arg21 : memref<!tpu.dma_semaphore, #tpu.memory_space<semaphore_mem>>)
      %add3A_646 = arith.constant 36 : i32
      %add3A_647 = arith.addi %mul3A_2, %add3A_646 : i32
      %dma_start3A_648 = arith.constant 0 : i32
      %dma_start3A_649 = arith.constant 0 : i32
      %dma_start3A_650 = tpu.memref_slice %arg8[%dma_start3A_648, %dma_start3A_649] : memref<4x1024xi32, #tpu.memory_space<vmem>> -> memref<4x1024xi32, #tpu.memory_space<vmem>>
      %dma_start3A_651 = arith.constant 0 : i32
      %dma_start3A_652 = tpu.memref_slice %arg3[%select_n3A_292, %add3A_647, %dma_start3A_651] : memref<26x50x1024xi32, #tpu.memory_space<hbm>> -> memref<1x4x1024xi32, #tpu.memory_space<hbm>>
      %dma_start3A_653 = tpu.memref_squeeze %dma_start3A_652 : memref<1x4x1024xi32, #tpu.memory_space<hbm>> -> memref<4x1024xi32, #tpu.memory_space<hbm>>
      %dma_start3A_654 = arith.constant 0 : i32
      %dma_start3A_655 = arith.constant 0 : i32
      %dma_start3A_656 = tpu.memref_slice %arg8[%dma_start3A_654, %dma_start3A_655] : memref<4x1024xi32, #tpu.memory_space<vmem>> -> memref<4x1024xi32, #tpu.memory_space<vmem>>
      %dma_start3A_657 = arith.constant 0 : i32
      %dma_start3A_658 = tpu.memref_slice %arg3[%select_n3A_292, %add3A_647, %dma_start3A_657] : memref<26x50x1024xi32, #tpu.memory_space<hbm>> -> memref<1x4x1024xi32, #tpu.memory_space<hbm>>
      %dma_start3A_659 = tpu.memref_squeeze %dma_start3A_658 : memref<1x4x1024xi32, #tpu.memory_space<hbm>> -> memref<4x1024xi32, #tpu.memory_space<hbm>>
      tpu.enqueue_dma source(%dma_start3A_659 : memref<4x1024xi32, #tpu.memory_space<hbm>>) target(%dma_start3A_656 : memref<4x1024xi32, #tpu.memory_space<vmem>>) target_semaphore(%arg16 : memref<!tpu.dma_semaphore, #tpu.memory_space<semaphore_mem>>)
      %dma_wait3A_660 = arith.constant 0 : i32
      %dma_wait3A_661 = arith.constant 0 : i32
      %dma_wait3A_662 = tpu.memref_slice %arg9[%dma_wait3A_660, %dma_wait3A_661] : memref<4x1024xi32, #tpu.memory_space<vmem>> -> memref<4x1024xi32, #tpu.memory_space<vmem>>
      %dma_wait3A_663 = arith.constant 0 : i32
      %dma_wait3A_664 = tpu.memref_slice %arg3[%select_n3A_292, %add3A_482, %dma_wait3A_663] : memref<26x50x1024xi32, #tpu.memory_space<hbm>> -> memref<1x4x1024xi32, #tpu.memory_space<hbm>>
      %dma_wait3A_665 = tpu.memref_squeeze %dma_wait3A_664 : memref<1x4x1024xi32, #tpu.memory_space<hbm>> -> memref<4x1024xi32, #tpu.memory_space<hbm>>
      %dma_wait3A_666 = arith.constant 0 : i32
      %dma_wait3A_667 = arith.constant 0 : i32
      %dma_wait3A_668 = tpu.memref_slice %arg9[%dma_wait3A_666, %dma_wait3A_667] : memref<4x1024xi32, #tpu.memory_space<vmem>> -> memref<4x1024xi32, #tpu.memory_space<vmem>>
      %dma_wait3A_669 = arith.constant 0 : i32
      %dma_wait3A_670 = tpu.memref_slice %arg3[%select_n3A_292, %add3A_482, %dma_wait3A_669] : memref<26x50x1024xi32, #tpu.memory_space<hbm>> -> memref<1x4x1024xi32, #tpu.memory_space<hbm>>
      %dma_wait3A_671 = tpu.memref_squeeze %dma_wait3A_670 : memref<1x4x1024xi32, #tpu.memory_space<hbm>> -> memref<4x1024xi32, #tpu.memory_space<hbm>>
      tpu.wait_dma2 semaphore(%arg17 : memref<!tpu.dma_semaphore, #tpu.memory_space<semaphore_mem>>) src(%dma_wait3A_671 : memref<4x1024xi32, #tpu.memory_space<hbm>>) dst(%dma_wait3A_668 : memref<4x1024xi32, #tpu.memory_space<vmem>>)
      %dma_wait3A_672 = arith.constant 0 : i32
      %dma_wait3A_673 = arith.constant 0 : i32
      %dma_wait3A_674 = tpu.memref_slice %arg11[%dma_wait3A_672, %dma_wait3A_673] : memref<4x1024xf32, #tpu.memory_space<vmem>> -> memref<4x1024xf32, #tpu.memory_space<vmem>>
      %dma_wait3A_675 = arith.constant 0 : i32
      %dma_wait3A_676 = tpu.memref_slice %arg5[%add3A_523, %add3A_300, %dma_wait3A_675] : memref<50x848x1024xf32, #tpu.memory_space<hbm>> -> memref<4x1x1024xf32, #tpu.memory_space<hbm>>
      %dma_wait3A_677 = tpu.memref_squeeze %dma_wait3A_676 : memref<4x1x1024xf32, #tpu.memory_space<hbm>> -> memref<4x1024xf32, #tpu.memory_space<hbm>>
      %dma_wait3A_678 = arith.constant 0 : i32
      %dma_wait3A_679 = tpu.memref_slice %arg5[%add3A_523, %add3A_300, %dma_wait3A_678] : memref<50x848x1024xf32, #tpu.memory_space<hbm>> -> memref<4x1x1024xf32, #tpu.memory_space<hbm>>
      %dma_wait3A_680 = tpu.memref_squeeze %dma_wait3A_679 : memref<4x1x1024xf32, #tpu.memory_space<hbm>> -> memref<4x1024xf32, #tpu.memory_space<hbm>>
      %dma_wait3A_681 = arith.constant 0 : i32
      %dma_wait3A_682 = arith.constant 0 : i32
      %dma_wait3A_683 = tpu.memref_slice %arg11[%dma_wait3A_681, %dma_wait3A_682] : memref<4x1024xf32, #tpu.memory_space<vmem>> -> memref<4x1024xf32, #tpu.memory_space<vmem>>
      tpu.wait_dma2 semaphore(%arg19 : memref<!tpu.dma_semaphore, #tpu.memory_space<semaphore_mem>>) src(%dma_wait3A_683 : memref<4x1024xf32, #tpu.memory_space<vmem>>) dst(%dma_wait3A_680 : memref<4x1024xf32, #tpu.memory_space<hbm>>)
      %parallel_loop3A_684 = arith.constant 0 : i32
      %parallel_loop3A_685 = arith.constant 256 : i32
      %parallel_loop3A_686 = arith.constant 1 : i32
      scf.for %parallel_loop3A_1025 = %parallel_loop3A_684 to %parallel_loop3A_685 step %parallel_loop3A_686  : i32 {
        %parallel_loop3A_1026 = arith.constant 6 : i32
        %parallel_loop3A_1027 = arith.shrui %parallel_loop3A_1025, %parallel_loop3A_1026 : i32
        %parallel_loop3A_1028 = arith.constant 63 : i32
        %parallel_loop3A_1029 = arith.andi %parallel_loop3A_1025, %parallel_loop3A_1028 : i32
        %parallel_loop3A_1030 = arith.constant 16 : i32
        %parallel_loop3A_1031 = arith.muli %parallel_loop3A_1029, %parallel_loop3A_1030 : i32
        %parallel_loop3A_1032 = arith.index_cast %parallel_loop3A_1027 : i32 to index
        %parallel_loop3A_1033 = arith.index_cast %parallel_loop3A_1031 : i32 to index
        %parallel_loop3A_1034 = tpu.vector_load %arg9[%parallel_loop3A_1032, %parallel_loop3A_1033] {strides = array<i32>} : memref<4x1024xi32, #tpu.memory_space<vmem>>, vector<16xi32>,
        %parallel_loop3A_1035 = tpu.vector_load_idx %arg6[%parallel_loop3A_1034] : memref<100000xf32, #tpu.memory_space<vmem>>[vector<16xi32>], vector<16xf32>,
        %parallel_loop3A_1036 = arith.index_cast %parallel_loop3A_1027 : i32 to index
        %parallel_loop3A_1037 = arith.index_cast %parallel_loop3A_1031 : i32 to index
        %parallel_loop3A_1038 = tpu.vector_load %arg11[%parallel_loop3A_1036, %parallel_loop3A_1037] {strides = array<i32>} : memref<4x1024xf32, #tpu.memory_space<vmem>>, vector<16xf32>,
        tpu.vector_store %arg11[%parallel_loop3A_1036, %parallel_loop3A_1037], %parallel_loop3A_1035 {strides = array<i32>} : memref<4x1024xf32, #tpu.memory_space<vmem>>, vector<16xf32>,
      } {sc.loop_unroll_factor = 8 : i64, sc.parallel_access}
      %add3A_687 = arith.constant 24 : i32
      %add3A_688 = arith.addi %mul3A_2, %add3A_687 : i32
      %dma_start3A_689 = arith.constant 0 : i32
      %dma_start3A_690 = arith.constant 0 : i32
      %dma_start3A_691 = tpu.memref_slice %arg11[%dma_start3A_689, %dma_start3A_690] : memref<4x1024xf32, #tpu.memory_space<vmem>> -> memref<4x1024xf32, #tpu.memory_space<vmem>>
      %dma_start3A_692 = arith.constant 0 : i32
      %dma_start3A_693 = tpu.memref_slice %arg5[%add3A_688, %add3A_300, %dma_start3A_692] : memref<50x848x1024xf32, #tpu.memory_space<hbm>> -> memref<4x1x1024xf32, #tpu.memory_space<hbm>>
      %dma_start3A_694 = tpu.memref_squeeze %dma_start3A_693 : memref<4x1x1024xf32, #tpu.memory_space<hbm>> -> memref<4x1024xf32, #tpu.memory_space<hbm>>
      %dma_start3A_695 = arith.constant 0 : i32
      %dma_start3A_696 = tpu.memref_slice %arg5[%add3A_688, %add3A_300, %dma_start3A_695] : memref<50x848x1024xf32, #tpu.memory_space<hbm>> -> memref<4x1x1024xf32, #tpu.memory_space<hbm>>
      %dma_start3A_697 = tpu.memref_squeeze %dma_start3A_696 : memref<4x1x1024xf32, #tpu.memory_space<hbm>> -> memref<4x1024xf32, #tpu.memory_space<hbm>>
      %dma_start3A_698 = arith.constant 0 : i32
      %dma_start3A_699 = arith.constant 0 : i32
      %dma_start3A_700 = tpu.memref_slice %arg11[%dma_start3A_698, %dma_start3A_699] : memref<4x1024xf32, #tpu.memory_space<vmem>> -> memref<4x1024xf32, #tpu.memory_space<vmem>>
      tpu.enqueue_dma source(%dma_start3A_700 : memref<4x1024xf32, #tpu.memory_space<vmem>>) target(%dma_start3A_697 : memref<4x1024xf32, #tpu.memory_space<hbm>>) target_semaphore(%arg19 : memref<!tpu.dma_semaphore, #tpu.memory_space<semaphore_mem>>)
      %add3A_701 = arith.constant 40 : i32
      %add3A_702 = arith.addi %mul3A_2, %add3A_701 : i32
      %dma_start3A_703 = arith.constant 0 : i32
      %dma_start3A_704 = arith.constant 0 : i32
      %dma_start3A_705 = tpu.memref_slice %arg9[%dma_start3A_703, %dma_start3A_704] : memref<4x1024xi32, #tpu.memory_space<vmem>> -> memref<4x1024xi32, #tpu.memory_space<vmem>>
      %dma_start3A_706 = arith.constant 0 : i32
      %dma_start3A_707 = tpu.memref_slice %arg3[%select_n3A_292, %add3A_702, %dma_start3A_706] : memref<26x50x1024xi32, #tpu.memory_space<hbm>> -> memref<1x4x1024xi32, #tpu.memory_space<hbm>>
      %dma_start3A_708 = tpu.memref_squeeze %dma_start3A_707 : memref<1x4x1024xi32, #tpu.memory_space<hbm>> -> memref<4x1024xi32, #tpu.memory_space<hbm>>
      %dma_start3A_709 = arith.constant 0 : i32
      %dma_start3A_710 = arith.constant 0 : i32
      %dma_start3A_711 = tpu.memref_slice %arg9[%dma_start3A_709, %dma_start3A_710] : memref<4x1024xi32, #tpu.memory_space<vmem>> -> memref<4x1024xi32, #tpu.memory_space<vmem>>
      %dma_start3A_712 = arith.constant 0 : i32
      %dma_start3A_713 = tpu.memref_slice %arg3[%select_n3A_292, %add3A_702, %dma_start3A_712] : memref<26x50x1024xi32, #tpu.memory_space<hbm>> -> memref<1x4x1024xi32, #tpu.memory_space<hbm>>
      %dma_start3A_714 = tpu.memref_squeeze %dma_start3A_713 : memref<1x4x1024xi32, #tpu.memory_space<hbm>> -> memref<4x1024xi32, #tpu.memory_space<hbm>>
      tpu.enqueue_dma source(%dma_start3A_714 : memref<4x1024xi32, #tpu.memory_space<hbm>>) target(%dma_start3A_711 : memref<4x1024xi32, #tpu.memory_space<vmem>>) target_semaphore(%arg17 : memref<!tpu.dma_semaphore, #tpu.memory_space<semaphore_mem>>)
      %dma_wait3A_715 = arith.constant 0 : i32
      %dma_wait3A_716 = arith.constant 0 : i32
      %dma_wait3A_717 = tpu.memref_slice %arg10[%dma_wait3A_715, %dma_wait3A_716] : memref<4x1024xi32, #tpu.memory_space<vmem>> -> memref<4x1024xi32, #tpu.memory_space<vmem>>
      %dma_wait3A_718 = arith.constant 0 : i32
      %dma_wait3A_719 = tpu.memref_slice %arg3[%select_n3A_292, %add3A_537, %dma_wait3A_718] : memref<26x50x1024xi32, #tpu.memory_space<hbm>> -> memref<1x4x1024xi32, #tpu.memory_space<hbm>>
      %dma_wait3A_720 = tpu.memref_squeeze %dma_wait3A_719 : memref<1x4x1024xi32, #tpu.memory_space<hbm>> -> memref<4x1024xi32, #tpu.memory_space<hbm>>
      %dma_wait3A_721 = arith.constant 0 : i32
      %dma_wait3A_722 = arith.constant 0 : i32
      %dma_wait3A_723 = tpu.memref_slice %arg10[%dma_wait3A_721, %dma_wait3A_722] : memref<4x1024xi32, #tpu.memory_space<vmem>> -> memref<4x1024xi32, #tpu.memory_space<vmem>>
      %dma_wait3A_724 = arith.constant 0 : i32
      %dma_wait3A_725 = tpu.memref_slice %arg3[%select_n3A_292, %add3A_537, %dma_wait3A_724] : memref<26x50x1024xi32, #tpu.memory_space<hbm>> -> memref<1x4x1024xi32, #tpu.memory_space<hbm>>
      %dma_wait3A_726 = tpu.memref_squeeze %dma_wait3A_725 : memref<1x4x1024xi32, #tpu.memory_space<hbm>> -> memref<4x1024xi32, #tpu.memory_space<hbm>>
      tpu.wait_dma2 semaphore(%arg18 : memref<!tpu.dma_semaphore, #tpu.memory_space<semaphore_mem>>) src(%dma_wait3A_726 : memref<4x1024xi32, #tpu.memory_space<hbm>>) dst(%dma_wait3A_723 : memref<4x1024xi32, #tpu.memory_space<vmem>>)
      %dma_wait3A_727 = arith.constant 0 : i32
      %dma_wait3A_728 = arith.constant 0 : i32
      %dma_wait3A_729 = tpu.memref_slice %arg12[%dma_wait3A_727, %dma_wait3A_728] : memref<4x1024xf32, #tpu.memory_space<vmem>> -> memref<4x1024xf32, #tpu.memory_space<vmem>>
      %dma_wait3A_730 = arith.constant 0 : i32
      %dma_wait3A_731 = tpu.memref_slice %arg5[%add3A_578, %add3A_300, %dma_wait3A_730] : memref<50x848x1024xf32, #tpu.memory_space<hbm>> -> memref<4x1x1024xf32, #tpu.memory_space<hbm>>
      %dma_wait3A_732 = tpu.memref_squeeze %dma_wait3A_731 : memref<4x1x1024xf32, #tpu.memory_space<hbm>> -> memref<4x1024xf32, #tpu.memory_space<hbm>>
      %dma_wait3A_733 = arith.constant 0 : i32
      %dma_wait3A_734 = tpu.memref_slice %arg5[%add3A_578, %add3A_300, %dma_wait3A_733] : memref<50x848x1024xf32, #tpu.memory_space<hbm>> -> memref<4x1x1024xf32, #tpu.memory_space<hbm>>
      %dma_wait3A_735 = tpu.memref_squeeze %dma_wait3A_734 : memref<4x1x1024xf32, #tpu.memory_space<hbm>> -> memref<4x1024xf32, #tpu.memory_space<hbm>>
      %dma_wait3A_736 = arith.constant 0 : i32
      %dma_wait3A_737 = arith.constant 0 : i32
      %dma_wait3A_738 = tpu.memref_slice %arg12[%dma_wait3A_736, %dma_wait3A_737] : memref<4x1024xf32, #tpu.memory_space<vmem>> -> memref<4x1024xf32, #tpu.memory_space<vmem>>
      tpu.wait_dma2 semaphore(%arg20 : memref<!tpu.dma_semaphore, #tpu.memory_space<semaphore_mem>>) src(%dma_wait3A_738 : memref<4x1024xf32, #tpu.memory_space<vmem>>) dst(%dma_wait3A_735 : memref<4x1024xf32, #tpu.memory_space<hbm>>)
      %parallel_loop3A_739 = arith.constant 0 : i32
      %parallel_loop3A_740 = arith.constant 256 : i32
      %parallel_loop3A_741 = arith.constant 1 : i32
      scf.for %parallel_loop3A_1025 = %parallel_loop3A_739 to %parallel_loop3A_740 step %parallel_loop3A_741  : i32 {
        %parallel_loop3A_1026 = arith.constant 6 : i32
        %parallel_loop3A_1027 = arith.shrui %parallel_loop3A_1025, %parallel_loop3A_1026 : i32
        %parallel_loop3A_1028 = arith.constant 63 : i32
        %parallel_loop3A_1029 = arith.andi %parallel_loop3A_1025, %parallel_loop3A_1028 : i32
        %parallel_loop3A_1030 = arith.constant 16 : i32
        %parallel_loop3A_1031 = arith.muli %parallel_loop3A_1029, %parallel_loop3A_1030 : i32
        %parallel_loop3A_1032 = arith.index_cast %parallel_loop3A_1027 : i32 to index
        %parallel_loop3A_1033 = arith.index_cast %parallel_loop3A_1031 : i32 to index
        %parallel_loop3A_1034 = tpu.vector_load %arg10[%parallel_loop3A_1032, %parallel_loop3A_1033] {strides = array<i32>} : memref<4x1024xi32, #tpu.memory_space<vmem>>, vector<16xi32>,
        %parallel_loop3A_1035 = tpu.vector_load_idx %arg6[%parallel_loop3A_1034] : memref<100000xf32, #tpu.memory_space<vmem>>[vector<16xi32>], vector<16xf32>,
        %parallel_loop3A_1036 = arith.index_cast %parallel_loop3A_1027 : i32 to index
        %parallel_loop3A_1037 = arith.index_cast %parallel_loop3A_1031 : i32 to index
        %parallel_loop3A_1038 = tpu.vector_load %arg12[%parallel_loop3A_1036, %parallel_loop3A_1037] {strides = array<i32>} : memref<4x1024xf32, #tpu.memory_space<vmem>>, vector<16xf32>,
        tpu.vector_store %arg12[%parallel_loop3A_1036, %parallel_loop3A_1037], %parallel_loop3A_1035 {strides = array<i32>} : memref<4x1024xf32, #tpu.memory_space<vmem>>, vector<16xf32>,
      } {sc.loop_unroll_factor = 8 : i64, sc.parallel_access}
      %add3A_742 = arith.constant 28 : i32
      %add3A_743 = arith.addi %mul3A_2, %add3A_742 : i32
      %dma_start3A_744 = arith.constant 0 : i32
      %dma_start3A_745 = arith.constant 0 : i32
      %dma_start3A_746 = tpu.memref_slice %arg12[%dma_start3A_744, %dma_start3A_745] : memref<4x1024xf32, #tpu.memory_space<vmem>> -> memref<4x1024xf32, #tpu.memory_space<vmem>>
      %dma_start3A_747 = arith.constant 0 : i32
      %dma_start3A_748 = tpu.memref_slice %arg5[%add3A_743, %add3A_300, %dma_start3A_747] : memref<50x848x1024xf32, #tpu.memory_space<hbm>> -> memref<4x1x1024xf32, #tpu.memory_space<hbm>>
      %dma_start3A_749 = tpu.memref_squeeze %dma_start3A_748 : memref<4x1x1024xf32, #tpu.memory_space<hbm>> -> memref<4x1024xf32, #tpu.memory_space<hbm>>
      %dma_start3A_750 = arith.constant 0 : i32
      %dma_start3A_751 = tpu.memref_slice %arg5[%add3A_743, %add3A_300, %dma_start3A_750] : memref<50x848x1024xf32, #tpu.memory_space<hbm>> -> memref<4x1x1024xf32, #tpu.memory_space<hbm>>
      %dma_start3A_752 = tpu.memref_squeeze %dma_start3A_751 : memref<4x1x1024xf32, #tpu.memory_space<hbm>> -> memref<4x1024xf32, #tpu.memory_space<hbm>>
      %dma_start3A_753 = arith.constant 0 : i32
      %dma_start3A_754 = arith.constant 0 : i32
      %dma_start3A_755 = tpu.memref_slice %arg12[%dma_start3A_753, %dma_start3A_754] : memref<4x1024xf32, #tpu.memory_space<vmem>> -> memref<4x1024xf32, #tpu.memory_space<vmem>>
      tpu.enqueue_dma source(%dma_start3A_755 : memref<4x1024xf32, #tpu.memory_space<vmem>>) target(%dma_start3A_752 : memref<4x1024xf32, #tpu.memory_space<hbm>>) target_semaphore(%arg20 : memref<!tpu.dma_semaphore, #tpu.memory_space<semaphore_mem>>)
      %add3A_756 = arith.constant 44 : i32
      %add3A_757 = arith.addi %mul3A_2, %add3A_756 : i32
      %dma_start3A_758 = arith.constant 0 : i32
      %dma_start3A_759 = arith.constant 0 : i32
      %dma_start3A_760 = tpu.memref_slice %arg10[%dma_start3A_758, %dma_start3A_759] : memref<4x1024xi32, #tpu.memory_space<vmem>> -> memref<4x1024xi32, #tpu.memory_space<vmem>>
      %dma_start3A_761 = arith.constant 0 : i32
      %dma_start3A_762 = tpu.memref_slice %arg3[%select_n3A_292, %add3A_757, %dma_start3A_761] : memref<26x50x1024xi32, #tpu.memory_space<hbm>> -> memref<1x4x1024xi32, #tpu.memory_space<hbm>>
      %dma_start3A_763 = tpu.memref_squeeze %dma_start3A_762 : memref<1x4x1024xi32, #tpu.memory_space<hbm>> -> memref<4x1024xi32, #tpu.memory_space<hbm>>
      %dma_start3A_764 = arith.constant 0 : i32
      %dma_start3A_765 = arith.constant 0 : i32
      %dma_start3A_766 = tpu.memref_slice %arg10[%dma_start3A_764, %dma_start3A_765] : memref<4x1024xi32, #tpu.memory_space<vmem>> -> memref<4x1024xi32, #tpu.memory_space<vmem>>
      %dma_start3A_767 = arith.constant 0 : i32
      %dma_start3A_768 = tpu.memref_slice %arg3[%select_n3A_292, %add3A_757, %dma_start3A_767] : memref<26x50x1024xi32, #tpu.memory_space<hbm>> -> memref<1x4x1024xi32, #tpu.memory_space<hbm>>
      %dma_start3A_769 = tpu.memref_squeeze %dma_start3A_768 : memref<1x4x1024xi32, #tpu.memory_space<hbm>> -> memref<4x1024xi32, #tpu.memory_space<hbm>>
      tpu.enqueue_dma source(%dma_start3A_769 : memref<4x1024xi32, #tpu.memory_space<hbm>>) target(%dma_start3A_766 : memref<4x1024xi32, #tpu.memory_space<vmem>>) target_semaphore(%arg18 : memref<!tpu.dma_semaphore, #tpu.memory_space<semaphore_mem>>)
      %dma_wait3A_770 = arith.constant 0 : i32
      %dma_wait3A_771 = arith.constant 0 : i32
      %dma_wait3A_772 = tpu.memref_slice %arg7[%dma_wait3A_770, %dma_wait3A_771] : memref<4x1024xi32, #tpu.memory_space<vmem>> -> memref<4x1024xi32, #tpu.memory_space<vmem>>
      %dma_wait3A_773 = arith.constant 0 : i32
      %dma_wait3A_774 = tpu.memref_slice %arg3[%select_n3A_292, %add3A_592, %dma_wait3A_773] : memref<26x50x1024xi32, #tpu.memory_space<hbm>> -> memref<1x4x1024xi32, #tpu.memory_space<hbm>>
      %dma_wait3A_775 = tpu.memref_squeeze %dma_wait3A_774 : memref<1x4x1024xi32, #tpu.memory_space<hbm>> -> memref<4x1024xi32, #tpu.memory_space<hbm>>
      %dma_wait3A_776 = arith.constant 0 : i32
      %dma_wait3A_777 = arith.constant 0 : i32
      %dma_wait3A_778 = tpu.memref_slice %arg7[%dma_wait3A_776, %dma_wait3A_777] : memref<4x1024xi32, #tpu.memory_space<vmem>> -> memref<4x1024xi32, #tpu.memory_space<vmem>>
      %dma_wait3A_779 = arith.constant 0 : i32
      %dma_wait3A_780 = tpu.memref_slice %arg3[%select_n3A_292, %add3A_592, %dma_wait3A_779] : memref<26x50x1024xi32, #tpu.memory_space<hbm>> -> memref<1x4x1024xi32, #tpu.memory_space<hbm>>
      %dma_wait3A_781 = tpu.memref_squeeze %dma_wait3A_780 : memref<1x4x1024xi32, #tpu.memory_space<hbm>> -> memref<4x1024xi32, #tpu.memory_space<hbm>>
      tpu.wait_dma2 semaphore(%arg15 : memref<!tpu.dma_semaphore, #tpu.memory_space<semaphore_mem>>) src(%dma_wait3A_781 : memref<4x1024xi32, #tpu.memory_space<hbm>>) dst(%dma_wait3A_778 : memref<4x1024xi32, #tpu.memory_space<vmem>>)
      %dma_wait3A_782 = arith.constant 0 : i32
      %dma_wait3A_783 = arith.constant 0 : i32
      %dma_wait3A_784 = tpu.memref_slice %arg13[%dma_wait3A_782, %dma_wait3A_783] : memref<4x1024xf32, #tpu.memory_space<vmem>> -> memref<4x1024xf32, #tpu.memory_space<vmem>>
      %dma_wait3A_785 = arith.constant 0 : i32
      %dma_wait3A_786 = tpu.memref_slice %arg5[%add3A_633, %add3A_300, %dma_wait3A_785] : memref<50x848x1024xf32, #tpu.memory_space<hbm>> -> memref<4x1x1024xf32, #tpu.memory_space<hbm>>
      %dma_wait3A_787 = tpu.memref_squeeze %dma_wait3A_786 : memref<4x1x1024xf32, #tpu.memory_space<hbm>> -> memref<4x1024xf32, #tpu.memory_space<hbm>>
      %dma_wait3A_788 = arith.constant 0 : i32
      %dma_wait3A_789 = tpu.memref_slice %arg5[%add3A_633, %add3A_300, %dma_wait3A_788] : memref<50x848x1024xf32, #tpu.memory_space<hbm>> -> memref<4x1x1024xf32, #tpu.memory_space<hbm>>
      %dma_wait3A_790 = tpu.memref_squeeze %dma_wait3A_789 : memref<4x1x1024xf32, #tpu.memory_space<hbm>> -> memref<4x1024xf32, #tpu.memory_space<hbm>>
      %dma_wait3A_791 = arith.constant 0 : i32
      %dma_wait3A_792 = arith.constant 0 : i32
      %dma_wait3A_793 = tpu.memref_slice %arg13[%dma_wait3A_791, %dma_wait3A_792] : memref<4x1024xf32, #tpu.memory_space<vmem>> -> memref<4x1024xf32, #tpu.memory_space<vmem>>
      tpu.wait_dma2 semaphore(%arg21 : memref<!tpu.dma_semaphore, #tpu.memory_space<semaphore_mem>>) src(%dma_wait3A_793 : memref<4x1024xf32, #tpu.memory_space<vmem>>) dst(%dma_wait3A_790 : memref<4x1024xf32, #tpu.memory_space<hbm>>)
      %parallel_loop3A_794 = arith.constant 0 : i32
      %parallel_loop3A_795 = arith.constant 256 : i32
      %parallel_loop3A_796 = arith.constant 1 : i32
      scf.for %parallel_loop3A_1025 = %parallel_loop3A_794 to %parallel_loop3A_795 step %parallel_loop3A_796  : i32 {
        %parallel_loop3A_1026 = arith.constant 6 : i32
        %parallel_loop3A_1027 = arith.shrui %parallel_loop3A_1025, %parallel_loop3A_1026 : i32
        %parallel_loop3A_1028 = arith.constant 63 : i32
        %parallel_loop3A_1029 = arith.andi %parallel_loop3A_1025, %parallel_loop3A_1028 : i32
        %parallel_loop3A_1030 = arith.constant 16 : i32
        %parallel_loop3A_1031 = arith.muli %parallel_loop3A_1029, %parallel_loop3A_1030 : i32
        %parallel_loop3A_1032 = arith.index_cast %parallel_loop3A_1027 : i32 to index
        %parallel_loop3A_1033 = arith.index_cast %parallel_loop3A_1031 : i32 to index
        %parallel_loop3A_1034 = tpu.vector_load %arg7[%parallel_loop3A_1032, %parallel_loop3A_1033] {strides = array<i32>} : memref<4x1024xi32, #tpu.memory_space<vmem>>, vector<16xi32>,
        %parallel_loop3A_1035 = tpu.vector_load_idx %arg6[%parallel_loop3A_1034] : memref<100000xf32, #tpu.memory_space<vmem>>[vector<16xi32>], vector<16xf32>,
        %parallel_loop3A_1036 = arith.index_cast %parallel_loop3A_1027 : i32 to index
        %parallel_loop3A_1037 = arith.index_cast %parallel_loop3A_1031 : i32 to index
        %parallel_loop3A_1038 = tpu.vector_load %arg13[%parallel_loop3A_1036, %parallel_loop3A_1037] {strides = array<i32>} : memref<4x1024xf32, #tpu.memory_space<vmem>>, vector<16xf32>,
        tpu.vector_store %arg13[%parallel_loop3A_1036, %parallel_loop3A_1037], %parallel_loop3A_1035 {strides = array<i32>} : memref<4x1024xf32, #tpu.memory_space<vmem>>, vector<16xf32>,
      } {sc.loop_unroll_factor = 8 : i64, sc.parallel_access}
      %add3A_797 = arith.constant 32 : i32
      %add3A_798 = arith.addi %mul3A_2, %add3A_797 : i32
      %dma_start3A_799 = arith.constant 0 : i32
      %dma_start3A_800 = arith.constant 0 : i32
      %dma_start3A_801 = tpu.memref_slice %arg13[%dma_start3A_799, %dma_start3A_800] : memref<4x1024xf32, #tpu.memory_space<vmem>> -> memref<4x1024xf32, #tpu.memory_space<vmem>>
      %dma_start3A_802 = arith.constant 0 : i32
      %dma_start3A_803 = tpu.memref_slice %arg5[%add3A_798, %add3A_300, %dma_start3A_802] : memref<50x848x1024xf32, #tpu.memory_space<hbm>> -> memref<4x1x1024xf32, #tpu.memory_space<hbm>>
      %dma_start3A_804 = tpu.memref_squeeze %dma_start3A_803 : memref<4x1x1024xf32, #tpu.memory_space<hbm>> -> memref<4x1024xf32, #tpu.memory_space<hbm>>
      %dma_start3A_805 = arith.constant 0 : i32
      %dma_start3A_806 = tpu.memref_slice %arg5[%add3A_798, %add3A_300, %dma_start3A_805] : memref<50x848x1024xf32, #tpu.memory_space<hbm>> -> memref<4x1x1024xf32, #tpu.memory_space<hbm>>
      %dma_start3A_807 = tpu.memref_squeeze %dma_start3A_806 : memref<4x1x1024xf32, #tpu.memory_space<hbm>> -> memref<4x1024xf32, #tpu.memory_space<hbm>>
      %dma_start3A_808 = arith.constant 0 : i32
      %dma_start3A_809 = arith.constant 0 : i32
      %dma_start3A_810 = tpu.memref_slice %arg13[%dma_start3A_808, %dma_start3A_809] : memref<4x1024xf32, #tpu.memory_space<vmem>> -> memref<4x1024xf32, #tpu.memory_space<vmem>>
      tpu.enqueue_dma source(%dma_start3A_810 : memref<4x1024xf32, #tpu.memory_space<vmem>>) target(%dma_start3A_807 : memref<4x1024xf32, #tpu.memory_space<hbm>>) target_semaphore(%arg21 : memref<!tpu.dma_semaphore, #tpu.memory_space<semaphore_mem>>)
      %add3A_811 = arith.constant 48 : i32
      %add3A_812 = arith.addi %mul3A_2, %add3A_811 : i32
      %dma_start3A_813 = arith.constant 0 : i32
      %dma_start3A_814 = arith.constant 0 : i32
      %dma_start3A_815 = tpu.memref_slice %arg7[%dma_start3A_813, %dma_start3A_814] : memref<4x1024xi32, #tpu.memory_space<vmem>> -> memref<2x1024xi32, #tpu.memory_space<vmem>>
      %dma_start3A_816 = arith.constant 0 : i32
      %dma_start3A_817 = tpu.memref_slice %arg3[%select_n3A_292, %add3A_812, %dma_start3A_816] : memref<26x50x1024xi32, #tpu.memory_space<hbm>> -> memref<1x2x1024xi32, #tpu.memory_space<hbm>>
      %dma_start3A_818 = tpu.memref_squeeze %dma_start3A_817 : memref<1x2x1024xi32, #tpu.memory_space<hbm>> -> memref<2x1024xi32, #tpu.memory_space<hbm>>
      %dma_start3A_819 = arith.constant 0 : i32
      %dma_start3A_820 = arith.constant 0 : i32
      %dma_start3A_821 = tpu.memref_slice %arg7[%dma_start3A_819, %dma_start3A_820] : memref<4x1024xi32, #tpu.memory_space<vmem>> -> memref<2x1024xi32, #tpu.memory_space<vmem>>
      %dma_start3A_822 = arith.constant 0 : i32
      %dma_start3A_823 = tpu.memref_slice %arg3[%select_n3A_292, %add3A_812, %dma_start3A_822] : memref<26x50x1024xi32, #tpu.memory_space<hbm>> -> memref<1x2x1024xi32, #tpu.memory_space<hbm>>
      %dma_start3A_824 = tpu.memref_squeeze %dma_start3A_823 : memref<1x2x1024xi32, #tpu.memory_space<hbm>> -> memref<2x1024xi32, #tpu.memory_space<hbm>>
      tpu.enqueue_dma source(%dma_start3A_824 : memref<2x1024xi32, #tpu.memory_space<hbm>>) target(%dma_start3A_821 : memref<2x1024xi32, #tpu.memory_space<vmem>>) target_semaphore(%arg15 : memref<!tpu.dma_semaphore, #tpu.memory_space<semaphore_mem>>)
      %dma_wait3A_825 = arith.constant 0 : i32
      %dma_wait3A_826 = arith.constant 0 : i32
      %dma_wait3A_827 = tpu.memref_slice %arg8[%dma_wait3A_825, %dma_wait3A_826] : memref<4x1024xi32, #tpu.memory_space<vmem>> -> memref<4x1024xi32, #tpu.memory_space<vmem>>
      %dma_wait3A_828 = arith.constant 0 : i32
      %dma_wait3A_829 = tpu.memref_slice %arg3[%select_n3A_292, %add3A_647, %dma_wait3A_828] : memref<26x50x1024xi32, #tpu.memory_space<hbm>> -> memref<1x4x1024xi32, #tpu.memory_space<hbm>>
      %dma_wait3A_830 = tpu.memref_squeeze %dma_wait3A_829 : memref<1x4x1024xi32, #tpu.memory_space<hbm>> -> memref<4x1024xi32, #tpu.memory_space<hbm>>
      %dma_wait3A_831 = arith.constant 0 : i32
      %dma_wait3A_832 = arith.constant 0 : i32
      %dma_wait3A_833 = tpu.memref_slice %arg8[%dma_wait3A_831, %dma_wait3A_832] : memref<4x1024xi32, #tpu.memory_space<vmem>> -> memref<4x1024xi32, #tpu.memory_space<vmem>>
      %dma_wait3A_834 = arith.constant 0 : i32
      %dma_wait3A_835 = tpu.memref_slice %arg3[%select_n3A_292, %add3A_647, %dma_wait3A_834] : memref<26x50x1024xi32, #tpu.memory_space<hbm>> -> memref<1x4x1024xi32, #tpu.memory_space<hbm>>
      %dma_wait3A_836 = tpu.memref_squeeze %dma_wait3A_835 : memref<1x4x1024xi32, #tpu.memory_space<hbm>> -> memref<4x1024xi32, #tpu.memory_space<hbm>>
      tpu.wait_dma2 semaphore(%arg16 : memref<!tpu.dma_semaphore, #tpu.memory_space<semaphore_mem>>) src(%dma_wait3A_836 : memref<4x1024xi32, #tpu.memory_space<hbm>>) dst(%dma_wait3A_833 : memref<4x1024xi32, #tpu.memory_space<vmem>>)
      %dma_wait3A_837 = arith.constant 0 : i32
      %dma_wait3A_838 = arith.constant 0 : i32
      %dma_wait3A_839 = tpu.memref_slice %arg11[%dma_wait3A_837, %dma_wait3A_838] : memref<4x1024xf32, #tpu.memory_space<vmem>> -> memref<4x1024xf32, #tpu.memory_space<vmem>>
      %dma_wait3A_840 = arith.constant 0 : i32
      %dma_wait3A_841 = tpu.memref_slice %arg5[%add3A_688, %add3A_300, %dma_wait3A_840] : memref<50x848x1024xf32, #tpu.memory_space<hbm>> -> memref<4x1x1024xf32, #tpu.memory_space<hbm>>
      %dma_wait3A_842 = tpu.memref_squeeze %dma_wait3A_841 : memref<4x1x1024xf32, #tpu.memory_space<hbm>> -> memref<4x1024xf32, #tpu.memory_space<hbm>>
      %dma_wait3A_843 = arith.constant 0 : i32
      %dma_wait3A_844 = tpu.memref_slice %arg5[%add3A_688, %add3A_300, %dma_wait3A_843] : memref<50x848x1024xf32, #tpu.memory_space<hbm>> -> memref<4x1x1024xf32, #tpu.memory_space<hbm>>
      %dma_wait3A_845 = tpu.memref_squeeze %dma_wait3A_844 : memref<4x1x1024xf32, #tpu.memory_space<hbm>> -> memref<4x1024xf32, #tpu.memory_space<hbm>>
      %dma_wait3A_846 = arith.constant 0 : i32
      %dma_wait3A_847 = arith.constant 0 : i32
      %dma_wait3A_848 = tpu.memref_slice %arg11[%dma_wait3A_846, %dma_wait3A_847] : memref<4x1024xf32, #tpu.memory_space<vmem>> -> memref<4x1024xf32, #tpu.memory_space<vmem>>
      tpu.wait_dma2 semaphore(%arg19 : memref<!tpu.dma_semaphore, #tpu.memory_space<semaphore_mem>>) src(%dma_wait3A_848 : memref<4x1024xf32, #tpu.memory_space<vmem>>) dst(%dma_wait3A_845 : memref<4x1024xf32, #tpu.memory_space<hbm>>)
      %parallel_loop3A_849 = arith.constant 0 : i32
      %parallel_loop3A_850 = arith.constant 256 : i32
      %parallel_loop3A_851 = arith.constant 1 : i32
      scf.for %parallel_loop3A_1025 = %parallel_loop3A_849 to %parallel_loop3A_850 step %parallel_loop3A_851  : i32 {
        %parallel_loop3A_1026 = arith.constant 6 : i32
        %parallel_loop3A_1027 = arith.shrui %parallel_loop3A_1025, %parallel_loop3A_1026 : i32
        %parallel_loop3A_1028 = arith.constant 63 : i32
        %parallel_loop3A_1029 = arith.andi %parallel_loop3A_1025, %parallel_loop3A_1028 : i32
        %parallel_loop3A_1030 = arith.constant 16 : i32
        %parallel_loop3A_1031 = arith.muli %parallel_loop3A_1029, %parallel_loop3A_1030 : i32
        %parallel_loop3A_1032 = arith.index_cast %parallel_loop3A_1027 : i32 to index
        %parallel_loop3A_1033 = arith.index_cast %parallel_loop3A_1031 : i32 to index
        %parallel_loop3A_1034 = tpu.vector_load %arg8[%parallel_loop3A_1032, %parallel_loop3A_1033] {strides = array<i32>} : memref<4x1024xi32, #tpu.memory_space<vmem>>, vector<16xi32>,
        %parallel_loop3A_1035 = tpu.vector_load_idx %arg6[%parallel_loop3A_1034] : memref<100000xf32, #tpu.memory_space<vmem>>[vector<16xi32>], vector<16xf32>,
        %parallel_loop3A_1036 = arith.index_cast %parallel_loop3A_1027 : i32 to index
        %parallel_loop3A_1037 = arith.index_cast %parallel_loop3A_1031 : i32 to index
        %parallel_loop3A_1038 = tpu.vector_load %arg11[%parallel_loop3A_1036, %parallel_loop3A_1037] {strides = array<i32>} : memref<4x1024xf32, #tpu.memory_space<vmem>>, vector<16xf32>,
        tpu.vector_store %arg11[%parallel_loop3A_1036, %parallel_loop3A_1037], %parallel_loop3A_1035 {strides = array<i32>} : memref<4x1024xf32, #tpu.memory_space<vmem>>, vector<16xf32>,
      } {sc.loop_unroll_factor = 8 : i64, sc.parallel_access}
      %add3A_852 = arith.constant 36 : i32
      %add3A_853 = arith.addi %mul3A_2, %add3A_852 : i32
      %dma_start3A_854 = arith.constant 0 : i32
      %dma_start3A_855 = arith.constant 0 : i32
      %dma_start3A_856 = tpu.memref_slice %arg11[%dma_start3A_854, %dma_start3A_855] : memref<4x1024xf32, #tpu.memory_space<vmem>> -> memref<4x1024xf32, #tpu.memory_space<vmem>>
      %dma_start3A_857 = arith.constant 0 : i32
      %dma_start3A_858 = tpu.memref_slice %arg5[%add3A_853, %add3A_300, %dma_start3A_857] : memref<50x848x1024xf32, #tpu.memory_space<hbm>> -> memref<4x1x1024xf32, #tpu.memory_space<hbm>>
      %dma_start3A_859 = tpu.memref_squeeze %dma_start3A_858 : memref<4x1x1024xf32, #tpu.memory_space<hbm>> -> memref<4x1024xf32, #tpu.memory_space<hbm>>
      %dma_start3A_860 = arith.constant 0 : i32
      %dma_start3A_861 = tpu.memref_slice %arg5[%add3A_853, %add3A_300, %dma_start3A_860] : memref<50x848x1024xf32, #tpu.memory_space<hbm>> -> memref<4x1x1024xf32, #tpu.memory_space<hbm>>
      %dma_start3A_862 = tpu.memref_squeeze %dma_start3A_861 : memref<4x1x1024xf32, #tpu.memory_space<hbm>> -> memref<4x1024xf32, #tpu.memory_space<hbm>>
      %dma_start3A_863 = arith.constant 0 : i32
      %dma_start3A_864 = arith.constant 0 : i32
      %dma_start3A_865 = tpu.memref_slice %arg11[%dma_start3A_863, %dma_start3A_864] : memref<4x1024xf32, #tpu.memory_space<vmem>> -> memref<4x1024xf32, #tpu.memory_space<vmem>>
      tpu.enqueue_dma source(%dma_start3A_865 : memref<4x1024xf32, #tpu.memory_space<vmem>>) target(%dma_start3A_862 : memref<4x1024xf32, #tpu.memory_space<hbm>>) target_semaphore(%arg19 : memref<!tpu.dma_semaphore, #tpu.memory_space<semaphore_mem>>)
      %dma_wait3A_866 = arith.constant 0 : i32
      %dma_wait3A_867 = arith.constant 0 : i32
      %dma_wait3A_868 = tpu.memref_slice %arg9[%dma_wait3A_866, %dma_wait3A_867] : memref<4x1024xi32, #tpu.memory_space<vmem>> -> memref<4x1024xi32, #tpu.memory_space<vmem>>
      %dma_wait3A_869 = arith.constant 0 : i32
      %dma_wait3A_870 = tpu.memref_slice %arg3[%select_n3A_292, %add3A_702, %dma_wait3A_869] : memref<26x50x1024xi32, #tpu.memory_space<hbm>> -> memref<1x4x1024xi32, #tpu.memory_space<hbm>>
      %dma_wait3A_871 = tpu.memref_squeeze %dma_wait3A_870 : memref<1x4x1024xi32, #tpu.memory_space<hbm>> -> memref<4x1024xi32, #tpu.memory_space<hbm>>
      %dma_wait3A_872 = arith.constant 0 : i32
      %dma_wait3A_873 = arith.constant 0 : i32
      %dma_wait3A_874 = tpu.memref_slice %arg9[%dma_wait3A_872, %dma_wait3A_873] : memref<4x1024xi32, #tpu.memory_space<vmem>> -> memref<4x1024xi32, #tpu.memory_space<vmem>>
      %dma_wait3A_875 = arith.constant 0 : i32
      %dma_wait3A_876 = tpu.memref_slice %arg3[%select_n3A_292, %add3A_702, %dma_wait3A_875] : memref<26x50x1024xi32, #tpu.memory_space<hbm>> -> memref<1x4x1024xi32, #tpu.memory_space<hbm>>
      %dma_wait3A_877 = tpu.memref_squeeze %dma_wait3A_876 : memref<1x4x1024xi32, #tpu.memory_space<hbm>> -> memref<4x1024xi32, #tpu.memory_space<hbm>>
      tpu.wait_dma2 semaphore(%arg17 : memref<!tpu.dma_semaphore, #tpu.memory_space<semaphore_mem>>) src(%dma_wait3A_877 : memref<4x1024xi32, #tpu.memory_space<hbm>>) dst(%dma_wait3A_874 : memref<4x1024xi32, #tpu.memory_space<vmem>>)
      %dma_wait3A_878 = arith.constant 0 : i32
      %dma_wait3A_879 = arith.constant 0 : i32
      %dma_wait3A_880 = tpu.memref_slice %arg12[%dma_wait3A_878, %dma_wait3A_879] : memref<4x1024xf32, #tpu.memory_space<vmem>> -> memref<4x1024xf32, #tpu.memory_space<vmem>>
      %dma_wait3A_881 = arith.constant 0 : i32
      %dma_wait3A_882 = tpu.memref_slice %arg5[%add3A_743, %add3A_300, %dma_wait3A_881] : memref<50x848x1024xf32, #tpu.memory_space<hbm>> -> memref<4x1x1024xf32, #tpu.memory_space<hbm>>
      %dma_wait3A_883 = tpu.memref_squeeze %dma_wait3A_882 : memref<4x1x1024xf32, #tpu.memory_space<hbm>> -> memref<4x1024xf32, #tpu.memory_space<hbm>>
      %dma_wait3A_884 = arith.constant 0 : i32
      %dma_wait3A_885 = tpu.memref_slice %arg5[%add3A_743, %add3A_300, %dma_wait3A_884] : memref<50x848x1024xf32, #tpu.memory_space<hbm>> -> memref<4x1x1024xf32, #tpu.memory_space<hbm>>
      %dma_wait3A_886 = tpu.memref_squeeze %dma_wait3A_885 : memref<4x1x1024xf32, #tpu.memory_space<hbm>> -> memref<4x1024xf32, #tpu.memory_space<hbm>>
      %dma_wait3A_887 = arith.constant 0 : i32
      %dma_wait3A_888 = arith.constant 0 : i32
      %dma_wait3A_889 = tpu.memref_slice %arg12[%dma_wait3A_887, %dma_wait3A_888] : memref<4x1024xf32, #tpu.memory_space<vmem>> -> memref<4x1024xf32, #tpu.memory_space<vmem>>
      tpu.wait_dma2 semaphore(%arg20 : memref<!tpu.dma_semaphore, #tpu.memory_space<semaphore_mem>>) src(%dma_wait3A_889 : memref<4x1024xf32, #tpu.memory_space<vmem>>) dst(%dma_wait3A_886 : memref<4x1024xf32, #tpu.memory_space<hbm>>)
      %parallel_loop3A_890 = arith.constant 0 : i32
      %parallel_loop3A_891 = arith.constant 256 : i32
      %parallel_loop3A_892 = arith.constant 1 : i32
      scf.for %parallel_loop3A_1025 = %parallel_loop3A_890 to %parallel_loop3A_891 step %parallel_loop3A_892  : i32 {
        %parallel_loop3A_1026 = arith.constant 6 : i32
        %parallel_loop3A_1027 = arith.shrui %parallel_loop3A_1025, %parallel_loop3A_1026 : i32
        %parallel_loop3A_1028 = arith.constant 63 : i32
        %parallel_loop3A_1029 = arith.andi %parallel_loop3A_1025, %parallel_loop3A_1028 : i32
        %parallel_loop3A_1030 = arith.constant 16 : i32
        %parallel_loop3A_1031 = arith.muli %parallel_loop3A_1029, %parallel_loop3A_1030 : i32
        %parallel_loop3A_1032 = arith.index_cast %parallel_loop3A_1027 : i32 to index
        %parallel_loop3A_1033 = arith.index_cast %parallel_loop3A_1031 : i32 to index
        %parallel_loop3A_1034 = tpu.vector_load %arg9[%parallel_loop3A_1032, %parallel_loop3A_1033] {strides = array<i32>} : memref<4x1024xi32, #tpu.memory_space<vmem>>, vector<16xi32>,
        %parallel_loop3A_1035 = tpu.vector_load_idx %arg6[%parallel_loop3A_1034] : memref<100000xf32, #tpu.memory_space<vmem>>[vector<16xi32>], vector<16xf32>,
        %parallel_loop3A_1036 = arith.index_cast %parallel_loop3A_1027 : i32 to index
        %parallel_loop3A_1037 = arith.index_cast %parallel_loop3A_1031 : i32 to index
        %parallel_loop3A_1038 = tpu.vector_load %arg12[%parallel_loop3A_1036, %parallel_loop3A_1037] {strides = array<i32>} : memref<4x1024xf32, #tpu.memory_space<vmem>>, vector<16xf32>,
        tpu.vector_store %arg12[%parallel_loop3A_1036, %parallel_loop3A_1037], %parallel_loop3A_1035 {strides = array<i32>} : memref<4x1024xf32, #tpu.memory_space<vmem>>, vector<16xf32>,
      } {sc.loop_unroll_factor = 8 : i64, sc.parallel_access}
      %add3A_893 = arith.constant 40 : i32
      %add3A_894 = arith.addi %mul3A_2, %add3A_893 : i32
      %dma_start3A_895 = arith.constant 0 : i32
      %dma_start3A_896 = arith.constant 0 : i32
      %dma_start3A_897 = tpu.memref_slice %arg12[%dma_start3A_895, %dma_start3A_896] : memref<4x1024xf32, #tpu.memory_space<vmem>> -> memref<4x1024xf32, #tpu.memory_space<vmem>>
      %dma_start3A_898 = arith.constant 0 : i32
      %dma_start3A_899 = tpu.memref_slice %arg5[%add3A_894, %add3A_300, %dma_start3A_898] : memref<50x848x1024xf32, #tpu.memory_space<hbm>> -> memref<4x1x1024xf32, #tpu.memory_space<hbm>>
      %dma_start3A_900 = tpu.memref_squeeze %dma_start3A_899 : memref<4x1x1024xf32, #tpu.memory_space<hbm>> -> memref<4x1024xf32, #tpu.memory_space<hbm>>
      %dma_start3A_901 = arith.constant 0 : i32
      %dma_start3A_902 = tpu.memref_slice %arg5[%add3A_894, %add3A_300, %dma_start3A_901] : memref<50x848x1024xf32, #tpu.memory_space<hbm>> -> memref<4x1x1024xf32, #tpu.memory_space<hbm>>
      %dma_start3A_903 = tpu.memref_squeeze %dma_start3A_902 : memref<4x1x1024xf32, #tpu.memory_space<hbm>> -> memref<4x1024xf32, #tpu.memory_space<hbm>>
      %dma_start3A_904 = arith.constant 0 : i32
      %dma_start3A_905 = arith.constant 0 : i32
      %dma_start3A_906 = tpu.memref_slice %arg12[%dma_start3A_904, %dma_start3A_905] : memref<4x1024xf32, #tpu.memory_space<vmem>> -> memref<4x1024xf32, #tpu.memory_space<vmem>>
      tpu.enqueue_dma source(%dma_start3A_906 : memref<4x1024xf32, #tpu.memory_space<vmem>>) target(%dma_start3A_903 : memref<4x1024xf32, #tpu.memory_space<hbm>>) target_semaphore(%arg20 : memref<!tpu.dma_semaphore, #tpu.memory_space<semaphore_mem>>)
      %dma_wait3A_907 = arith.constant 0 : i32
      %dma_wait3A_908 = arith.constant 0 : i32
      %dma_wait3A_909 = tpu.memref_slice %arg10[%dma_wait3A_907, %dma_wait3A_908] : memref<4x1024xi32, #tpu.memory_space<vmem>> -> memref<4x1024xi32, #tpu.memory_space<vmem>>
      %dma_wait3A_910 = arith.constant 0 : i32
      %dma_wait3A_911 = tpu.memref_slice %arg3[%select_n3A_292, %add3A_757, %dma_wait3A_910] : memref<26x50x1024xi32, #tpu.memory_space<hbm>> -> memref<1x4x1024xi32, #tpu.memory_space<hbm>>
      %dma_wait3A_912 = tpu.memref_squeeze %dma_wait3A_911 : memref<1x4x1024xi32, #tpu.memory_space<hbm>> -> memref<4x1024xi32, #tpu.memory_space<hbm>>
      %dma_wait3A_913 = arith.constant 0 : i32
      %dma_wait3A_914 = arith.constant 0 : i32
      %dma_wait3A_915 = tpu.memref_slice %arg10[%dma_wait3A_913, %dma_wait3A_914] : memref<4x1024xi32, #tpu.memory_space<vmem>> -> memref<4x1024xi32, #tpu.memory_space<vmem>>
      %dma_wait3A_916 = arith.constant 0 : i32
      %dma_wait3A_917 = tpu.memref_slice %arg3[%select_n3A_292, %add3A_757, %dma_wait3A_916] : memref<26x50x1024xi32, #tpu.memory_space<hbm>> -> memref<1x4x1024xi32, #tpu.memory_space<hbm>>
      %dma_wait3A_918 = tpu.memref_squeeze %dma_wait3A_917 : memref<1x4x1024xi32, #tpu.memory_space<hbm>> -> memref<4x1024xi32, #tpu.memory_space<hbm>>
      tpu.wait_dma2 semaphore(%arg18 : memref<!tpu.dma_semaphore, #tpu.memory_space<semaphore_mem>>) src(%dma_wait3A_918 : memref<4x1024xi32, #tpu.memory_space<hbm>>) dst(%dma_wait3A_915 : memref<4x1024xi32, #tpu.memory_space<vmem>>)
      %dma_wait3A_919 = arith.constant 0 : i32
      %dma_wait3A_920 = arith.constant 0 : i32
      %dma_wait3A_921 = tpu.memref_slice %arg13[%dma_wait3A_919, %dma_wait3A_920] : memref<4x1024xf32, #tpu.memory_space<vmem>> -> memref<4x1024xf32, #tpu.memory_space<vmem>>
      %dma_wait3A_922 = arith.constant 0 : i32
      %dma_wait3A_923 = tpu.memref_slice %arg5[%add3A_798, %add3A_300, %dma_wait3A_922] : memref<50x848x1024xf32, #tpu.memory_space<hbm>> -> memref<4x1x1024xf32, #tpu.memory_space<hbm>>
      %dma_wait3A_924 = tpu.memref_squeeze %dma_wait3A_923 : memref<4x1x1024xf32, #tpu.memory_space<hbm>> -> memref<4x1024xf32, #tpu.memory_space<hbm>>
      %dma_wait3A_925 = arith.constant 0 : i32
      %dma_wait3A_926 = tpu.memref_slice %arg5[%add3A_798, %add3A_300, %dma_wait3A_925] : memref<50x848x1024xf32, #tpu.memory_space<hbm>> -> memref<4x1x1024xf32, #tpu.memory_space<hbm>>
      %dma_wait3A_927 = tpu.memref_squeeze %dma_wait3A_926 : memref<4x1x1024xf32, #tpu.memory_space<hbm>> -> memref<4x1024xf32, #tpu.memory_space<hbm>>
      %dma_wait3A_928 = arith.constant 0 : i32
      %dma_wait3A_929 = arith.constant 0 : i32
      %dma_wait3A_930 = tpu.memref_slice %arg13[%dma_wait3A_928, %dma_wait3A_929] : memref<4x1024xf32, #tpu.memory_space<vmem>> -> memref<4x1024xf32, #tpu.memory_space<vmem>>
      tpu.wait_dma2 semaphore(%arg21 : memref<!tpu.dma_semaphore, #tpu.memory_space<semaphore_mem>>) src(%dma_wait3A_930 : memref<4x1024xf32, #tpu.memory_space<vmem>>) dst(%dma_wait3A_927 : memref<4x1024xf32, #tpu.memory_space<hbm>>)
      %parallel_loop3A_931 = arith.constant 0 : i32
      %parallel_loop3A_932 = arith.constant 256 : i32
      %parallel_loop3A_933 = arith.constant 1 : i32
      scf.for %parallel_loop3A_1025 = %parallel_loop3A_931 to %parallel_loop3A_932 step %parallel_loop3A_933  : i32 {
        %parallel_loop3A_1026 = arith.constant 6 : i32
        %parallel_loop3A_1027 = arith.shrui %parallel_loop3A_1025, %parallel_loop3A_1026 : i32
        %parallel_loop3A_1028 = arith.constant 63 : i32
        %parallel_loop3A_1029 = arith.andi %parallel_loop3A_1025, %parallel_loop3A_1028 : i32
        %parallel_loop3A_1030 = arith.constant 16 : i32
        %parallel_loop3A_1031 = arith.muli %parallel_loop3A_1029, %parallel_loop3A_1030 : i32
        %parallel_loop3A_1032 = arith.index_cast %parallel_loop3A_1027 : i32 to index
        %parallel_loop3A_1033 = arith.index_cast %parallel_loop3A_1031 : i32 to index
        %parallel_loop3A_1034 = tpu.vector_load %arg10[%parallel_loop3A_1032, %parallel_loop3A_1033] {strides = array<i32>} : memref<4x1024xi32, #tpu.memory_space<vmem>>, vector<16xi32>,
        %parallel_loop3A_1035 = tpu.vector_load_idx %arg6[%parallel_loop3A_1034] : memref<100000xf32, #tpu.memory_space<vmem>>[vector<16xi32>], vector<16xf32>,
        %parallel_loop3A_1036 = arith.index_cast %parallel_loop3A_1027 : i32 to index
        %parallel_loop3A_1037 = arith.index_cast %parallel_loop3A_1031 : i32 to index
        %parallel_loop3A_1038 = tpu.vector_load %arg13[%parallel_loop3A_1036, %parallel_loop3A_1037] {strides = array<i32>} : memref<4x1024xf32, #tpu.memory_space<vmem>>, vector<16xf32>,
        tpu.vector_store %arg13[%parallel_loop3A_1036, %parallel_loop3A_1037], %parallel_loop3A_1035 {strides = array<i32>} : memref<4x1024xf32, #tpu.memory_space<vmem>>, vector<16xf32>,
      } {sc.loop_unroll_factor = 8 : i64, sc.parallel_access}
      %add3A_934 = arith.constant 44 : i32
      %add3A_935 = arith.addi %mul3A_2, %add3A_934 : i32
      %dma_start3A_936 = arith.constant 0 : i32
      %dma_start3A_937 = arith.constant 0 : i32
      %dma_start3A_938 = tpu.memref_slice %arg13[%dma_start3A_936, %dma_start3A_937] : memref<4x1024xf32, #tpu.memory_space<vmem>> -> memref<4x1024xf32, #tpu.memory_space<vmem>>
      %dma_start3A_939 = arith.constant 0 : i32
      %dma_start3A_940 = tpu.memref_slice %arg5[%add3A_935, %add3A_300, %dma_start3A_939] : memref<50x848x1024xf32, #tpu.memory_space<hbm>> -> memref<4x1x1024xf32, #tpu.memory_space<hbm>>
      %dma_start3A_941 = tpu.memref_squeeze %dma_start3A_940 : memref<4x1x1024xf32, #tpu.memory_space<hbm>> -> memref<4x1024xf32, #tpu.memory_space<hbm>>
      %dma_start3A_942 = arith.constant 0 : i32
      %dma_start3A_943 = tpu.memref_slice %arg5[%add3A_935, %add3A_300, %dma_start3A_942] : memref<50x848x1024xf32, #tpu.memory_space<hbm>> -> memref<4x1x1024xf32, #tpu.memory_space<hbm>>
      %dma_start3A_944 = tpu.memref_squeeze %dma_start3A_943 : memref<4x1x1024xf32, #tpu.memory_space<hbm>> -> memref<4x1024xf32, #tpu.memory_space<hbm>>
      %dma_start3A_945 = arith.constant 0 : i32
      %dma_start3A_946 = arith.constant 0 : i32
      %dma_start3A_947 = tpu.memref_slice %arg13[%dma_start3A_945, %dma_start3A_946] : memref<4x1024xf32, #tpu.memory_space<vmem>> -> memref<4x1024xf32, #tpu.memory_space<vmem>>
      tpu.enqueue_dma source(%dma_start3A_947 : memref<4x1024xf32, #tpu.memory_space<vmem>>) target(%dma_start3A_944 : memref<4x1024xf32, #tpu.memory_space<hbm>>) target_semaphore(%arg21 : memref<!tpu.dma_semaphore, #tpu.memory_space<semaphore_mem>>)
      %dma_wait3A_948 = arith.constant 0 : i32
      %dma_wait3A_949 = arith.constant 0 : i32
      %dma_wait3A_950 = tpu.memref_slice %arg7[%dma_wait3A_948, %dma_wait3A_949] : memref<4x1024xi32, #tpu.memory_space<vmem>> -> memref<2x1024xi32, #tpu.memory_space<vmem>>
      %dma_wait3A_951 = arith.constant 0 : i32
      %dma_wait3A_952 = tpu.memref_slice %arg3[%select_n3A_292, %add3A_812, %dma_wait3A_951] : memref<26x50x1024xi32, #tpu.memory_space<hbm>> -> memref<1x2x1024xi32, #tpu.memory_space<hbm>>
      %dma_wait3A_953 = tpu.memref_squeeze %dma_wait3A_952 : memref<1x2x1024xi32, #tpu.memory_space<hbm>> -> memref<2x1024xi32, #tpu.memory_space<hbm>>
      %dma_wait3A_954 = arith.constant 0 : i32
      %dma_wait3A_955 = arith.constant 0 : i32
      %dma_wait3A_956 = tpu.memref_slice %arg7[%dma_wait3A_954, %dma_wait3A_955] : memref<4x1024xi32, #tpu.memory_space<vmem>> -> memref<2x1024xi32, #tpu.memory_space<vmem>>
      %dma_wait3A_957 = arith.constant 0 : i32
      %dma_wait3A_958 = tpu.memref_slice %arg3[%select_n3A_292, %add3A_812, %dma_wait3A_957] : memref<26x50x1024xi32, #tpu.memory_space<hbm>> -> memref<1x2x1024xi32, #tpu.memory_space<hbm>>
      %dma_wait3A_959 = tpu.memref_squeeze %dma_wait3A_958 : memref<1x2x1024xi32, #tpu.memory_space<hbm>> -> memref<2x1024xi32, #tpu.memory_space<hbm>>
      tpu.wait_dma2 semaphore(%arg15 : memref<!tpu.dma_semaphore, #tpu.memory_space<semaphore_mem>>) src(%dma_wait3A_959 : memref<2x1024xi32, #tpu.memory_space<hbm>>) dst(%dma_wait3A_956 : memref<2x1024xi32, #tpu.memory_space<vmem>>)
      %dma_wait3A_960 = arith.constant 0 : i32
      %dma_wait3A_961 = arith.constant 0 : i32
      %dma_wait3A_962 = tpu.memref_slice %arg11[%dma_wait3A_960, %dma_wait3A_961] : memref<4x1024xf32, #tpu.memory_space<vmem>> -> memref<4x1024xf32, #tpu.memory_space<vmem>>
      %dma_wait3A_963 = arith.constant 0 : i32
      %dma_wait3A_964 = tpu.memref_slice %arg5[%add3A_853, %add3A_300, %dma_wait3A_963] : memref<50x848x1024xf32, #tpu.memory_space<hbm>> -> memref<4x1x1024xf32, #tpu.memory_space<hbm>>
      %dma_wait3A_965 = tpu.memref_squeeze %dma_wait3A_964 : memref<4x1x1024xf32, #tpu.memory_space<hbm>> -> memref<4x1024xf32, #tpu.memory_space<hbm>>
      %dma_wait3A_966 = arith.constant 0 : i32
      %dma_wait3A_967 = tpu.memref_slice %arg5[%add3A_853, %add3A_300, %dma_wait3A_966] : memref<50x848x1024xf32, #tpu.memory_space<hbm>> -> memref<4x1x1024xf32, #tpu.memory_space<hbm>>
      %dma_wait3A_968 = tpu.memref_squeeze %dma_wait3A_967 : memref<4x1x1024xf32, #tpu.memory_space<hbm>> -> memref<4x1024xf32, #tpu.memory_space<hbm>>
      %dma_wait3A_969 = arith.constant 0 : i32
      %dma_wait3A_970 = arith.constant 0 : i32
      %dma_wait3A_971 = tpu.memref_slice %arg11[%dma_wait3A_969, %dma_wait3A_970] : memref<4x1024xf32, #tpu.memory_space<vmem>> -> memref<4x1024xf32, #tpu.memory_space<vmem>>
      tpu.wait_dma2 semaphore(%arg19 : memref<!tpu.dma_semaphore, #tpu.memory_space<semaphore_mem>>) src(%dma_wait3A_971 : memref<4x1024xf32, #tpu.memory_space<vmem>>) dst(%dma_wait3A_968 : memref<4x1024xf32, #tpu.memory_space<hbm>>)
      %parallel_loop3A_972 = arith.constant 0 : i32
      %parallel_loop3A_973 = arith.constant 128 : i32
      %parallel_loop3A_974 = arith.constant 1 : i32
      scf.for %parallel_loop3A_1025 = %parallel_loop3A_972 to %parallel_loop3A_973 step %parallel_loop3A_974  : i32 {
        %parallel_loop3A_1026 = arith.constant 6 : i32
        %parallel_loop3A_1027 = arith.shrui %parallel_loop3A_1025, %parallel_loop3A_1026 : i32
        %parallel_loop3A_1028 = arith.constant 63 : i32
        %parallel_loop3A_1029 = arith.andi %parallel_loop3A_1025, %parallel_loop3A_1028 : i32
        %parallel_loop3A_1030 = arith.constant 16 : i32
        %parallel_loop3A_1031 = arith.muli %parallel_loop3A_1029, %parallel_loop3A_1030 : i32
        %parallel_loop3A_1032 = arith.index_cast %parallel_loop3A_1027 : i32 to index
        %parallel_loop3A_1033 = arith.index_cast %parallel_loop3A_1031 : i32 to index
        %parallel_loop3A_1034 = tpu.vector_load %arg7[%parallel_loop3A_1032, %parallel_loop3A_1033] {strides = array<i32>} : memref<4x1024xi32, #tpu.memory_space<vmem>>, vector<16xi32>,
        %parallel_loop3A_1035 = tpu.vector_load_idx %arg6[%parallel_loop3A_1034] : memref<100000xf32, #tpu.memory_space<vmem>>[vector<16xi32>], vector<16xf32>,
        %parallel_loop3A_1036 = arith.index_cast %parallel_loop3A_1027 : i32 to index
        %parallel_loop3A_1037 = arith.index_cast %parallel_loop3A_1031 : i32 to index
        %parallel_loop3A_1038 = tpu.vector_load %arg11[%parallel_loop3A_1036, %parallel_loop3A_1037] {strides = array<i32>} : memref<4x1024xf32, #tpu.memory_space<vmem>>, vector<16xf32>,
        tpu.vector_store %arg11[%parallel_loop3A_1036, %parallel_loop3A_1037], %parallel_loop3A_1035 {strides = array<i32>} : memref<4x1024xf32, #tpu.memory_space<vmem>>, vector<16xf32>,
      } {sc.loop_unroll_factor = 8 : i64, sc.parallel_access}
      %add3A_975 = arith.constant 48 : i32
      %add3A_976 = arith.addi %mul3A_2, %add3A_975 : i32
      %dma_start3A_977 = arith.constant 0 : i32
      %dma_start3A_978 = arith.constant 0 : i32
      %dma_start3A_979 = tpu.memref_slice %arg11[%dma_start3A_977, %dma_start3A_978] : memref<4x1024xf32, #tpu.memory_space<vmem>> -> memref<2x1024xf32, #tpu.memory_space<vmem>>
      %dma_start3A_980 = arith.constant 0 : i32
      %dma_start3A_981 = tpu.memref_slice %arg5[%add3A_976, %add3A_300, %dma_start3A_980] : memref<50x848x1024xf32, #tpu.memory_space<hbm>> -> memref<2x1x1024xf32, #tpu.memory_space<hbm>>
      %dma_start3A_982 = tpu.memref_squeeze %dma_start3A_981 : memref<2x1x1024xf32, #tpu.memory_space<hbm>> -> memref<2x1024xf32, #tpu.memory_space<hbm>>
      %dma_start3A_983 = arith.constant 0 : i32
      %dma_start3A_984 = tpu.memref_slice %arg5[%add3A_976, %add3A_300, %dma_start3A_983] : memref<50x848x1024xf32, #tpu.memory_space<hbm>> -> memref<2x1x1024xf32, #tpu.memory_space<hbm>>
      %dma_start3A_985 = tpu.memref_squeeze %dma_start3A_984 : memref<2x1x1024xf32, #tpu.memory_space<hbm>> -> memref<2x1024xf32, #tpu.memory_space<hbm>>
      %dma_start3A_986 = arith.constant 0 : i32
      %dma_start3A_987 = arith.constant 0 : i32
      %dma_start3A_988 = tpu.memref_slice %arg11[%dma_start3A_986, %dma_start3A_987] : memref<4x1024xf32, #tpu.memory_space<vmem>> -> memref<2x1024xf32, #tpu.memory_space<vmem>>
      tpu.enqueue_dma source(%dma_start3A_988 : memref<2x1024xf32, #tpu.memory_space<vmem>>) target(%dma_start3A_985 : memref<2x1024xf32, #tpu.memory_space<hbm>>) target_semaphore(%arg19 : memref<!tpu.dma_semaphore, #tpu.memory_space<semaphore_mem>>)
      %dma_wait3A_989 = arith.constant 0 : i32
      %dma_wait3A_990 = arith.constant 0 : i32
      %dma_wait3A_991 = tpu.memref_slice %arg12[%dma_wait3A_989, %dma_wait3A_990] : memref<4x1024xf32, #tpu.memory_space<vmem>> -> memref<4x1024xf32, #tpu.memory_space<vmem>>
      %dma_wait3A_992 = arith.constant 0 : i32
      %dma_wait3A_993 = tpu.memref_slice %arg5[%add3A_894, %add3A_300, %dma_wait3A_992] : memref<50x848x1024xf32, #tpu.memory_space<hbm>> -> memref<4x1x1024xf32, #tpu.memory_space<hbm>>
      %dma_wait3A_994 = tpu.memref_squeeze %dma_wait3A_993 : memref<4x1x1024xf32, #tpu.memory_space<hbm>> -> memref<4x1024xf32, #tpu.memory_space<hbm>>
      %dma_wait3A_995 = arith.constant 0 : i32
      %dma_wait3A_996 = tpu.memref_slice %arg5[%add3A_894, %add3A_300, %dma_wait3A_995] : memref<50x848x1024xf32, #tpu.memory_space<hbm>> -> memref<4x1x1024xf32, #tpu.memory_space<hbm>>
      %dma_wait3A_997 = tpu.memref_squeeze %dma_wait3A_996 : memref<4x1x1024xf32, #tpu.memory_space<hbm>> -> memref<4x1024xf32, #tpu.memory_space<hbm>>
      %dma_wait3A_998 = arith.constant 0 : i32
      %dma_wait3A_999 = arith.constant 0 : i32
      %dma_wait3A_1000 = tpu.memref_slice %arg12[%dma_wait3A_998, %dma_wait3A_999] : memref<4x1024xf32, #tpu.memory_space<vmem>> -> memref<4x1024xf32, #tpu.memory_space<vmem>>
      tpu.wait_dma2 semaphore(%arg20 : memref<!tpu.dma_semaphore, #tpu.memory_space<semaphore_mem>>) src(%dma_wait3A_1000 : memref<4x1024xf32, #tpu.memory_space<vmem>>) dst(%dma_wait3A_997 : memref<4x1024xf32, #tpu.memory_space<hbm>>)
      %dma_wait3A_1001 = arith.constant 0 : i32
      %dma_wait3A_1002 = arith.constant 0 : i32
      %dma_wait3A_1003 = tpu.memref_slice %arg13[%dma_wait3A_1001, %dma_wait3A_1002] : memref<4x1024xf32, #tpu.memory_space<vmem>> -> memref<4x1024xf32, #tpu.memory_space<vmem>>
      %dma_wait3A_1004 = arith.constant 0 : i32
      %dma_wait3A_1005 = tpu.memref_slice %arg5[%add3A_935, %add3A_300, %dma_wait3A_1004] : memref<50x848x1024xf32, #tpu.memory_space<hbm>> -> memref<4x1x1024xf32, #tpu.memory_space<hbm>>
      %dma_wait3A_1006 = tpu.memref_squeeze %dma_wait3A_1005 : memref<4x1x1024xf32, #tpu.memory_space<hbm>> -> memref<4x1024xf32, #tpu.memory_space<hbm>>
      %dma_wait3A_1007 = arith.constant 0 : i32
      %dma_wait3A_1008 = tpu.memref_slice %arg5[%add3A_935, %add3A_300, %dma_wait3A_1007] : memref<50x848x1024xf32, #tpu.memory_space<hbm>> -> memref<4x1x1024xf32, #tpu.memory_space<hbm>>
      %dma_wait3A_1009 = tpu.memref_squeeze %dma_wait3A_1008 : memref<4x1x1024xf32, #tpu.memory_space<hbm>> -> memref<4x1024xf32, #tpu.memory_space<hbm>>
      %dma_wait3A_1010 = arith.constant 0 : i32
      %dma_wait3A_1011 = arith.constant 0 : i32
      %dma_wait3A_1012 = tpu.memref_slice %arg13[%dma_wait3A_1010, %dma_wait3A_1011] : memref<4x1024xf32, #tpu.memory_space<vmem>> -> memref<4x1024xf32, #tpu.memory_space<vmem>>
      tpu.wait_dma2 semaphore(%arg21 : memref<!tpu.dma_semaphore, #tpu.memory_space<semaphore_mem>>) src(%dma_wait3A_1012 : memref<4x1024xf32, #tpu.memory_space<vmem>>) dst(%dma_wait3A_1009 : memref<4x1024xf32, #tpu.memory_space<hbm>>)
      %dma_wait3A_1013 = arith.constant 0 : i32
      %dma_wait3A_1014 = arith.constant 0 : i32
      %dma_wait3A_1015 = tpu.memref_slice %arg11[%dma_wait3A_1013, %dma_wait3A_1014] : memref<4x1024xf32, #tpu.memory_space<vmem>> -> memref<2x1024xf32, #tpu.memory_space<vmem>>
      %dma_wait3A_1016 = arith.constant 0 : i32
      %dma_wait3A_1017 = tpu.memref_slice %arg5[%add3A_976, %add3A_300, %dma_wait3A_1016] : memref<50x848x1024xf32, #tpu.memory_space<hbm>> -> memref<2x1x1024xf32, #tpu.memory_space<hbm>>
      %dma_wait3A_1018 = tpu.memref_squeeze %dma_wait3A_1017 : memref<2x1x1024xf32, #tpu.memory_space<hbm>> -> memref<2x1024xf32, #tpu.memory_space<hbm>>
      %dma_wait3A_1019 = arith.constant 0 : i32
      %dma_wait3A_1020 = tpu.memref_slice %arg5[%add3A_976, %add3A_300, %dma_wait3A_1019] : memref<50x848x1024xf32, #tpu.memory_space<hbm>> -> memref<2x1x1024xf32, #tpu.memory_space<hbm>>
      %dma_wait3A_1021 = tpu.memref_squeeze %dma_wait3A_1020 : memref<2x1x1024xf32, #tpu.memory_space<hbm>> -> memref<2x1024xf32, #tpu.memory_space<hbm>>
      %dma_wait3A_1022 = arith.constant 0 : i32
      %dma_wait3A_1023 = arith.constant 0 : i32
      %dma_wait3A_1024 = tpu.memref_slice %arg11[%dma_wait3A_1022, %dma_wait3A_1023] : memref<4x1024xf32, #tpu.memory_space<vmem>> -> memref<2x1024xf32, #tpu.memory_space<vmem>>
      tpu.wait_dma2 semaphore(%arg19 : memref<!tpu.dma_semaphore, #tpu.memory_space<semaphore_mem>>) src(%dma_wait3A_1024 : memref<2x1024xf32, #tpu.memory_space<vmem>>) dst(%dma_wait3A_1021 : memref<2x1024xf32, #tpu.memory_space<hbm>>)
    }
    %scan3A_264 = arith.constant 26 : i32
    return
  }
}

</mosaic_0001>

<sc_bundles>
// kernel: kernel.3.cloned.1.call-start
scs
__scs_entry_jumppad:
0x0: {  	(pc) =	sbr.rel $0x88, $3  }
0x1: {  	(tag) =	ssettag $0x0;
	lr =	simm.s32 $0x1  }
0x2: {  	[smem:$0x3F9E] =	sst lr;
	_ =	strace $0xD0000000  }
0x3: {  	_ = 	snop  }
0x4: {  	_ = 	snop  }
0x5: {  	_ = 	snop  }
0x6: {  	_ = 	snop  }
0x7: {  	_ = 	snop  }
__scs_overlays_trampoline_lowered:
0x8: {  	[smem:$0x3FAD] =	sst s0  }
0x9: {  	[smem:$0x3FAE] =	sst s1  }
0xa: {  	[smem:$0x3FAF] =	sst s2  }
0xb: {  	[smem:$0x3FB0] =	sst s3  }
0xc: {  	[smem:$0x3FB1] =	sst s4  }
0xd: {  	[smem:$0x3FB2] =	sst s5  }
0xe: {  	[smem:$0x3FB3] =	sst s6  }
0xf: {  	[smem:$0x3FB4] =	sst s7  }
0x10: {  	[smem:$0x3FB5] =	sst s8  }
0x11: {  	[smem:$0x3FB6] =	sst s9;
	s0 =	simm.s32 @!p0 $0x0  }
0x12: {  	s1 =	sld [smem:$0x3F9C];
	s0 =	simm.s32 @p0 $0x1  }
0x13: {  	[smem:$0x3FB7] =	sst s0;
	s0 =	simm.s32 @!p1 $0x0  }
0x14: {  	s2 =	sld [smem:$0x3F9B];
	s0 =	simm.s32 @p1 $0x1  }
0x15: {  	[smem:$0x3FB8] =	sst s0;
	s0 =	simm.s32 @!p2 $0x0  }
0x16: {  	s3 =	sld [smem:$0x3FDB];
	s0 =	simm.s32 @p2 $0x1  }
0x17: {  	s4 =	simm.s32 $0x1BF5;
	[smem:$0x3FBA] =	sst s0  }
0x18: {  	s0 =	sld [smem:$0x3F9D];
	_ =	swait.ge [sflag:s4], $0x0  }
0x19: {  	s7 =	sld [smem:$0x3F9E]  }
0x1a: {  	s8 =	sadd.s32 $0xFFFFE003, lr  }
0x1b: {  	s9 =	sadd.s32 $0xFFFFFEF7, lr;
	s5 =	simm.s32 $0xFFFFFFFF;
	p2 =	slt.u32 s8, $0xFFFFF086  }
0x1c: {  	p1 =	slt.u32 s9, $0xF7A;
	s5 =	simm.s32 @!p2 $0x0  }
0x1d: {  	s5 =	simm.s32 @p1 $0x1;
	p0 =	seq.s32 s7, s2  }
0x1e: {  	s7 =	smul.u32 @!p0 $0xF7A, s2;
	p2 =	seq.s32 @!p0 s5, $0x0  }
0x1f: {  	s9 =	smul.u32 $0xF7A, s1;
	s8 =	simm.s32 @!p0 $0x1BF5;
	p2 =	por !p2, p0  }
0x20: {  	[sflag:s8] =	ssyncset.s32 @!p0 $0xFFFFF086;
	s6 =	sadd.s32 @!p0 s3, s7;
	s7 =	simm.s32 @!p0 $0x108  }
0x21: {  	s3 =	sadd.s32 s3, s9;
	s6 =	sadd.s32 @!p0 $0x88, s6;
	s7 =	simm.s32 @p2 $0x1082  }
0x22: {  	[simem:s7], [sflag:s8] =	dma.local @!p0 [hbm:s6], $0xF7A  }
0x23: {  	s9 =	sor.u32 $0xD0000000, s2;
	s6 =	simm.s32 $0x108;
	_ =	swait.ge @!p0 [sflag:s8], $0x0  }
0x24: {  	s3 =	sadd.s32 $0x88, s3;
	s6 =	simm.s32 @!p1 $0x1082;
	[sflag:s4] =	ssyncset.s32 $0xFFFFF086  }
0x25: {  	[simem:s6], [sflag:s4] =	dma.local [hbm:s3], $0xF7A  }
0x26: {  	[smem:$0x3F9E] =	sst s1;
	(tag) =	ssettag s2;
	_ =	strace s9  }
0x27: {  	s1 =	sld [smem:$0x3FAE]  }
0x28: {  	s2 =	sld [smem:$0x3FAF]  }
0x29: {  	s4 =	sld [smem:$0x3FB1]  }
0x2a: {  	p0 =	seq.s32 s5, $0x0;
	s5 =	sld [smem:$0x3FB2]  }
0x2b: {  	s6 =	sld [smem:$0x3FB3]  }
0x2c: {  	s7 =	sld [smem:$0x3FB4]  }
0x2d: {  	s3 =	simm.s32 $0x108;
	s8 =	sld [smem:$0x3FB5]  }
0x2e: {  	s3 =	simm.s32 @!p0 $0x1082;
	s9 =	sld [smem:$0x3FB6]  }
0x2f: {  	lr =	sadd.s32 s0, s3;
	s0 =	sld [smem:$0x3FAD]  }
0x30: {  	s3 =	sld [smem:$0x3FB0]  }
0x31: {  	[smem:$0x3FB9] =	sst s10  }
0x32: {  	s10 =	sld [smem:$0x3FB7];
	_ =	sdelay $0x3  }
0x33: {  	p0 =	seq.s32 s10, $0x1;
	s10 =	sld [smem:$0x3FB9];
	_ =	sdelay $0x3  }
0x34: {  	[smem:$0x3FB9] =	sst s10  }
0x35: {  	s10 =	sld [smem:$0x3FB8];
	_ =	sdelay $0x3  }
0x36: {  	p1 =	seq.s32 s10, $0x1;
	s10 =	sld [smem:$0x3FB9];
	_ =	sdelay $0x3  }
0x37: {  	[smem:$0x3FB9] =	sst s10  }
0x38: {  	s10 =	sld [smem:$0x3FBA]  }
0x39: {  	_ = 	snop;
	(pc) =	sbr.ind lr, $3  }
0x3a: {  	_ = 	snop  }
0x3b: {  	_ = 	snop  }
0x3c: {  	p2 =	seq.s32 s10, $0x1;
	s10 =	sld [smem:$0x3FB9]  }
0x3d: {  	_ =	shalt  }
0x3e: {  	_ =	shalt  }
0x3f: {  	_ =	shalt  }
0x40: {  	_ =	shalt  }
0x41: {  	_ =	shalt  }
0x42: {  	_ =	shalt  }
0x43: {  	_ =	shalt  }
0x44: {  	_ =	shalt  }
0x45: {  	_ =	shalt  }
0x46: {  	_ =	shalt  }
0x47: {  	_ =	shalt  }
0x48: {  	_ =	shalt  }
0x49: {  	_ =	shalt  }
0x4a: {  	_ =	shalt  }
0x4b: {  	_ =	shalt  }
0x4c: {  	_ =	shalt  }
0x4d: {  	_ =	shalt  }
0x4e: {  	_ =	shalt  }
0x4f: {  	_ =	shalt  }
0x50: {  	_ =	shalt  }
0x51: {  	_ =	shalt  }
0x52: {  	_ =	shalt  }
0x53: {  	_ =	shalt  }
0x54: {  	_ =	shalt  }
0x55: {  	_ =	shalt  }
0x56: {  	_ =	shalt  }
0x57: {  	_ =	shalt  }
0x58: {  	_ =	shalt  }
0x59: {  	_ =	shalt  }
0x5a: {  	_ =	shalt  }
0x5b: {  	_ =	shalt  }
0x5c: {  	_ =	shalt  }
0x5d: {  	_ =	shalt  }
0x5e: {  	_ =	shalt  }
0x5f: {  	_ =	shalt  }
0x60: {  	_ =	shalt  }
0x61: {  	_ =	shalt  }
0x62: {  	_ =	shalt  }
0x63: {  	_ =	shalt  }
0x64: {  	_ =	shalt  }
0x65: {  	_ =	shalt  }
0x66: {  	_ =	shalt  }
0x67: {  	_ =	shalt  }
0x68: {  	_ =	shalt  }
0x69: {  	_ =	shalt  }
0x6a: {  	_ =	shalt  }
0x6b: {  	_ =	shalt  }
0x6c: {  	_ =	shalt  }
0x6d: {  	_ =	shalt  }
0x6e: {  	_ =	shalt  }
0x6f: {  	_ =	shalt  }
0x70: {  	_ =	shalt  }
0x71: {  	_ =	shalt  }
0x72: {  	_ =	shalt  }
0x73: {  	_ =	shalt  }
0x74: {  	_ =	shalt  }
0x75: {  	_ =	shalt  }
0x76: {  	_ =	shalt  }
0x77: {  	_ =	shalt  }
0x78: {  	_ =	shalt  }
0x79: {  	_ =	shalt  }
0x7a: {  	_ =	shalt  }
0x7b: {  	_ =	shalt  }
0x7c: {  	_ =	shalt  }
0x7d: {  	_ =	shalt  }
0x7e: {  	_ =	shalt  }
0x7f: {  	_ =	shalt  }
0x80: {  	_ =	shalt  }
0x81: {  	_ =	shalt  }
0x82: {  	_ =	shalt  }
0x83: {  	_ =	shalt  }
0x84: {  	_ =	shalt  }
0x85: {  	_ =	shalt  }
0x86: {  	_ =	shalt  }
0x87: {  	_ =	shalt  }
.Lfunc_end0:
.L_simem_size_0:
called_computation_lowered:
.L_overlay_start_0:
0x88: {  	s2 =	sld [smem:$0x3FD9]  }
0x89: {  	s3 =	sld [smem:$0x3FFE];
	_ =	sdelay $0x1  }
0x8a: {  	s1 =	srdreg.scid  }
0x8b: {  	s0 =	sand.u32 $0x1, s1  }
0x8c: {  	s18 =	sshll.u32 s0, $0xA;
	s2 =	sadd.s32 s3, s2  }
0x8d: {  	s2 =	sadd.s32 s2, s18  }
0x8e: {  	[smem:$0x3FC5] =	sst s2  }
0x8f: {  	_ = 	snop  }
0x90: {  	s2 =	sld [smem:$0x3FC9]  }
0x91: {  	s19 =	sld [smem:$0x3FC8]  }
0x92: {  	s4 =	sld [smem:$0x3FC7]  }
0x93: {  	s5 =	sld [smem:$0x3FD0];
	(tm) =	ssettm $0x1  }
0x94: {  	s6 =	sld [smem:$0x3FFB];
	_ =	sdelay $0x3  }
0x95: {  	_ =	strace s6  }
0x96: {  	s6 =	sld [smem:$0x3FFC];
	_ =	sdelay $0x3  }
0x97: {  	_ =	strace s6  }
0x98: {  	s6 =	sld [smem:$0x3FFD];
	_ =	sdelay $0x3  }
0x99: {  	_ =	strace s6  }
0x9a: {  	_ =	strace $0x8FFFFFFF  }
0x9b: {  	s20 =	sld [smem:$0x3FDB];
	_ =	sdelay $0x1  }
0x9c: {  	s7 =	simm.s32 $_scs_section_size  }
0x9d: {  	s8 =	simm.s32 $_size__tile_overlayer_lowered;
	s9 =	simm.s32 $_tile_overlayer_lowered  }
0x9e: {  	s23 =	simm.s32 $0x1BFF;
	s22 =	sshll.u32 s9, $0x1;
	s6 =	sadd.s32 s7, s20  }
0x9f: {  	s10 =	simm.s32 $0x0;
	s21 =	sshll.u32 s8, $0x1;
	s8 =	sadd.s32 s22, s6  }
0xa0: {  	[timem:s10], [sflag:s23] =	dma.local [hbm:s8], s21  }
0xa1: {  	_ =	swait.ge [sflag:s23], s21  }
0xa2: {  	s7 =	ssub.s32 $0x0, s21;
	[sflag:s23] =	ssyncset.done $0x0  }
0xa3: {  	[sflag:s23] =	ssyncadd.s32 s7;
	_ =	sdelay $0x1  }
0xa4: {  	s24 =	simm.s32 $0x1B8B  }
0xa5: {  	_ =	swait.ge [sflag:s24], $0x1  }
0xa6: {  	[sflag:s24] =	ssyncset.done $0x0  }
0xa7: {  	s25 =	simm.s32 $0x1B8E;
	[sflag:s24] =	ssyncadd.s32 $0xFFFFFFFF  }
0xa8: {  	s26 =	simm.s32 $execute0_lowered;
	[smem:$0x3FD2] =	sst s25  }
0xa9: {  	s7 =	sshll.u32 s26, $0x1;
	_ =	strace $0x80000046;
	[dreg:$0x1] =	wrdreg $0xFFFFFFFF  }
0xaa: {  	s28 =	simm.s32 $_size_execute0_lowered;
	s6 =	sadd.s32 s6, s7;
	[dreg:$0x0] =	wrdreg $0x0  }
0xab: {  	s7 =	sshll.u32 s28, $0x1;
	[dreg:$0x2] =	wrdreg s6  }
0xac: {  	[dreg:$0x3] =	wrdreg s7  }
0xad: {  	[dreg:$0x4] =	wrdreg $0xC0  }
0xae: {  	_ =	task [dreg:s10], $0x5FFFF  }
0xaf: {  	[dreg:$0x1] =	wrdreg $0xFFFFFFFF  }
0xb0: {  	[dreg:$0x0] =	wrdreg $0x60  }
0xb1: {  	[dreg:$0x2] =	wrdreg s4  }
0xb2: {  	[dreg:$0x3] =	wrdreg s19  }
0xb3: {  	[dreg:$0x4] =	wrdreg s2  }
0xb4: {  	[dreg:$0x5] =	wrdreg s5  }
0xb5: {  	[dreg:$0x6] =	wrdreg $0x9  }
0xb6: {  	_ =	task.clear_ibuf [dreg:s10], $0x7FFFF;
	_ =	strace $0x90000046  }
0xb7: {  	s29 =	simm.s32 $0x9;
	_ =	strace $0x80000048  }
0xb8: {  	_ =	swait.ge [sflag:s29], $0x1  }
0xb9: {  	[sflag:s29] =	ssyncadd.s32 $0xFFFFFFFF  }
0xba: {  	_ =	strace $0x90000048  }
0xbb: {  	_ =	sfence  }
0xbc: {  	s30 =	sld [smem:$0x0];
	_ =	sdelay $0x2  }
0xbd: {  	s31 =	sshll.u32 s1, $0xD;
	s1 =	sshrl.u32 s1, $0x2  }
0xbe: {  	s3 =	sand.u32 $0x4000, s31;
	s1 =	sadd.s32 s1, s30  }
0xbf: {  	s0 =	sor.u32 s3, s0;
	s1 =	sshll.u32 s1, $0x11  }
0xc0: {  	s0 =	sor.u32 s1, s0  }
0xc1: {  	s0 =	sadd.s32 $0x8F2B, s0  }
0xc2: {  	[sflag:s0] =	ssyncadd.remote.s32 $0x1  }
0xc3: {  	_ =	sfence.sel $0xFFFF  }
0xc4: {  	[dreg:$0x0] =	wrdreg $0xFFFFFFFF;
	(pc) =	sbr.abs _section_cstart, $3  }
0xc5: {  	[dreg:$0x1] =	wrdreg $0xFFFFFFFF  }
0xc6: {  	_ =	task.clear_ibuf [dreg:s10], $0x2FFFF;
	_ =	strace $0x9FFFFFFF  }
0xc7: {  	(tm) =	ssettm $0x7FFFFFFF  }
tec
execute0_lowered:
.L_overlay_start_1:
0x0: {  	(tag) =	ssettag $0x1  }
0x1: {  	s12 =	rddreg [dreg:$0x1]  }
0x2: {  	s0 =	rddreg [dreg:$0x2]  }
0x3: {  	s3 =	rddreg [dreg:$0x3];
	s4 =	simm.s32 $0x0  }
0x4: {  	s1 =	srdreg.scid;
	s13 =	stileid.u32;
	s28 =	simm.s32 $0x80  }
0x5: {  	s29 =	simm.s32 $0x18700;
	[smem:$0x7FF] =	sst s4;
	s2 =	sand.u32 $0x1, s1  }
0x6: {  	s7 =	sshrl.u32 s13, $0x1;
	s5 =	sshll.u32 s13, $0xD;
	s9 =	sshll.u32 s13, $0x1  }
0x7: {  	p0 =	sgt.u32 s13, $0x3;
	s13 =	simm.s32 $0x1D300;
	_ =	strace $0x80000047  }
0x8: {  	s1 =	ssub.s32 $0x2, s2;
	s10 =	sshll.u32 s7, $0xE;
	s6 =	sand.u32 $0x2000, s5  }
0x9: {  	s5 =	sshll.u32 s2, $0x9;
	s11 =	smul.u32 $0xD4000, s7;
	s2 =	sor.u32 s2, s9  }
0xa: {  	s15 =	sor.u32 $0x8, s7;
	s21 =	sor.u32 $0x10, s7;
	s26 =	sor.u32 $0x18, s7  }
0xb: {  	s8 =	sshrl.u32 s1, $0x1;
	s10 =	sor.u32 s6, s10;
	s16 =	sshll.u32 s15, $0xE  }
0xc: {  	s22 =	sshll.u32 s21, $0xE;
	s30 =	sshll.u32 s26, $0xE;
	s1 =	ssub.s32 s1, s8  }
0xd: {  	s10 =	sor.u32 s5, s10;
	s14 =	sor.u32 s6, s11;
	s18 =	sor.u32 s6, s16  }
0xe: {  	s24 =	sor.u32 s6, s22;
	s11 =	sor.u32 s6, s30;
	s30 =	sadd.s32 $0x40, s12  }
0xf: {  	s12 =	simm.s32 $0x1D100;
	s8 =	sshrl.u32 s10, $0x3;
	s9 =	sor.u32 s5, s14  }
0x10: {  	s10 =	smul.u32 $0xD4000, s15;
	[dreg:$0x14] =	wrdreg s30;
	s8 =	sadd.s32 s0, s8  }
0x11: {  	s19 =	sor.u32 s5, s18;
	s17 =	sshrl.u32 s9, $0x3;
	[dreg:$0x5] =	wrdreg s8  }
0x12: {  	s8 =	sadd.s32 s3, s17;
	s20 =	sor.u32 s6, s10;
	s10 =	smul.u32 $0xD4000, s21  }
0x13: {  	s17 =	sor.u32 $0x28, s7;
	[dreg:$0x6] =	wrdreg s8;
	s9 =	sor.u32 s5, s20  }
0x14: {  	s8 =	sshrl.u32 s19, $0x3;
	s18 =	sshll.u32 s17, $0xE;
	s9 =	sshrl.u32 s9, $0x3  }
0x15: {  	s8 =	sadd.s32 s0, s8;
	s25 =	sor.u32 s6, s10;
	s10 =	smul.u32 $0xD4000, s26  }
0x16: {  	s20 =	sor.u32 s6, s18;
	s26 =	smul.u32 $0x1A, s2;
	s2 =	simm.s32 $0x8  }
0x17: {  	[dreg:$0x7] =	wrdreg s8;
	s23 =	sadd.s32 s3, s9;
	s8 =	sor.u32 s5, s24  }
0x18: {  	s9 =	sor.u32 s5, s25;
	[dreg:$0x8] =	wrdreg s23;
	s8 =	sshrl.u32 s8, $0x3  }
0x19: {  	s9 =	sshrl.u32 s9, $0x3;
	s10 =	sor.u32 s6, s10;
	[dreg:$0x13] =	wrdreg s26  }
0x1a: {  	s26 =	simm.s32 $0x19100;
	s8 =	sadd.s32 s0, s8;
	s31 =	sadd.s32 s3, s9  }
0x1b: {  	s9 =	sor.u32 s5, s11;
	s11 =	sor.u32 $0x20, s7;
	[dreg:$0x9] =	wrdreg s8  }
0x1c: {  	s14 =	sor.u32 s5, s10;
	s7 =	sor.u32 $0x30, s7;
	[dreg:$0xa] =	wrdreg s31  }
0x1d: {  	s8 =	sshrl.u32 s9, $0x3;
	s15 =	sshll.u32 s11, $0xE;
	s10 =	smul.u32 $0xD4000, s11  }
0x1e: {  	s21 =	smul.u32 $0xD4000, s7;
	s7 =	sshll.u32 s7, $0xE;
	s31 =	smax.u32 s1, $0x1  }
0x1f: {  	s1 =	simm.s32 $0x7;
	s8 =	sadd.s32 s0, s8;
	s9 =	sor.u32 s6, s15  }
0x20: {  	s7 =	sor.u32 s6, s7;
	[dreg:$0x15] =	wrdreg s31;
	s15 =	simm.s32 $0x3  }
0x21: {  	[dreg:$0xb] =	wrdreg s8;
	s8 =	sshrl.u32 s14, $0x3;
	s16 =	sor.u32 s5, s9  }
0x22: {  	s10 =	sor.u32 s6, s10;
	s9 =	smul.u32 $0xD4000, s17;
	s7 =	sor.u32 s5, s7  }
0x23: {  	s14 =	simm.s32 $0x1D500;
	s8 =	sadd.s32 s3, s8;
	s19 =	sor.u32 s5, s10  }
0x24: {  	s10 =	sor.u32 s5, s20;
	s7 =	sshrl.u32 s7, $0x3;
	s20 =	simm.s32 $0x4  }
0x25: {  	[dreg:$0xc] =	wrdreg s8;
	s8 =	sshrl.u32 s16, $0x3;
	s10 =	sshrl.u32 s10, $0x3  }
0x26: {  	s23 =	sor.u32 s6, s9;
	s6 =	sor.u32 s6, s21;
	s8 =	sadd.s32 s0, s8  }
0x27: {  	s22 =	sadd.s32 s0, s10;
	s0 =	sadd.s32 s0, s7;
	[dreg:$0xd] =	wrdreg s8  }
0x28: {  	s7 =	simm.s32 $0xD4000;
	s8 =	sshrl.u32 s19, $0x3;
	[dreg:$0xf] =	wrdreg s22  }
0x29: {  	[dreg:$0x11] =	wrdreg s0;
	s19 =	simm.s32 $0x5;
	s8 =	sadd.s32 s3, s8  }
0x2a: {  	[dreg:$0xe] =	wrdreg s8;
	s8 =	sor.u32 s5, s23;
	s5 =	sor.u32 s5, s6  }
0x2b: {  	s22 =	simm.s32 $0x6;
	s24 =	sshrl.u32 s8, $0x3;
	s5 =	sshrl.u32 s5, $0x3  }
0x2c: {  	s23 =	simm.s32 $0x200;
	s6 =	sadd.s32 s3, s24;
	s25 =	sadd.s32 s3, s5  }
0x2d: {  	s24 =	simm.s32 $0x400;
	s5 =	simm.s32 $0x0;
	[dreg:$0x10] =	wrdreg s6  }
0x2e: {  	[dreg:$0x12] =	wrdreg s25;
	s25 =	simm.s32 $0x1C700;
	s6 =	simm.s32 $0x2  }
.LBB2_1:
0x2f: {  	[dreg:$0x16] =	wrdreg s5  }
0x30: {  	s0 =	rddreg [dreg:$0x5];
	s5 =	simm.s32 $0x9  }
0x31: {  	[tilespmem:s25], [sflag:$0x9] =	stream.strided.gather [hbm4b:s0+s23], $0x1000, s24, s23, $0x38;
	[tilespmem:$0x1F700] =	vst v63  }
0x32: {  	_ =	swait.ge [sflag:s5], $0x1000  }
0x33: {  	[sflag:s5] =	ssyncset.done $0x0  }
0x34: {  	s31 =	rddreg [dreg:$0x6];
	[sflag:s5] =	ssyncadd.s32 $0xFFFFF000  }
0x35: {  	[hbm4b:s31+s23] =	stream.strided.scatter [tilespmem:s25], [sflag:$0x9], $0x1000, s24, s23, $0x38;
	[tilespmem:$0x1F700] =	vst v63  }
0x36: {  	_ =	swait.ge [sflag:s5], $0x1000  }
0x37: {  	[sflag:s5] =	ssyncset.done $0x0  }
0x38: {  	s8 =	rddreg [dreg:$0x7];
	[sflag:s5] =	ssyncadd.s32 $0xFFFFF000  }
0x39: {  	[tilespmem:s25], [sflag:$0x9] =	stream.strided.gather [hbm4b:s8+s23], $0x1000, s24, s23, $0x38;
	[tilespmem:$0x1F700] =	vst v63  }
0x3a: {  	_ =	swait.ge [sflag:s5], $0x1000  }
0x3b: {  	[sflag:s5] =	ssyncset.done $0x0  }
0x3c: {  	s9 =	rddreg [dreg:$0x8];
	[sflag:s5] =	ssyncadd.s32 $0xFFFFF000  }
0x3d: {  	[hbm4b:s9+s23] =	stream.strided.scatter [tilespmem:s25], [sflag:$0x9], $0x1000, s24, s23, $0x38;
	[tilespmem:$0x1F700] =	vst v63  }
0x3e: {  	_ =	swait.ge [sflag:s5], $0x1000  }
0x3f: {  	[sflag:s5] =	ssyncset.done $0x0  }
0x40: {  	s10 =	rddreg [dreg:$0x9];
	[sflag:s5] =	ssyncadd.s32 $0xFFFFF000  }
0x41: {  	[tilespmem:s25], [sflag:$0x9] =	stream.strided.gather [hbm4b:s10+s23], $0x1000, s24, s23, $0x38;
	[tilespmem:$0x1F700] =	vst v63  }
0x42: {  	_ =	swait.ge [sflag:s5], $0x1000  }
0x43: {  	[sflag:s5] =	ssyncset.done $0x0  }
0x44: {  	s11 =	rddreg [dreg:$0xa];
	[sflag:s5] =	ssyncadd.s32 $0xFFFFF000  }
0x45: {  	[hbm4b:s11+s23] =	stream.strided.scatter [tilespmem:s25], [sflag:$0x9], $0x1000, s24, s23, $0x38;
	[tilespmem:$0x1F700] =	vst v63  }
0x46: {  	_ =	swait.ge [sflag:s5], $0x1000  }
0x47: {  	[sflag:s5] =	ssyncset.done $0x0  }
0x48: {  	s16 =	rddreg [dreg:$0xb];
	[sflag:s5] =	ssyncadd.s32 $0xFFFFF000  }
0x49: {  	[tilespmem:s25], [sflag:$0x9] =	stream.strided.gather [hbm4b:s16+s23], $0x1000, s24, s23, $0x38;
	[tilespmem:$0x1F700] =	vst v63  }
0x4a: {  	_ =	swait.ge [sflag:s5], $0x1000  }
0x4b: {  	[sflag:s5] =	ssyncset.done $0x0  }
0x4c: {  	s17 =	rddreg [dreg:$0xc];
	[sflag:s5] =	ssyncadd.s32 $0xFFFFF000  }
0x4d: {  	[hbm4b:s17+s23] =	stream.strided.scatter [tilespmem:s25], [sflag:$0x9], $0x1000, s24, s23, $0x38;
	[tilespmem:$0x1F700] =	vst v63  }
0x4e: {  	_ =	swait.ge [sflag:s5], $0x1000  }
0x4f: {  	[sflag:s5] =	ssyncset.done $0x0  }
0x50: {  	s18 =	rddreg [dreg:$0xd];
	[sflag:s5] =	ssyncadd.s32 $0xFFFFF000  }
0x51: {  	[tilespmem:s25], [sflag:$0x9] =	stream.strided.gather [hbm4b:s18+s23], $0x1000, s24, s23, $0x38;
	[tilespmem:$0x1F700] =	vst v63  }
0x52: {  	_ =	swait.ge [sflag:s5], $0x1000  }
0x53: {  	[sflag:s5] =	ssyncset.done $0x0  }
0x54: {  	s21 =	rddreg [dreg:$0xe];
	[sflag:s5] =	ssyncadd.s32 $0xFFFFF000  }
0x55: {  	[hbm4b:s21+s23] =	stream.strided.scatter [tilespmem:s25], [sflag:$0x9], $0x1000, s24, s23, $0x38;
	[tilespmem:$0x1F700] =	vst v63  }
0x56: {  	_ =	swait.ge [sflag:s5], $0x1000  }
0x57: {  	[sflag:s5] =	ssyncset.done $0x0  }
0x58: {  	s30 =	rddreg [dreg:$0xf];
	[sflag:s5] =	ssyncadd.s32 $0xFFFFF000  }
0x59: {  	[tilespmem:s25], [sflag:$0x9] =	stream.strided.gather [hbm4b:s30+s23], $0x1000, s24, s23, $0x38;
	[tilespmem:$0x1F700] =	vst v63  }
0x5a: {  	_ =	swait.ge [sflag:s5], $0x1000  }
0x5b: {  	[sflag:s5] =	ssyncset.done $0x0  }
0x5c: {  	s31 =	rddreg [dreg:$0x10];
	[sflag:s5] =	ssyncadd.s32 $0xFFFFF000  }
0x5d: {  	[hbm4b:s31+s23] =	stream.strided.scatter [tilespmem:s25], [sflag:$0x9], $0x1000, s24, s23, $0x38;
	[tilespmem:$0x1F700] =	vst v63  }
0x5e: {  	s0 =	simm.s32 @!p0 $0x200;
	_ =	swait.ge [sflag:s5], $0x1000  }
0x5f: {  	s8 =	simm.s32 @!p0 $0x1C700;
	s16 =	simm.s32 @!p0 $0x9;
	[sflag:s5] =	ssyncset.done $0x0  }
0x60: {  	s9 =	rddreg [dreg:$0x11];
	[sflag:s5] =	ssyncadd.s32 $0xFFFFF000;
	s5 =	simm.s32 @!p0 $0x400  }
0x61: {  	[tilespmem:s8], [sflag:$0x9] =	stream.strided.gather @!p0 [hbm4b:s9+s0], $0x1000, s5, s0, $0x38;
	[tilespmem:$0x1F700] =	vst v63  }
0x62: {  	_ =	swait.ge @!p0 [sflag:s16], $0x1000  }
0x63: {  	[sflag:s16] =	ssyncset.done @!p0 $0x0  }
0x64: {  	s9 =	rddreg [dreg:$0x12];
	[sflag:s16] =	ssyncadd.s32 @!p0 $0xFFFFF000  }
0x65: {  	[hbm4b:s9+s0] =	stream.strided.scatter @!p0 [tilespmem:s8], [sflag:$0x9], $0x1000, s5, s0, $0x38;
	[tilespmem:$0x1F700] =	vst v63  }
0x66: {  	_ =	swait.ge @!p0 [sflag:s16], $0x1000  }
0x67: {  	[sflag:s16] =	ssyncset.done @!p0 $0x0  }
0x68: {  	s21 =	simm.s32 $0x0;
	[sflag:s16] =	ssyncadd.s32 @!p0 $0xFFFFF000  }
.LBB2_2:
0x69: {  	s0 =	rddreg [dreg:$0x13]  }
0x6a: {  	s5 =	sadd.s32 s0, s21  }
0x6b: {  	s0 =	sand.u32 $0x1F, s5;
	s8 =	sshrl.u32 s5, $0x5  }
0x6c: {  	s16 =	smul.u32 $0x30E000, s8;
	s17 =	sshrl.u32 s0, $0x3  }
0x6d: {  	s17 =	smul.u32 $0xC3800, s17  }
0x6e: {  	s18 =	sshll.u32 s5, $0x7  }
0x6f: {  	s30 =	sand.u32 $0x380, s18;
	s8 =	smul.u32 $0xE000, s8;
	s16 =	sadd.s32 s16, s17  }
0x70: {  	s16 =	sor.u32 s30, s16  }
0x71: {  	s9 =	rddreg [dreg:$0x0];
	s8 =	sshrl.u32 s8, $0x3;
	s16 =	sshrl.u32 s16, $0x3  }
0x72: {  	s17 =	rddreg [dreg:$0x1];
	s11 =	sadd.s32 s9, s16;
	s16 =	simm.s32 $0x0  }
0x73: {  	[tilespmem:s16], [sflag:$0x1] =	stream.strided.gather [hbm4b:s11+s28], $0x18700, s24, s28, $0x38;
	[tilespmem:$0x1F700] =	vst v63  }
0x74: {  	s18 =	rddreg [dreg:$0x14];
	s31 =	sadd.s32 s17, s8  }
0x75: {  	[tilespmem:s29], [sflag:$0x2] =	stream.strided.gather [hbm4b:s31+s23], $0x1000, s24, s23, $0x38;
	[tilespmem:$0x1F700] =	vst v63  }
0x76: {  	s10 =	simm.s32 $0x19700;
	s8 =	sadd.s32 s8, s18  }
0x77: {  	[tilespmem:s10], [sflag:$0x3] =	stream.strided.gather [hbm4b:s8+s23], $0x1000, s24, s23, $0x38;
	[tilespmem:$0x1F700] =	vst v63  }
0x78: {  	s17 =	simm.s32 $0x1A700;
	s18 =	simm.s32 $0x1;
	s11 =	sadd.s32 $0x400, s31  }
0x79: {  	[tilespmem:s17], [sflag:$0x4] =	stream.strided.gather [hbm4b:s11+s23], $0x1000, s24, s23, $0x38;
	[tilespmem:$0x1F700] =	vst v63  }
0x7a: {  	_ =	swait.ge [sflag:s18], $0x18700  }
0x7b: {  	[sflag:s18] =	ssyncset.done $0x0  }
0x7c: {  	s9 =	sadd.s32 $0x440, s31;
	s10 =	simm.s32 $0x1B700;
	[sflag:s18] =	ssyncadd.s32 $0xFFFE7900  }
0x7d: {  	[tilespmem:s10], [sflag:$0x5] =	stream.strided.gather [hbm4b:s9+s23], $0x1000, s24, s23, $0x38;
	[tilespmem:$0x1F700] =	vst v63  }
0x7e: {  	s11 =	sand.u32 $0xE00, s16;
	_ =	swait.ge [sflag:s6], $0x1000  }
0x7f: {  	s18 =	sor.u32 s11, s16;
	[sflag:s6] =	ssyncset.done $0x0  }
0x80: {  	s29 =	sand.u32 $0x180, s16;
	s18 =	sor.u32 $0x70, s18;
	[sflag:s6] =	ssyncadd.s32 $0xFFFFF000  }
0x81: {  	s17 =	sor.u32 s29, s11;
	v1 =	vld [tilespmem:s18+$0x18700]  }
0x82: {  	v2 =	vld [tilespmem:s17+$0x18700]  }
0x83: {  	v3 =	vld [tilespmem:s17+$0x18710]  }
0x84: {  	v8 =	vld [tilespmem:s17+$0x18720]  }
0x85: {  	v9 =	vld [tilespmem:s17+$0x18730]  }
0x86: {  	v6 =	vld [tilespmem:s17+$0x18740]  }
0x87: {  	v4 =	vld [tilespmem:s17+$0x18750]  }
0x88: {  	v0 =	vld [tilespmem:s17+$0x18760]  }
0x89: {  	v7 =	vld.idx.msk [tilespmem:v1+s4+$0x0], $0xffff  }
0x8a: {  	v5 =	vld.idx.msk [tilespmem:v2+s4+$0x0], $0xffff  }
0x8b: {  	v3 =	vld.idx.msk [tilespmem:v3+s4+$0x0], $0xffff  }
0x8c: {  	v2 =	vld.idx.msk [tilespmem:v8+s4+$0x0], $0xffff  }
0x8d: {  	s8 =	simm.s32 $0x200;
	s29 =	simm.s32 $0x0;
	v1 =	vld.idx.msk [tilespmem:v9+s4+$0x0], $0xffff  }
.LBB2_3:
0x8e: {  	s9 =	sand.u32 $0xE00, s8;
	s29 =	sadd.s32 $0x8, s29;
	v6 =	vld.idx.msk [tilespmem:v6+s4+$0x0], $0xffff;
	s16 =	sadd.s32 $0x10, s16  }
0x8f: {  	s10 =	sand.u32 $0x180, s16;
	s11 =	sor.u32 s9, s16;
	p1 =	slt.u32 s29, $0xF8;
	v4 =	vld.idx.msk [tilespmem:v4+s4+$0x0], $0xffff;
	[tilespmem:s18+$0x1C700] =	vst v7  }
0x90: {  	s9 =	sor.u32 s10, s9;
	s18 =	sor.u32 $0x70, s11;
	[tilespmem:s17+$0x1C700] =	vst v5;
	v0 =	vld.idx.msk [tilespmem:v0+s4+$0x0], $0xffff  }
0x91: {  	v5 =	vld [tilespmem:s18+$0x18700];
	[tilespmem:s17+$0x1C710] =	vst v3  }
0x92: {  	v3 =	vld [tilespmem:s9+$0x18700];
	[tilespmem:s17+$0x1C720] =	vst v2  }
0x93: {  	v2 =	vld [tilespmem:s9+$0x18710];
	[tilespmem:s17+$0x1C730] =	vst v1  }
0x94: {  	v1 =	vld [tilespmem:s9+$0x18720];
	[tilespmem:s17+$0x1C740] =	vst v6  }
0x95: {  	v8 =	vld [tilespmem:s9+$0x18730];
	[tilespmem:s17+$0x1C750] =	vst v4  }
0x96: {  	v6 =	vld [tilespmem:s9+$0x18740];
	[tilespmem:s17+$0x1C760] =	vst v0;
	s17 =	smov.u32 s9  }
0x97: {  	v4 =	vld [tilespmem:s17+$0x18750]  }
0x98: {  	v0 =	vld [tilespmem:s17+$0x18760]  }
.Ltmp0:
0x99: {  	v7 =	vld.idx.msk [tilespmem:v5+s4+$0x0], $0xffff;
	(pc) =	sbr.rel @p1 .LBB2_3-.Ltmp0, $4  }
0x9a: {  	v5 =	vld.idx.msk [tilespmem:v3+s4+$0x0], $0xffff  }
0x9b: {  	v3 =	vld.idx.msk [tilespmem:v2+s4+$0x0], $0xffff  }
0x9c: {  	v2 =	vld.idx.msk [tilespmem:v1+s4+$0x0], $0xffff  }
0x9d: {  	s8 =	sadd.s32 $0x200, s8;
	v1 =	vld.idx.msk [tilespmem:v8+s4+$0x0], $0xffff  }
0x9e: {  	_ =	sdelay $0x3  }
0x9f: {  	v6 =	vld.idx.msk [tilespmem:v6+s4+$0x0], $0xffff;
	[tilespmem:s18+$0x1C700] =	vst v7;
	s5 =	sand.u32 $0x7E0, s5  }
0xa0: {  	v4 =	vld.idx.msk [tilespmem:v4+s4+$0x0], $0xffff;
	[tilespmem:s17+$0x1C700] =	vst v5;
	s0 =	sor.u32 s5, s0  }
0xa1: {  	v0 =	vld.idx.msk [tilespmem:v0+s4+$0x0], $0xffff;
	[tilespmem:s17+$0x1C710] =	vst v3;
	s0 =	sshll.u32 s0, $0xA  }
0xa2: {  	[tilespmem:s17+$0x1C720] =	vst v2;
	s0 =	sadd.s32 $0x4000, s0  }
0xa3: {  	[tilespmem:s17+$0x1C730] =	vst v1;
	s0 =	sand.u32 $0x3FE000, s0  }
0xa4: {  	[tilespmem:s17+$0x1C740] =	vst v6;
	s16 =	sor.u32 s30, s0  }
0xa5: {  	[tilespmem:s17+$0x1C750] =	vst v4;
	s5 =	sshrl.u32 s16, $0x3  }
0xa6: {  	[tilespmem:s17+$0x1C760] =	vst v0;
	s5 =	sadd.s32 s3, s5  }
0xa7: {  	[hbm4b:s5+s28] =	stream.strided.scatter [tilespmem:s25], [sflag:$0x6], $0x200, s7, s28, $0x38;
	[tilespmem:$0x1F700] =	vst v63  }
0xa8: {  	s9 =	simm.s32 $0x1C900;
	s8 =	sadd.s32 $0x80, s5  }
0xa9: {  	[hbm4b:s8+s28] =	stream.strided.scatter [tilespmem:s9], [sflag:$0x6], $0x200, s7, s28, $0x38;
	[tilespmem:$0x1F700] =	vst v63  }
0xaa: {  	s18 =	simm.s32 $0x1CB00;
	s17 =	sadd.s32 $0x100, s5  }
0xab: {  	[hbm4b:s17+s28] =	stream.strided.scatter [tilespmem:s18], [sflag:$0x6], $0x200, s7, s28, $0x38;
	[tilespmem:$0x1F700] =	vst v63  }
0xac: {  	s11 =	simm.s32 $0x1CD00;
	s10 =	sadd.s32 $0x180, s5  }
0xad: {  	[hbm4b:s10+s28] =	stream.strided.scatter [tilespmem:s11], [sflag:$0x6], $0x200, s7, s28, $0x38;
	[tilespmem:$0x1F700] =	vst v63  }
0xae: {  	s16 =	sadd.s32 $0x200, s5;
	s17 =	simm.s32 $0x1CF00  }
0xaf: {  	[hbm4b:s16+s28] =	stream.strided.scatter [tilespmem:s17], [sflag:$0x6], $0x200, s7, s28, $0x38;
	[tilespmem:$0x1F700] =	vst v63  }
0xb0: {  	s18 =	sadd.s32 $0x280, s5  }
0xb1: {  	[hbm4b:s18+s28] =	stream.strided.scatter [tilespmem:s12], [sflag:$0x6], $0x200, s7, s28, $0x38;
	[tilespmem:$0x1F700] =	vst v63  }
0xb2: {  	s9 =	sadd.s32 $0x300, s5  }
0xb3: {  	[hbm4b:s9+s28] =	stream.strided.scatter [tilespmem:s13], [sflag:$0x6], $0x200, s7, s28, $0x38;
	[tilespmem:$0x1F700] =	vst v63  }
0xb4: {  	s5 =	sadd.s32 $0x380, s5  }
0xb5: {  	[hbm4b:s5+s28] =	stream.strided.scatter [tilespmem:s14], [sflag:$0x6], $0x200, s7, s28, $0x38;
	[tilespmem:$0x1F700] =	vst v63  }
0xb6: {  	s29 =	simm.s32 $0x18700;
	s10 =	sadd.s32 $0x800, s31;
	s16 =	simm.s32 $0x0  }
0xb7: {  	[tilespmem:s29], [sflag:$0x2] =	stream.strided.gather [hbm4b:s10+s23], $0x1000, s24, s23, $0x38;
	[tilespmem:$0x1F700] =	vst v63  }
0xb8: {  	s11 =	sand.u32 $0xE00, s16;
	_ =	swait.ge [sflag:s15], $0x1000  }
0xb9: {  	s17 =	sor.u32 s11, s16;
	[sflag:s15] =	ssyncset.done $0x0  }
0xba: {  	s18 =	sand.u32 $0x180, s16;
	s17 =	sor.u32 $0x70, s17;
	[sflag:s15] =	ssyncadd.s32 $0xFFFFF000  }
0xbb: {  	s5 =	sor.u32 s18, s11;
	v1 =	vld [tilespmem:s17+$0x19700]  }
0xbc: {  	v2 =	vld [tilespmem:s5+$0x19700]  }
0xbd: {  	v4 =	vld [tilespmem:s5+$0x19710]  }
0xbe: {  	v8 =	vld [tilespmem:s5+$0x19720]  }
0xbf: {  	v9 =	vld [tilespmem:s5+$0x19730]  }
0xc0: {  	v5 =	vld [tilespmem:s5+$0x19740]  }
0xc1: {  	v3 =	vld [tilespmem:s5+$0x19750]  }
0xc2: {  	v0 =	vld [tilespmem:s5+$0x19760]  }
0xc3: {  	v7 =	vld.idx.msk [tilespmem:v1+s4+$0x0], $0xffff  }
0xc4: {  	v6 =	vld.idx.msk [tilespmem:v2+s4+$0x0], $0xffff  }
0xc5: {  	v4 =	vld.idx.msk [tilespmem:v4+s4+$0x0], $0xffff  }
0xc6: {  	v1 =	vld.idx.msk [tilespmem:v8+s4+$0x0], $0xffff  }
0xc7: {  	s8 =	simm.s32 $0x200;
	s18 =	simm.s32 $0x0;
	v2 =	vld.idx.msk [tilespmem:v9+s4+$0x0], $0xffff  }
.LBB2_5:
0xc8: {  	s9 =	sand.u32 $0xE00, s8;
	s18 =	sadd.s32 $0x8, s18;
	v5 =	vld.idx.msk [tilespmem:v5+s4+$0x0], $0xffff;
	s16 =	sadd.s32 $0x10, s16  }
0xc9: {  	s10 =	sand.u32 $0x180, s16;
	s11 =	sor.u32 s9, s16;
	p1 =	slt.u32 s18, $0xF8;
	v3 =	vld.idx.msk [tilespmem:v3+s4+$0x0], $0xffff;
	[tilespmem:s17+$0x1D700] =	vst v7  }
0xca: {  	s9 =	sor.u32 s10, s9;
	s17 =	sor.u32 $0x70, s11;
	[tilespmem:s5+$0x1D700] =	vst v6;
	v0 =	vld.idx.msk [tilespmem:v0+s4+$0x0], $0xffff  }
0xcb: {  	v6 =	vld [tilespmem:s17+$0x19700];
	[tilespmem:s5+$0x1D710] =	vst v4  }
0xcc: {  	v4 =	vld [tilespmem:s9+$0x19700];
	[tilespmem:s5+$0x1D720] =	vst v1  }
0xcd: {  	v1 =	vld [tilespmem:s9+$0x19710];
	[tilespmem:s5+$0x1D730] =	vst v2  }
0xce: {  	v2 =	vld [tilespmem:s9+$0x19720];
	[tilespmem:s5+$0x1D740] =	vst v5  }
0xcf: {  	v8 =	vld [tilespmem:s9+$0x19730];
	[tilespmem:s5+$0x1D750] =	vst v3  }
0xd0: {  	v5 =	vld [tilespmem:s9+$0x19740];
	[tilespmem:s5+$0x1D760] =	vst v0;
	s5 =	smov.u32 s9  }
0xd1: {  	v3 =	vld [tilespmem:s5+$0x19750]  }
0xd2: {  	v0 =	vld [tilespmem:s5+$0x19760]  }
.Ltmp1:
0xd3: {  	v7 =	vld.idx.msk [tilespmem:v6+s4+$0x0], $0xffff;
	(pc) =	sbr.rel @p1 .LBB2_5-.Ltmp1, $4  }
0xd4: {  	v6 =	vld.idx.msk [tilespmem:v4+s4+$0x0], $0xffff  }
0xd5: {  	v4 =	vld.idx.msk [tilespmem:v1+s4+$0x0], $0xffff  }
0xd6: {  	v1 =	vld.idx.msk [tilespmem:v2+s4+$0x0], $0xffff  }
0xd7: {  	s8 =	sadd.s32 $0x200, s8;
	v2 =	vld.idx.msk [tilespmem:v8+s4+$0x0], $0xffff  }
0xd8: {  	_ =	sdelay $0x3  }
0xd9: {  	v5 =	vld.idx.msk [tilespmem:v5+s4+$0x0], $0xffff;
	[tilespmem:s17+$0x1D700] =	vst v7  }
0xda: {  	v3 =	vld.idx.msk [tilespmem:v3+s4+$0x0], $0xffff;
	[tilespmem:s5+$0x1D700] =	vst v6  }
0xdb: {  	v0 =	vld.idx.msk [tilespmem:v0+s4+$0x0], $0xffff;
	[tilespmem:s5+$0x1D710] =	vst v4  }
0xdc: {  	[tilespmem:s5+$0x1D720] =	vst v1  }
0xdd: {  	s30 =	sadd.s32 s30, s0;
	[tilespmem:s5+$0x1D730] =	vst v2  }
0xde: {  	s0 =	sadd.s32 $0x350000, s30;
	[tilespmem:s5+$0x1D740] =	vst v5  }
0xdf: {  	s0 =	sshrl.u32 s0, $0x3;
	[tilespmem:s5+$0x1D750] =	vst v3  }
0xe0: {  	s18 =	simm.s32 $0x1D700;
	s0 =	sadd.s32 s3, s0;
	[tilespmem:s5+$0x1D760] =	vst v0  }
0xe1: {  	[hbm4b:s0+s28] =	stream.strided.scatter [tilespmem:s18], [sflag:$0x7], $0x200, s7, s28, $0x38;
	[tilespmem:$0x1F700] =	vst v63  }
0xe2: {  	s8 =	simm.s32 $0x1D900;
	s9 =	sadd.s32 $0x80, s0  }
0xe3: {  	[hbm4b:s9+s28] =	stream.strided.scatter [tilespmem:s8], [sflag:$0x7], $0x200, s7, s28, $0x38;
	[tilespmem:$0x1F700] =	vst v63  }
0xe4: {  	s11 =	simm.s32 $0x1DB00;
	s10 =	sadd.s32 $0x100, s0  }
0xe5: {  	[hbm4b:s10+s28] =	stream.strided.scatter [tilespmem:s11], [sflag:$0x7], $0x200, s7, s28, $0x38;
	[tilespmem:$0x1F700] =	vst v63  }
0xe6: {  	s17 =	simm.s32 $0x1DD00;
	s16 =	sadd.s32 $0x180, s0  }
0xe7: {  	[hbm4b:s16+s28] =	stream.strided.scatter [tilespmem:s17], [sflag:$0x7], $0x200, s7, s28, $0x38;
	[tilespmem:$0x1F700] =	vst v63  }
0xe8: {  	s8 =	sadd.s32 $0x200, s0;
	s9 =	simm.s32 $0x1DF00  }
0xe9: {  	[hbm4b:s8+s28] =	stream.strided.scatter [tilespmem:s9], [sflag:$0x7], $0x200, s7, s28, $0x38;
	[tilespmem:$0x1F700] =	vst v63  }
0xea: {  	s10 =	sadd.s32 $0x280, s0;
	s11 =	simm.s32 $0x1E100  }
0xeb: {  	[hbm4b:s10+s28] =	stream.strided.scatter [tilespmem:s11], [sflag:$0x7], $0x200, s7, s28, $0x38;
	[tilespmem:$0x1F700] =	vst v63  }
0xec: {  	s16 =	sadd.s32 $0x300, s0;
	s17 =	simm.s32 $0x1E300  }
0xed: {  	[hbm4b:s16+s28] =	stream.strided.scatter [tilespmem:s17], [sflag:$0x7], $0x200, s7, s28, $0x38;
	[tilespmem:$0x1F700] =	vst v63  }
0xee: {  	s0 =	sadd.s32 $0x380, s0;
	s8 =	simm.s32 $0x1E500  }
0xef: {  	[hbm4b:s0+s28] =	stream.strided.scatter [tilespmem:s8], [sflag:$0x7], $0x200, s7, s28, $0x38;
	[tilespmem:$0x1F700] =	vst v63  }
0xf0: {  	s5 =	simm.s32 $0x0;
	s9 =	sadd.s32 $0x840, s31;
	s10 =	simm.s32 $0x19700  }
0xf1: {  	[tilespmem:s10], [sflag:$0x3] =	stream.strided.gather [hbm4b:s9+s23], $0x1000, s24, s23, $0x38;
	[tilespmem:$0x1F700] =	vst v63  }
0xf2: {  	s11 =	sand.u32 $0xE00, s5;
	_ =	swait.ge [sflag:s20], $0x1000  }
0xf3: {  	s17 =	sor.u32 s11, s5;
	[sflag:s20] =	ssyncset.done $0x0  }
0xf4: {  	s16 =	sor.u32 $0x70, s17;
	s9 =	sand.u32 $0x180, s5;
	[sflag:s20] =	ssyncadd.s32 $0xFFFFF000  }
0xf5: {  	s0 =	sor.u32 s9, s11;
	v1 =	vld [tilespmem:s16+$0x1A700]  }
0xf6: {  	v2 =	vld [tilespmem:s0+$0x1A700]  }
0xf7: {  	v4 =	vld [tilespmem:s0+$0x1A710]  }
0xf8: {  	v8 =	vld [tilespmem:s0+$0x1A720]  }
0xf9: {  	v9 =	vld [tilespmem:s0+$0x1A730]  }
0xfa: {  	v5 =	vld [tilespmem:s0+$0x1A740]  }
0xfb: {  	v3 =	vld [tilespmem:s0+$0x1A750]  }
0xfc: {  	v0 =	vld [tilespmem:s0+$0x1A760]  }
0xfd: {  	v7 =	vld.idx.msk [tilespmem:v1+s4+$0x0], $0xffff  }
0xfe: {  	v6 =	vld.idx.msk [tilespmem:v2+s4+$0x0], $0xffff  }
0xff: {  	v4 =	vld.idx.msk [tilespmem:v4+s4+$0x0], $0xffff  }
0x100: {  	v1 =	vld.idx.msk [tilespmem:v8+s4+$0x0], $0xffff  }
0x101: {  	s17 =	simm.s32 $0x0;
	s8 =	simm.s32 $0x200;
	v2 =	vld.idx.msk [tilespmem:v9+s4+$0x0], $0xffff  }
.LBB2_7:
0x102: {  	s9 =	sand.u32 $0xE00, s8;
	s17 =	sadd.s32 $0x8, s17;
	v5 =	vld.idx.msk [tilespmem:v5+s4+$0x0], $0xffff;
	s5 =	sadd.s32 $0x10, s5  }
0x103: {  	s10 =	sand.u32 $0x180, s5;
	s11 =	sor.u32 s9, s5;
	p1 =	slt.u32 s17, $0xF8;
	v3 =	vld.idx.msk [tilespmem:v3+s4+$0x0], $0xffff;
	[tilespmem:s16+$0x1E700] =	vst v7  }
0x104: {  	s9 =	sor.u32 s10, s9;
	s16 =	sor.u32 $0x70, s11;
	[tilespmem:s0+$0x1E700] =	vst v6;
	v0 =	vld.idx.msk [tilespmem:v0+s4+$0x0], $0xffff  }
0x105: {  	v6 =	vld [tilespmem:s16+$0x1A700];
	[tilespmem:s0+$0x1E710] =	vst v4  }
0x106: {  	v4 =	vld [tilespmem:s9+$0x1A700];
	[tilespmem:s0+$0x1E720] =	vst v1  }
0x107: {  	v1 =	vld [tilespmem:s9+$0x1A710];
	[tilespmem:s0+$0x1E730] =	vst v2  }
0x108: {  	v2 =	vld [tilespmem:s9+$0x1A720];
	[tilespmem:s0+$0x1E740] =	vst v5  }
0x109: {  	v8 =	vld [tilespmem:s9+$0x1A730];
	[tilespmem:s0+$0x1E750] =	vst v3  }
0x10a: {  	v5 =	vld [tilespmem:s9+$0x1A740];
	[tilespmem:s0+$0x1E760] =	vst v0;
	s0 =	smov.u32 s9  }
0x10b: {  	v3 =	vld [tilespmem:s0+$0x1A750]  }
0x10c: {  	v0 =	vld [tilespmem:s0+$0x1A760]  }
.Ltmp2:
0x10d: {  	v7 =	vld.idx.msk [tilespmem:v6+s4+$0x0], $0xffff;
	(pc) =	sbr.rel @p1 .LBB2_7-.Ltmp2, $4  }
0x10e: {  	v6 =	vld.idx.msk [tilespmem:v4+s4+$0x0], $0xffff  }
0x10f: {  	v4 =	vld.idx.msk [tilespmem:v1+s4+$0x0], $0xffff  }
0x110: {  	v1 =	vld.idx.msk [tilespmem:v2+s4+$0x0], $0xffff  }
0x111: {  	s8 =	sadd.s32 $0x200, s8;
	v2 =	vld.idx.msk [tilespmem:v8+s4+$0x0], $0xffff  }
0x112: {  	_ =	sdelay $0x3  }
0x113: {  	v5 =	vld.idx.msk [tilespmem:v5+s4+$0x0], $0xffff;
	[tilespmem:s16+$0x1E700] =	vst v7  }
0x114: {  	v3 =	vld.idx.msk [tilespmem:v3+s4+$0x0], $0xffff;
	[tilespmem:s0+$0x1E700] =	vst v6  }
0x115: {  	v0 =	vld.idx.msk [tilespmem:v0+s4+$0x0], $0xffff;
	[tilespmem:s0+$0x1E710] =	vst v4  }
0x116: {  	[tilespmem:s0+$0x1E720] =	vst v1  }
0x117: {  	[tilespmem:s0+$0x1E730] =	vst v2  }
0x118: {  	s5 =	sadd.s32 $0x6A0000, s30;
	[tilespmem:s0+$0x1E740] =	vst v5  }
0x119: {  	s5 =	sshrl.u32 s5, $0x3;
	[tilespmem:s0+$0x1E750] =	vst v3  }
0x11a: {  	s8 =	simm.s32 $0x1E700;
	[tilespmem:s0+$0x1E760] =	vst v0;
	s0 =	sadd.s32 s3, s5  }
0x11b: {  	[hbm4b:s0+s28] =	stream.strided.scatter [tilespmem:s8], [sflag:$0x8], $0x200, s7, s28, $0x38;
	[tilespmem:$0x1F700] =	vst v63  }
0x11c: {  	s9 =	sadd.s32 $0x80, s0;
	s8 =	simm.s32 $0x1E900  }
0x11d: {  	[hbm4b:s9+s28] =	stream.strided.scatter [tilespmem:s8], [sflag:$0x8], $0x200, s7, s28, $0x38;
	[tilespmem:$0x1F700] =	vst v63  }
0x11e: {  	s11 =	simm.s32 $0x1EB00;
	s10 =	sadd.s32 $0x100, s0  }
0x11f: {  	[hbm4b:s10+s28] =	stream.strided.scatter [tilespmem:s11], [sflag:$0x8], $0x200, s7, s28, $0x38;
	[tilespmem:$0x1F700] =	vst v63  }
0x120: {  	s17 =	simm.s32 $0x1ED00;
	s16 =	sadd.s32 $0x180, s0  }
0x121: {  	[hbm4b:s16+s28] =	stream.strided.scatter [tilespmem:s17], [sflag:$0x8], $0x200, s7, s28, $0x38;
	[tilespmem:$0x1F700] =	vst v63  }
0x122: {  	s8 =	sadd.s32 $0x200, s0;
	s9 =	simm.s32 $0x1EF00  }
0x123: {  	[hbm4b:s8+s28] =	stream.strided.scatter [tilespmem:s9], [sflag:$0x8], $0x200, s7, s28, $0x38;
	[tilespmem:$0x1F700] =	vst v63  }
0x124: {  	s10 =	sadd.s32 $0x280, s0;
	s11 =	simm.s32 $0x1F100  }
0x125: {  	[hbm4b:s10+s28] =	stream.strided.scatter [tilespmem:s11], [sflag:$0x8], $0x200, s7, s28, $0x38;
	[tilespmem:$0x1F700] =	vst v63  }
0x126: {  	s16 =	sadd.s32 $0x300, s0;
	s17 =	simm.s32 $0x1F300  }
0x127: {  	[hbm4b:s16+s28] =	stream.strided.scatter [tilespmem:s17], [sflag:$0x8], $0x200, s7, s28, $0x38;
	[tilespmem:$0x1F700] =	vst v63  }
0x128: {  	s0 =	sadd.s32 $0x380, s0;
	s8 =	simm.s32 $0x1F500  }
0x129: {  	[hbm4b:s0+s28] =	stream.strided.scatter [tilespmem:s8], [sflag:$0x8], $0x200, s7, s28, $0x38;
	[tilespmem:$0x1F700] =	vst v63  }
0x12a: {  	s9 =	sadd.s32 $0xC00, s31;
	s10 =	simm.s32 $0x1A700  }
0x12b: {  	[tilespmem:s10], [sflag:$0x4] =	stream.strided.gather [hbm4b:s9+s23], $0x1000, s24, s23, $0x38;
	[tilespmem:$0x1F700] =	vst v63  }
0x12c: {  	_ =	swait.ge [sflag:s19], $0x1000  }
0x12d: {  	[sflag:s19] =	ssyncset.done $0x0  }
0x12e: {  	s5 =	simm.s32 $0x0;
	[sflag:s19] =	ssyncadd.s32 $0xFFFFF000  }
0x12f: {  	s11 =	sand.u32 $0xE00, s5;
	_ =	swait.ge [sflag:s22], $0x1000  }
0x130: {  	s17 =	sor.u32 s11, s5;
	[sflag:s22] =	ssyncset.done $0x0  }
0x131: {  	s16 =	sor.u32 $0x70, s17;
	s9 =	sand.u32 $0x180, s5;
	[sflag:s22] =	ssyncadd.s32 $0xFFFFF000  }
0x132: {  	s0 =	sor.u32 s9, s11;
	v1 =	vld [tilespmem:s16+$0x1B700]  }
0x133: {  	v2 =	vld [tilespmem:s0+$0x1B700]  }
0x134: {  	v4 =	vld [tilespmem:s0+$0x1B710]  }
0x135: {  	v8 =	vld [tilespmem:s0+$0x1B720]  }
0x136: {  	v9 =	vld [tilespmem:s0+$0x1B730]  }
0x137: {  	v5 =	vld [tilespmem:s0+$0x1B740]  }
0x138: {  	v3 =	vld [tilespmem:s0+$0x1B750]  }
0x139: {  	v0 =	vld [tilespmem:s0+$0x1B760]  }
0x13a: {  	v7 =	vld.idx.msk [tilespmem:v1+s4+$0x0], $0xffff  }
0x13b: {  	v6 =	vld.idx.msk [tilespmem:v2+s4+$0x0], $0xffff  }
0x13c: {  	v4 =	vld.idx.msk [tilespmem:v4+s4+$0x0], $0xffff  }
0x13d: {  	v1 =	vld.idx.msk [tilespmem:v8+s4+$0x0], $0xffff  }
0x13e: {  	s17 =	simm.s32 $0x0;
	s8 =	simm.s32 $0x200;
	v2 =	vld.idx.msk [tilespmem:v9+s4+$0x0], $0xffff  }
.LBB2_9:
0x13f: {  	s9 =	sand.u32 $0xE00, s8;
	s17 =	sadd.s32 $0x8, s17;
	v5 =	vld.idx.msk [tilespmem:v5+s4+$0x0], $0xffff;
	s5 =	sadd.s32 $0x10, s5  }
0x140: {  	s10 =	sand.u32 $0x180, s5;
	s11 =	sor.u32 s9, s5;
	p1 =	slt.u32 s17, $0xF8;
	v3 =	vld.idx.msk [tilespmem:v3+s4+$0x0], $0xffff;
	[tilespmem:s16+$0x1C700] =	vst v7  }
0x141: {  	s9 =	sor.u32 s10, s9;
	s16 =	sor.u32 $0x70, s11;
	[tilespmem:s0+$0x1C700] =	vst v6;
	v0 =	vld.idx.msk [tilespmem:v0+s4+$0x0], $0xffff  }
0x142: {  	v6 =	vld [tilespmem:s16+$0x1B700];
	[tilespmem:s0+$0x1C710] =	vst v4  }
0x143: {  	v4 =	vld [tilespmem:s9+$0x1B700];
	[tilespmem:s0+$0x1C720] =	vst v1  }
0x144: {  	v1 =	vld [tilespmem:s9+$0x1B710];
	[tilespmem:s0+$0x1C730] =	vst v2  }
0x145: {  	v2 =	vld [tilespmem:s9+$0x1B720];
	[tilespmem:s0+$0x1C740] =	vst v5  }
0x146: {  	v8 =	vld [tilespmem:s9+$0x1B730];
	[tilespmem:s0+$0x1C750] =	vst v3  }
0x147: {  	v5 =	vld [tilespmem:s9+$0x1B740];
	[tilespmem:s0+$0x1C760] =	vst v0;
	s0 =	smov.u32 s9  }
0x148: {  	v3 =	vld [tilespmem:s0+$0x1B750]  }
0x149: {  	v0 =	vld [tilespmem:s0+$0x1B760]  }
.Ltmp3:
0x14a: {  	v7 =	vld.idx.msk [tilespmem:v6+s4+$0x0], $0xffff;
	(pc) =	sbr.rel @p1 .LBB2_9-.Ltmp3, $4  }
0x14b: {  	v6 =	vld.idx.msk [tilespmem:v4+s4+$0x0], $0xffff  }
0x14c: {  	v4 =	vld.idx.msk [tilespmem:v1+s4+$0x0], $0xffff  }
0x14d: {  	v1 =	vld.idx.msk [tilespmem:v2+s4+$0x0], $0xffff  }
0x14e: {  	s8 =	sadd.s32 $0x200, s8;
	v2 =	vld.idx.msk [tilespmem:v8+s4+$0x0], $0xffff  }
0x14f: {  	_ =	sdelay $0x3  }
0x150: {  	v5 =	vld.idx.msk [tilespmem:v5+s4+$0x0], $0xffff;
	[tilespmem:s16+$0x1C700] =	vst v7  }
0x151: {  	v3 =	vld.idx.msk [tilespmem:v3+s4+$0x0], $0xffff;
	[tilespmem:s0+$0x1C700] =	vst v6  }
0x152: {  	v0 =	vld.idx.msk [tilespmem:v0+s4+$0x0], $0xffff;
	[tilespmem:s0+$0x1C710] =	vst v4  }
0x153: {  	[tilespmem:s0+$0x1C720] =	vst v1  }
0x154: {  	[tilespmem:s0+$0x1C730] =	vst v2  }
0x155: {  	s5 =	sadd.s32 $0x9F0000, s30;
	[tilespmem:s0+$0x1C740] =	vst v5  }
0x156: {  	s5 =	sshrl.u32 s5, $0x3;
	[tilespmem:s0+$0x1C750] =	vst v3  }
0x157: {  	[tilespmem:s0+$0x1C760] =	vst v0;
	s0 =	sadd.s32 s3, s5  }
0x158: {  	[hbm4b:s0+s28] =	stream.strided.scatter [tilespmem:s25], [sflag:$0x6], $0x200, s7, s28, $0x38;
	[tilespmem:$0x1F700] =	vst v63  }
0x159: {  	s8 =	simm.s32 $0x1C900;
	s5 =	sadd.s32 $0x80, s0  }
0x15a: {  	[hbm4b:s5+s28] =	stream.strided.scatter [tilespmem:s8], [sflag:$0x6], $0x200, s7, s28, $0x38;
	[tilespmem:$0x1F700] =	vst v63  }
0x15b: {  	s17 =	simm.s32 $0x1CB00;
	s16 =	sadd.s32 $0x100, s0  }
0x15c: {  	[hbm4b:s16+s28] =	stream.strided.scatter [tilespmem:s17], [sflag:$0x6], $0x200, s7, s28, $0x38;
	[tilespmem:$0x1F700] =	vst v63  }
0x15d: {  	s10 =	simm.s32 $0x1CD00;
	s9 =	sadd.s32 $0x180, s0  }
0x15e: {  	[hbm4b:s9+s28] =	stream.strided.scatter [tilespmem:s10], [sflag:$0x6], $0x200, s7, s28, $0x38;
	[tilespmem:$0x1F700] =	vst v63  }
0x15f: {  	s11 =	sadd.s32 $0x200, s0;
	s16 =	simm.s32 $0x1CF00  }
0x160: {  	[hbm4b:s11+s28] =	stream.strided.scatter [tilespmem:s16], [sflag:$0x6], $0x200, s7, s28, $0x38;
	[tilespmem:$0x1F700] =	vst v63  }
0x161: {  	s17 =	sadd.s32 $0x280, s0  }
0x162: {  	[hbm4b:s17+s28] =	stream.strided.scatter [tilespmem:s12], [sflag:$0x6], $0x200, s7, s28, $0x38;
	[tilespmem:$0x1F700] =	vst v63  }
0x163: {  	s8 =	sadd.s32 $0x300, s0  }
0x164: {  	[hbm4b:s8+s28] =	stream.strided.scatter [tilespmem:s13], [sflag:$0x6], $0x200, s7, s28, $0x38;
	[tilespmem:$0x1F700] =	vst v63  }
0x165: {  	s0 =	sadd.s32 $0x380, s0  }
0x166: {  	[hbm4b:s0+s28] =	stream.strided.scatter [tilespmem:s14], [sflag:$0x6], $0x200, s7, s28, $0x38;
	[tilespmem:$0x1F700] =	vst v63  }
0x167: {  	s9 =	sadd.s32 $0xC40, s31;
	s10 =	simm.s32 $0x1B700  }
0x168: {  	[tilespmem:s10], [sflag:$0x5] =	stream.strided.gather [hbm4b:s9+s23], $0x1000, s24, s23, $0x38;
	[tilespmem:$0x1F700] =	vst v63  }
0x169: {  	_ =	swait.ge [sflag:s6], $0x1000  }
0x16a: {  	[sflag:s6] =	ssyncset.done $0x0  }
0x16b: {  	s5 =	simm.s32 $0x0;
	[sflag:s6] =	ssyncadd.s32 $0xFFFFF000  }
0x16c: {  	s11 =	sand.u32 $0xE00, s5;
	_ =	swait.ge [sflag:s1], $0x1000  }
0x16d: {  	s17 =	sor.u32 s11, s5;
	[sflag:s1] =	ssyncset.done $0x0  }
0x16e: {  	s16 =	sor.u32 $0x70, s17;
	s9 =	sand.u32 $0x180, s5;
	[sflag:s1] =	ssyncadd.s32 $0xFFFFF000  }
0x16f: {  	s0 =	sor.u32 s9, s11;
	v1 =	vld [tilespmem:s16+$0x18700]  }
0x170: {  	v2 =	vld [tilespmem:s0+$0x18700]  }
0x171: {  	v4 =	vld [tilespmem:s0+$0x18710]  }
0x172: {  	v8 =	vld [tilespmem:s0+$0x18720]  }
0x173: {  	v9 =	vld [tilespmem:s0+$0x18730]  }
0x174: {  	v5 =	vld [tilespmem:s0+$0x18740]  }
0x175: {  	v3 =	vld [tilespmem:s0+$0x18750]  }
0x176: {  	v0 =	vld [tilespmem:s0+$0x18760]  }
0x177: {  	v7 =	vld.idx.msk [tilespmem:v1+s4+$0x0], $0xffff  }
0x178: {  	v6 =	vld.idx.msk [tilespmem:v2+s4+$0x0], $0xffff  }
0x179: {  	v4 =	vld.idx.msk [tilespmem:v4+s4+$0x0], $0xffff  }
0x17a: {  	v1 =	vld.idx.msk [tilespmem:v8+s4+$0x0], $0xffff  }
0x17b: {  	s17 =	simm.s32 $0x0;
	s8 =	simm.s32 $0x200;
	v2 =	vld.idx.msk [tilespmem:v9+s4+$0x0], $0xffff  }
.LBB2_11:
0x17c: {  	s9 =	sand.u32 $0xE00, s8;
	s17 =	sadd.s32 $0x8, s17;
	v5 =	vld.idx.msk [tilespmem:v5+s4+$0x0], $0xffff;
	s5 =	sadd.s32 $0x10, s5  }
0x17d: {  	s10 =	sand.u32 $0x180, s5;
	s11 =	sor.u32 s9, s5;
	p1 =	slt.u32 s17, $0xF8;
	v3 =	vld.idx.msk [tilespmem:v3+s4+$0x0], $0xffff;
	[tilespmem:s16+$0x1D700] =	vst v7  }
0x17e: {  	s9 =	sor.u32 s10, s9;
	s16 =	sor.u32 $0x70, s11;
	[tilespmem:s0+$0x1D700] =	vst v6;
	v0 =	vld.idx.msk [tilespmem:v0+s4+$0x0], $0xffff  }
0x17f: {  	v6 =	vld [tilespmem:s16+$0x18700];
	[tilespmem:s0+$0x1D710] =	vst v4  }
0x180: {  	v4 =	vld [tilespmem:s9+$0x18700];
	[tilespmem:s0+$0x1D720] =	vst v1  }
0x181: {  	v1 =	vld [tilespmem:s9+$0x18710];
	[tilespmem:s0+$0x1D730] =	vst v2  }
0x182: {  	v2 =	vld [tilespmem:s9+$0x18720];
	[tilespmem:s0+$0x1D740] =	vst v5  }
0x183: {  	v8 =	vld [tilespmem:s9+$0x18730];
	[tilespmem:s0+$0x1D750] =	vst v3  }
0x184: {  	v5 =	vld [tilespmem:s9+$0x18740];
	[tilespmem:s0+$0x1D760] =	vst v0;
	s0 =	smov.u32 s9  }
0x185: {  	v3 =	vld [tilespmem:s0+$0x18750]  }
0x186: {  	v0 =	vld [tilespmem:s0+$0x18760]  }
.Ltmp4:
0x187: {  	v7 =	vld.idx.msk [tilespmem:v6+s4+$0x0], $0xffff;
	(pc) =	sbr.rel @p1 .LBB2_11-.Ltmp4, $4  }
0x188: {  	v6 =	vld.idx.msk [tilespmem:v4+s4+$0x0], $0xffff  }
0x189: {  	v4 =	vld.idx.msk [tilespmem:v1+s4+$0x0], $0xffff  }
0x18a: {  	v1 =	vld.idx.msk [tilespmem:v2+s4+$0x0], $0xffff  }
0x18b: {  	s8 =	sadd.s32 $0x200, s8;
	v2 =	vld.idx.msk [tilespmem:v8+s4+$0x0], $0xffff  }
0x18c: {  	_ =	sdelay $0x3  }
0x18d: {  	v5 =	vld.idx.msk [tilespmem:v5+s4+$0x0], $0xffff;
	[tilespmem:s16+$0x1D700] =	vst v7  }
0x18e: {  	v3 =	vld.idx.msk [tilespmem:v3+s4+$0x0], $0xffff;
	[tilespmem:s0+$0x1D700] =	vst v6  }
0x18f: {  	v0 =	vld.idx.msk [tilespmem:v0+s4+$0x0], $0xffff;
	[tilespmem:s0+$0x1D710] =	vst v4  }
0x190: {  	[tilespmem:s0+$0x1D720] =	vst v1  }
0x191: {  	[tilespmem:s0+$0x1D730] =	vst v2  }
0x192: {  	s5 =	sadd.s32 $0xD40000, s30;
	[tilespmem:s0+$0x1D740] =	vst v5  }
0x193: {  	s5 =	sshrl.u32 s5, $0x3;
	[tilespmem:s0+$0x1D750] =	vst v3  }
0x194: {  	[tilespmem:s0+$0x1D760] =	vst v0;
	s0 =	sadd.s32 s3, s5  }
0x195: {  	[hbm4b:s0+s28] =	stream.strided.scatter [tilespmem:s18], [sflag:$0x7], $0x200, s7, s28, $0x38;
	[tilespmem:$0x1F700] =	vst v63  }
0x196: {  	s8 =	simm.s32 $0x1D900;
	s5 =	sadd.s32 $0x80, s0  }
0x197: {  	[hbm4b:s5+s28] =	stream.strided.scatter [tilespmem:s8], [sflag:$0x7], $0x200, s7, s28, $0x38;
	[tilespmem:$0x1F700] =	vst v63  }
0x198: {  	s17 =	simm.s32 $0x1DB00;
	s16 =	sadd.s32 $0x100, s0  }
0x199: {  	[hbm4b:s16+s28] =	stream.strided.scatter [tilespmem:s17], [sflag:$0x7], $0x200, s7, s28, $0x38;
	[tilespmem:$0x1F700] =	vst v63  }
0x19a: {  	s9 =	simm.s32 $0x1DD00;
	s8 =	sadd.s32 $0x180, s0  }
0x19b: {  	[hbm4b:s8+s28] =	stream.strided.scatter [tilespmem:s9], [sflag:$0x7], $0x200, s7, s28, $0x38;
	[tilespmem:$0x1F700] =	vst v63  }
0x19c: {  	s11 =	simm.s32 $0x1DF00;
	s10 =	sadd.s32 $0x200, s0  }
0x19d: {  	[hbm4b:s10+s28] =	stream.strided.scatter [tilespmem:s11], [sflag:$0x7], $0x200, s7, s28, $0x38;
	[tilespmem:$0x1F700] =	vst v63  }
0x19e: {  	s16 =	sadd.s32 $0x280, s0;
	s17 =	simm.s32 $0x1E100  }
0x19f: {  	[hbm4b:s16+s28] =	stream.strided.scatter [tilespmem:s17], [sflag:$0x7], $0x200, s7, s28, $0x38;
	[tilespmem:$0x1F700] =	vst v63  }
0x1a0: {  	s8 =	sadd.s32 $0x300, s0;
	s9 =	simm.s32 $0x1E300  }
0x1a1: {  	[hbm4b:s8+s28] =	stream.strided.scatter [tilespmem:s9], [sflag:$0x7], $0x200, s7, s28, $0x38;
	[tilespmem:$0x1F700] =	vst v63  }
0x1a2: {  	s0 =	sadd.s32 $0x380, s0;
	s10 =	simm.s32 $0x1E500  }
0x1a3: {  	[hbm4b:s0+s28] =	stream.strided.scatter [tilespmem:s10], [sflag:$0x7], $0x200, s7, s28, $0x38;
	[tilespmem:$0x1F700] =	vst v63  }
0x1a4: {  	s11 =	sadd.s32 $0x1000, s31  }
0x1a5: {  	[tilespmem:s29], [sflag:$0x2] =	stream.strided.gather [hbm4b:s11+s23], $0x1000, s24, s23, $0x38;
	[tilespmem:$0x1F700] =	vst v63  }
0x1a6: {  	_ =	swait.ge [sflag:s15], $0x1000  }
0x1a7: {  	[sflag:s15] =	ssyncset.done $0x0  }
0x1a8: {  	s5 =	simm.s32 $0x0;
	[sflag:s15] =	ssyncadd.s32 $0xFFFFF000  }
0x1a9: {  	s15 =	sand.u32 $0xE00, s5;
	_ =	swait.ge [sflag:s2], $0x1000  }
0x1aa: {  	s17 =	sor.u32 s15, s5;
	[sflag:s2] =	ssyncset.done $0x0  }
0x1ab: {  	s9 =	sand.u32 $0x180, s5;
	s16 =	sor.u32 $0x70, s17;
	[sflag:s2] =	ssyncadd.s32 $0xFFFFF000  }
0x1ac: {  	s0 =	sor.u32 s9, s15;
	v1 =	vld [tilespmem:s16+$0x19700]  }
0x1ad: {  	v2 =	vld [tilespmem:s0+$0x19700]  }
0x1ae: {  	v4 =	vld [tilespmem:s0+$0x19710]  }
0x1af: {  	v8 =	vld [tilespmem:s0+$0x19720]  }
0x1b0: {  	v9 =	vld [tilespmem:s0+$0x19730]  }
0x1b1: {  	v5 =	vld [tilespmem:s0+$0x19740]  }
0x1b2: {  	v3 =	vld [tilespmem:s0+$0x19750]  }
0x1b3: {  	v0 =	vld [tilespmem:s0+$0x19760]  }
0x1b4: {  	v7 =	vld.idx.msk [tilespmem:v1+s4+$0x0], $0xffff  }
0x1b5: {  	v6 =	vld.idx.msk [tilespmem:v2+s4+$0x0], $0xffff  }
0x1b6: {  	v4 =	vld.idx.msk [tilespmem:v4+s4+$0x0], $0xffff  }
0x1b7: {  	v1 =	vld.idx.msk [tilespmem:v8+s4+$0x0], $0xffff  }
0x1b8: {  	s8 =	simm.s32 $0x200;
	s17 =	simm.s32 $0x0;
	v2 =	vld.idx.msk [tilespmem:v9+s4+$0x0], $0xffff  }
.LBB2_13:
0x1b9: {  	s9 =	sand.u32 $0xE00, s8;
	s17 =	sadd.s32 $0x8, s17;
	v5 =	vld.idx.msk [tilespmem:v5+s4+$0x0], $0xffff;
	s5 =	sadd.s32 $0x10, s5  }
0x1ba: {  	s10 =	sand.u32 $0x180, s5;
	s11 =	sor.u32 s9, s5;
	p1 =	slt.u32 s17, $0xF8;
	v3 =	vld.idx.msk [tilespmem:v3+s4+$0x0], $0xffff;
	[tilespmem:s16+$0x1E700] =	vst v7  }
0x1bb: {  	s9 =	sor.u32 s10, s9;
	s16 =	sor.u32 $0x70, s11;
	[tilespmem:s0+$0x1E700] =	vst v6;
	v0 =	vld.idx.msk [tilespmem:v0+s4+$0x0], $0xffff  }
0x1bc: {  	v6 =	vld [tilespmem:s16+$0x19700];
	[tilespmem:s0+$0x1E710] =	vst v4  }
0x1bd: {  	v4 =	vld [tilespmem:s9+$0x19700];
	[tilespmem:s0+$0x1E720] =	vst v1  }
0x1be: {  	v1 =	vld [tilespmem:s9+$0x19710];
	[tilespmem:s0+$0x1E730] =	vst v2  }
0x1bf: {  	v2 =	vld [tilespmem:s9+$0x19720];
	[tilespmem:s0+$0x1E740] =	vst v5  }
0x1c0: {  	v8 =	vld [tilespmem:s9+$0x19730];
	[tilespmem:s0+$0x1E750] =	vst v3  }
0x1c1: {  	v5 =	vld [tilespmem:s9+$0x19740];
	[tilespmem:s0+$0x1E760] =	vst v0;
	s0 =	smov.u32 s9  }
0x1c2: {  	v3 =	vld [tilespmem:s0+$0x19750]  }
0x1c3: {  	v0 =	vld [tilespmem:s0+$0x19760]  }
.Ltmp5:
0x1c4: {  	v7 =	vld.idx.msk [tilespmem:v6+s4+$0x0], $0xffff;
	(pc) =	sbr.rel @p1 .LBB2_13-.Ltmp5, $4  }
0x1c5: {  	v6 =	vld.idx.msk [tilespmem:v4+s4+$0x0], $0xffff  }
0x1c6: {  	v4 =	vld.idx.msk [tilespmem:v1+s4+$0x0], $0xffff  }
0x1c7: {  	v1 =	vld.idx.msk [tilespmem:v2+s4+$0x0], $0xffff  }
0x1c8: {  	s8 =	sadd.s32 $0x200, s8;
	v2 =	vld.idx.msk [tilespmem:v8+s4+$0x0], $0xffff  }
0x1c9: {  	_ =	sdelay $0x3  }
0x1ca: {  	v5 =	vld.idx.msk [tilespmem:v5+s4+$0x0], $0xffff;
	[tilespmem:s16+$0x1E700] =	vst v7  }
0x1cb: {  	v3 =	vld.idx.msk [tilespmem:v3+s4+$0x0], $0xffff;
	[tilespmem:s0+$0x1E700] =	vst v6  }
0x1cc: {  	v0 =	vld.idx.msk [tilespmem:v0+s4+$0x0], $0xffff;
	[tilespmem:s0+$0x1E710] =	vst v4  }
0x1cd: {  	[tilespmem:s0+$0x1E720] =	vst v1  }
0x1ce: {  	[tilespmem:s0+$0x1E730] =	vst v2  }
0x1cf: {  	s5 =	sadd.s32 $0x1090000, s30;
	[tilespmem:s0+$0x1E740] =	vst v5  }
0x1d0: {  	s5 =	sshrl.u32 s5, $0x3;
	[tilespmem:s0+$0x1E750] =	vst v3  }
0x1d1: {  	s9 =	simm.s32 $0x1E700;
	[tilespmem:s0+$0x1E760] =	vst v0;
	s0 =	sadd.s32 s3, s5  }
0x1d2: {  	[hbm4b:s0+s28] =	stream.strided.scatter [tilespmem:s9], [sflag:$0x8], $0x200, s7, s28, $0x38;
	[tilespmem:$0x1F700] =	vst v63  }
0x1d3: {  	s8 =	simm.s32 $0x1E900;
	s10 =	sadd.s32 $0x80, s0  }
0x1d4: {  	[hbm4b:s10+s28] =	stream.strided.scatter [tilespmem:s8], [sflag:$0x8], $0x200, s7, s28, $0x38;
	[tilespmem:$0x1F700] =	vst v63  }
0x1d5: {  	s15 =	simm.s32 $0x1EB00;
	s11 =	sadd.s32 $0x100, s0  }
0x1d6: {  	[hbm4b:s11+s28] =	stream.strided.scatter [tilespmem:s15], [sflag:$0x8], $0x200, s7, s28, $0x38;
	[tilespmem:$0x1F700] =	vst v63  }
0x1d7: {  	s17 =	simm.s32 $0x1ED00;
	s16 =	sadd.s32 $0x180, s0  }
0x1d8: {  	[hbm4b:s16+s28] =	stream.strided.scatter [tilespmem:s17], [sflag:$0x8], $0x200, s7, s28, $0x38;
	[tilespmem:$0x1F700] =	vst v63  }
0x1d9: {  	s9 =	sadd.s32 $0x200, s0;
	s10 =	simm.s32 $0x1EF00  }
0x1da: {  	[hbm4b:s9+s28] =	stream.strided.scatter [tilespmem:s10], [sflag:$0x8], $0x200, s7, s28, $0x38;
	[tilespmem:$0x1F700] =	vst v63  }
0x1db: {  	s11 =	sadd.s32 $0x280, s0;
	s15 =	simm.s32 $0x1F100  }
0x1dc: {  	[hbm4b:s11+s28] =	stream.strided.scatter [tilespmem:s15], [sflag:$0x8], $0x200, s7, s28, $0x38;
	[tilespmem:$0x1F700] =	vst v63  }
0x1dd: {  	s16 =	sadd.s32 $0x300, s0;
	s17 =	simm.s32 $0x1F300  }
0x1de: {  	[hbm4b:s16+s28] =	stream.strided.scatter [tilespmem:s17], [sflag:$0x8], $0x200, s7, s28, $0x38;
	[tilespmem:$0x1F700] =	vst v63  }
0x1df: {  	s0 =	sadd.s32 $0x380, s0;
	s9 =	simm.s32 $0x1F500  }
0x1e0: {  	[hbm4b:s0+s28] =	stream.strided.scatter [tilespmem:s9], [sflag:$0x8], $0x200, s7, s28, $0x38;
	[tilespmem:$0x1F700] =	vst v63  }
0x1e1: {  	s10 =	sadd.s32 $0x1040, s31;
	s11 =	simm.s32 $0x19700  }
0x1e2: {  	[tilespmem:s11], [sflag:$0x3] =	stream.strided.gather [hbm4b:s10+s23], $0x1000, s24, s23, $0x38;
	[tilespmem:$0x1F700] =	vst v63  }
0x1e3: {  	_ =	swait.ge [sflag:s20], $0x1000  }
0x1e4: {  	[sflag:s20] =	ssyncset.done $0x0  }
0x1e5: {  	s5 =	simm.s32 $0x0;
	[sflag:s20] =	ssyncadd.s32 $0xFFFFF000  }
0x1e6: {  	s15 =	sand.u32 $0xE00, s5;
	_ =	swait.ge [sflag:s22], $0x1000  }
0x1e7: {  	s17 =	sor.u32 s15, s5;
	[sflag:s22] =	ssyncset.done $0x0  }
0x1e8: {  	s16 =	sor.u32 $0x70, s17;
	s9 =	sand.u32 $0x180, s5;
	[sflag:s22] =	ssyncadd.s32 $0xFFFFF000  }
0x1e9: {  	s0 =	sor.u32 s9, s15;
	v1 =	vld [tilespmem:s16+$0x1A700]  }
0x1ea: {  	v2 =	vld [tilespmem:s0+$0x1A700]  }
0x1eb: {  	v4 =	vld [tilespmem:s0+$0x1A710]  }
0x1ec: {  	v8 =	vld [tilespmem:s0+$0x1A720]  }
0x1ed: {  	v9 =	vld [tilespmem:s0+$0x1A730]  }
0x1ee: {  	v5 =	vld [tilespmem:s0+$0x1A740]  }
0x1ef: {  	v3 =	vld [tilespmem:s0+$0x1A750]  }
0x1f0: {  	v0 =	vld [tilespmem:s0+$0x1A760]  }
0x1f1: {  	v7 =	vld.idx.msk [tilespmem:v1+s4+$0x0], $0xffff  }
0x1f2: {  	v6 =	vld.idx.msk [tilespmem:v2+s4+$0x0], $0xffff  }
0x1f3: {  	v4 =	vld.idx.msk [tilespmem:v4+s4+$0x0], $0xffff  }
0x1f4: {  	v1 =	vld.idx.msk [tilespmem:v8+s4+$0x0], $0xffff  }
0x1f5: {  	s8 =	simm.s32 $0x200;
	s17 =	simm.s32 $0x0;
	v2 =	vld.idx.msk [tilespmem:v9+s4+$0x0], $0xffff  }
.LBB2_15:
0x1f6: {  	s9 =	sand.u32 $0xE00, s8;
	s17 =	sadd.s32 $0x8, s17;
	v5 =	vld.idx.msk [tilespmem:v5+s4+$0x0], $0xffff;
	s5 =	sadd.s32 $0x10, s5  }
0x1f7: {  	s10 =	sand.u32 $0x180, s5;
	s11 =	sor.u32 s9, s5;
	p1 =	slt.u32 s17, $0xF8;
	v3 =	vld.idx.msk [tilespmem:v3+s4+$0x0], $0xffff;
	[tilespmem:s16+$0x1C700] =	vst v7  }
0x1f8: {  	s9 =	sor.u32 s10, s9;
	s16 =	sor.u32 $0x70, s11;
	[tilespmem:s0+$0x1C700] =	vst v6;
	v0 =	vld.idx.msk [tilespmem:v0+s4+$0x0], $0xffff  }
0x1f9: {  	v6 =	vld [tilespmem:s16+$0x1A700];
	[tilespmem:s0+$0x1C710] =	vst v4  }
0x1fa: {  	v4 =	vld [tilespmem:s9+$0x1A700];
	[tilespmem:s0+$0x1C720] =	vst v1  }
0x1fb: {  	v1 =	vld [tilespmem:s9+$0x1A710];
	[tilespmem:s0+$0x1C730] =	vst v2  }
0x1fc: {  	v2 =	vld [tilespmem:s9+$0x1A720];
	[tilespmem:s0+$0x1C740] =	vst v5  }
0x1fd: {  	v8 =	vld [tilespmem:s9+$0x1A730];
	[tilespmem:s0+$0x1C750] =	vst v3  }
0x1fe: {  	v5 =	vld [tilespmem:s9+$0x1A740];
	[tilespmem:s0+$0x1C760] =	vst v0;
	s0 =	smov.u32 s9  }
0x1ff: {  	v3 =	vld [tilespmem:s0+$0x1A750]  }
0x200: {  	v0 =	vld [tilespmem:s0+$0x1A760]  }
.Ltmp6:
0x201: {  	v7 =	vld.idx.msk [tilespmem:v6+s4+$0x0], $0xffff;
	(pc) =	sbr.rel @p1 .LBB2_15-.Ltmp6, $4  }
0x202: {  	v6 =	vld.idx.msk [tilespmem:v4+s4+$0x0], $0xffff  }
0x203: {  	v4 =	vld.idx.msk [tilespmem:v1+s4+$0x0], $0xffff  }
0x204: {  	v1 =	vld.idx.msk [tilespmem:v2+s4+$0x0], $0xffff  }
0x205: {  	s8 =	sadd.s32 $0x200, s8;
	v2 =	vld.idx.msk [tilespmem:v8+s4+$0x0], $0xffff  }
0x206: {  	_ =	sdelay $0x3  }
0x207: {  	v5 =	vld.idx.msk [tilespmem:v5+s4+$0x0], $0xffff;
	[tilespmem:s16+$0x1C700] =	vst v7  }
0x208: {  	v3 =	vld.idx.msk [tilespmem:v3+s4+$0x0], $0xffff;
	[tilespmem:s0+$0x1C700] =	vst v6  }
0x209: {  	v0 =	vld.idx.msk [tilespmem:v0+s4+$0x0], $0xffff;
	[tilespmem:s0+$0x1C710] =	vst v4  }
0x20a: {  	[tilespmem:s0+$0x1C720] =	vst v1  }
0x20b: {  	[tilespmem:s0+$0x1C730] =	vst v2  }
0x20c: {  	s5 =	sadd.s32 $0x13E0000, s30;
	[tilespmem:s0+$0x1C740] =	vst v5  }
0x20d: {  	s5 =	sshrl.u32 s5, $0x3;
	[tilespmem:s0+$0x1C750] =	vst v3  }
0x20e: {  	[tilespmem:s0+$0x1C760] =	vst v0;
	s0 =	sadd.s32 s3, s5  }
0x20f: {  	[hbm4b:s0+s28] =	stream.strided.scatter [tilespmem:s25], [sflag:$0x6], $0x200, s7, s28, $0x38;
	[tilespmem:$0x1F700] =	vst v63  }
0x210: {  	s8 =	simm.s32 $0x1C900;
	s5 =	sadd.s32 $0x80, s0  }
0x211: {  	[hbm4b:s5+s28] =	stream.strided.scatter [tilespmem:s8], [sflag:$0x6], $0x200, s7, s28, $0x38;
	[tilespmem:$0x1F700] =	vst v63  }
0x212: {  	s16 =	simm.s32 $0x1CB00;
	s15 =	sadd.s32 $0x100, s0  }
0x213: {  	[hbm4b:s15+s28] =	stream.strided.scatter [tilespmem:s16], [sflag:$0x6], $0x200, s7, s28, $0x38;
	[tilespmem:$0x1F700] =	vst v63  }
0x214: {  	s17 =	sadd.s32 $0x180, s0;
	s25 =	simm.s32 $0x1CD00  }
0x215: {  	[hbm4b:s17+s28] =	stream.strided.scatter [tilespmem:s25], [sflag:$0x6], $0x200, s7, s28, $0x38;
	[tilespmem:$0x1F700] =	vst v63  }
0x216: {  	s10 =	simm.s32 $0x1CF00;
	s9 =	sadd.s32 $0x200, s0  }
0x217: {  	[hbm4b:s9+s28] =	stream.strided.scatter [tilespmem:s10], [sflag:$0x6], $0x200, s7, s28, $0x38;
	[tilespmem:$0x1F700] =	vst v63  }
0x218: {  	s11 =	sadd.s32 $0x280, s0  }
0x219: {  	[hbm4b:s11+s28] =	stream.strided.scatter [tilespmem:s12], [sflag:$0x6], $0x200, s7, s28, $0x38;
	[tilespmem:$0x1F700] =	vst v63  }
0x21a: {  	s12 =	sadd.s32 $0x300, s0  }
0x21b: {  	[hbm4b:s12+s28] =	stream.strided.scatter [tilespmem:s13], [sflag:$0x6], $0x200, s7, s28, $0x38;
	[tilespmem:$0x1F700] =	vst v63  }
0x21c: {  	s0 =	sadd.s32 $0x380, s0  }
0x21d: {  	[hbm4b:s0+s28] =	stream.strided.scatter [tilespmem:s14], [sflag:$0x6], $0x200, s7, s28, $0x38;
	[tilespmem:$0x1F700] =	vst v63  }
0x21e: {  	s15 =	sadd.s32 $0x1400, s31;
	s16 =	simm.s32 $0x1A700  }
0x21f: {  	[tilespmem:s16], [sflag:$0x4] =	stream.strided.gather [hbm4b:s15+s23], $0x1000, s24, s23, $0x38;
	[tilespmem:$0x1F700] =	vst v63  }
0x220: {  	_ =	swait.ge [sflag:s19], $0x1000  }
0x221: {  	[sflag:s19] =	ssyncset.done $0x0  }
0x222: {  	s5 =	simm.s32 $0x0;
	[sflag:s19] =	ssyncadd.s32 $0xFFFFF000  }
0x223: {  	s17 =	sand.u32 $0xE00, s5;
	_ =	swait.ge [sflag:s1], $0x1000  }
0x224: {  	s25 =	sor.u32 s17, s5;
	[sflag:s1] =	ssyncset.done $0x0  }
0x225: {  	s9 =	sand.u32 $0x180, s5;
	s16 =	sor.u32 $0x70, s25;
	[sflag:s1] =	ssyncadd.s32 $0xFFFFF000  }
0x226: {  	s0 =	sor.u32 s9, s17;
	v1 =	vld [tilespmem:s16+$0x1B700]  }
0x227: {  	v2 =	vld [tilespmem:s0+$0x1B700]  }
0x228: {  	v4 =	vld [tilespmem:s0+$0x1B710]  }
0x229: {  	v8 =	vld [tilespmem:s0+$0x1B720]  }
0x22a: {  	v9 =	vld [tilespmem:s0+$0x1B730]  }
0x22b: {  	v5 =	vld [tilespmem:s0+$0x1B740]  }
0x22c: {  	v3 =	vld [tilespmem:s0+$0x1B750]  }
0x22d: {  	v0 =	vld [tilespmem:s0+$0x1B760]  }
0x22e: {  	v7 =	vld.idx.msk [tilespmem:v1+s4+$0x0], $0xffff  }
0x22f: {  	v6 =	vld.idx.msk [tilespmem:v2+s4+$0x0], $0xffff  }
0x230: {  	v4 =	vld.idx.msk [tilespmem:v4+s4+$0x0], $0xffff  }
0x231: {  	v1 =	vld.idx.msk [tilespmem:v8+s4+$0x0], $0xffff  }
0x232: {  	s8 =	simm.s32 $0x200;
	s17 =	simm.s32 $0x0;
	v2 =	vld.idx.msk [tilespmem:v9+s4+$0x0], $0xffff  }
.LBB2_17:
0x233: {  	s9 =	sand.u32 $0xE00, s8;
	s17 =	sadd.s32 $0x8, s17;
	v5 =	vld.idx.msk [tilespmem:v5+s4+$0x0], $0xffff;
	s5 =	sadd.s32 $0x10, s5  }
0x234: {  	s10 =	sand.u32 $0x180, s5;
	s11 =	sor.u32 s9, s5;
	p1 =	slt.u32 s17, $0xF8;
	v3 =	vld.idx.msk [tilespmem:v3+s4+$0x0], $0xffff;
	[tilespmem:s16+$0x1D700] =	vst v7  }
0x235: {  	s9 =	sor.u32 s10, s9;
	s16 =	sor.u32 $0x70, s11;
	[tilespmem:s0+$0x1D700] =	vst v6;
	v0 =	vld.idx.msk [tilespmem:v0+s4+$0x0], $0xffff  }
0x236: {  	v6 =	vld [tilespmem:s16+$0x1B700];
	[tilespmem:s0+$0x1D710] =	vst v4  }
0x237: {  	v4 =	vld [tilespmem:s9+$0x1B700];
	[tilespmem:s0+$0x1D720] =	vst v1  }
0x238: {  	v1 =	vld [tilespmem:s9+$0x1B710];
	[tilespmem:s0+$0x1D730] =	vst v2  }
0x239: {  	v2 =	vld [tilespmem:s9+$0x1B720];
	[tilespmem:s0+$0x1D740] =	vst v5  }
0x23a: {  	v8 =	vld [tilespmem:s9+$0x1B730];
	[tilespmem:s0+$0x1D750] =	vst v3  }
0x23b: {  	v5 =	vld [tilespmem:s9+$0x1B740];
	[tilespmem:s0+$0x1D760] =	vst v0;
	s0 =	smov.u32 s9  }
0x23c: {  	v3 =	vld [tilespmem:s0+$0x1B750]  }
0x23d: {  	v0 =	vld [tilespmem:s0+$0x1B760]  }
.Ltmp7:
0x23e: {  	v7 =	vld.idx.msk [tilespmem:v6+s4+$0x0], $0xffff;
	(pc) =	sbr.rel @p1 .LBB2_17-.Ltmp7, $4  }
0x23f: {  	v6 =	vld.idx.msk [tilespmem:v4+s4+$0x0], $0xffff  }
0x240: {  	v4 =	vld.idx.msk [tilespmem:v1+s4+$0x0], $0xffff  }
0x241: {  	v1 =	vld.idx.msk [tilespmem:v2+s4+$0x0], $0xffff  }
0x242: {  	s8 =	sadd.s32 $0x200, s8;
	v2 =	vld.idx.msk [tilespmem:v8+s4+$0x0], $0xffff  }
0x243: {  	_ =	sdelay $0x3  }
0x244: {  	v5 =	vld.idx.msk [tilespmem:v5+s4+$0x0], $0xffff;
	[tilespmem:s16+$0x1D700] =	vst v7  }
0x245: {  	v3 =	vld.idx.msk [tilespmem:v3+s4+$0x0], $0xffff;
	[tilespmem:s0+$0x1D700] =	vst v6  }
0x246: {  	v0 =	vld.idx.msk [tilespmem:v0+s4+$0x0], $0xffff;
	[tilespmem:s0+$0x1D710] =	vst v4  }
0x247: {  	[tilespmem:s0+$0x1D720] =	vst v1  }
0x248: {  	[tilespmem:s0+$0x1D730] =	vst v2  }
0x249: {  	s5 =	sadd.s32 $0x1730000, s30;
	[tilespmem:s0+$0x1D740] =	vst v5  }
0x24a: {  	s5 =	sshrl.u32 s5, $0x3;
	[tilespmem:s0+$0x1D750] =	vst v3  }
0x24b: {  	s15 =	sadd.s32 s3, s5;
	[tilespmem:s0+$0x1D760] =	vst v0  }
0x24c: {  	[hbm4b:s15+s28] =	stream.strided.scatter [tilespmem:s18], [sflag:$0x7], $0x200, s7, s28, $0x38;
	[tilespmem:$0x1F700] =	vst v63  }
0x24d: {  	s8 =	simm.s32 $0x1D900;
	s5 =	sadd.s32 $0x80, s15  }
0x24e: {  	[hbm4b:s5+s28] =	stream.strided.scatter [tilespmem:s8], [sflag:$0x7], $0x200, s7, s28, $0x38;
	[tilespmem:$0x1F700] =	vst v63  }
0x24f: {  	s17 =	simm.s32 $0x1DB00;
	s16 =	sadd.s32 $0x100, s15  }
0x250: {  	[hbm4b:s16+s28] =	stream.strided.scatter [tilespmem:s17], [sflag:$0x7], $0x200, s7, s28, $0x38;
	[tilespmem:$0x1F700] =	vst v63  }
0x251: {  	s25 =	simm.s32 $0x1DD00;
	s18 =	sadd.s32 $0x180, s15  }
0x252: {  	[hbm4b:s18+s28] =	stream.strided.scatter [tilespmem:s25], [sflag:$0x7], $0x200, s7, s28, $0x38;
	[tilespmem:$0x1F700] =	vst v63  }
0x253: {  	s10 =	simm.s32 $0x1DF00;
	s9 =	sadd.s32 $0x200, s15  }
0x254: {  	[hbm4b:s9+s28] =	stream.strided.scatter [tilespmem:s10], [sflag:$0x7], $0x200, s7, s28, $0x38;
	[tilespmem:$0x1F700] =	vst v63  }
0x255: {  	s12 =	simm.s32 $0x1E100;
	s11 =	sadd.s32 $0x280, s15  }
0x256: {  	[hbm4b:s11+s28] =	stream.strided.scatter [tilespmem:s12], [sflag:$0x7], $0x200, s7, s28, $0x38;
	[tilespmem:$0x1F700] =	vst v63  }
0x257: {  	s14 =	simm.s32 $0x1E300;
	s13 =	sadd.s32 $0x300, s15  }
0x258: {  	[hbm4b:s13+s28] =	stream.strided.scatter [tilespmem:s14], [sflag:$0x7], $0x200, s7, s28, $0x38;
	[tilespmem:$0x1F700] =	vst v63  }
0x259: {  	s0 =	sadd.s32 $0x380, s15;
	s15 =	simm.s32 $0x1E500  }
0x25a: {  	[hbm4b:s0+s28] =	stream.strided.scatter [tilespmem:s15], [sflag:$0x7], $0x200, s7, s28, $0x38;
	[tilespmem:$0x1F700] =	vst v63  }
0x25b: {  	s16 =	sadd.s32 $0x1440, s31;
	s17 =	simm.s32 $0x1B700  }
0x25c: {  	[tilespmem:s17], [sflag:$0x5] =	stream.strided.gather [hbm4b:s16+s23], $0x1000, s24, s23, $0x38;
	[tilespmem:$0x1F700] =	vst v63  }
0x25d: {  	_ =	swait.ge [sflag:s6], $0x1000  }
0x25e: {  	[sflag:s6] =	ssyncset.done $0x0  }
0x25f: {  	s5 =	simm.s32 $0x0;
	[sflag:s6] =	ssyncadd.s32 $0xFFFFF000  }
0x260: {  	s18 =	sand.u32 $0xE00, s5;
	_ =	swait.ge [sflag:s2], $0x1000  }
0x261: {  	s25 =	sor.u32 s18, s5;
	[sflag:s2] =	ssyncset.done $0x0  }
0x262: {  	s9 =	sand.u32 $0x180, s5;
	s16 =	sor.u32 $0x70, s25;
	[sflag:s2] =	ssyncadd.s32 $0xFFFFF000  }
0x263: {  	s0 =	sor.u32 s9, s18;
	v1 =	vld [tilespmem:s16+$0x18700]  }
0x264: {  	v2 =	vld [tilespmem:s0+$0x18700]  }
0x265: {  	v4 =	vld [tilespmem:s0+$0x18710]  }
0x266: {  	v8 =	vld [tilespmem:s0+$0x18720]  }
0x267: {  	v9 =	vld [tilespmem:s0+$0x18730]  }
0x268: {  	v5 =	vld [tilespmem:s0+$0x18740]  }
0x269: {  	v3 =	vld [tilespmem:s0+$0x18750]  }
0x26a: {  	v0 =	vld [tilespmem:s0+$0x18760]  }
0x26b: {  	v7 =	vld.idx.msk [tilespmem:v1+s4+$0x0], $0xffff  }
0x26c: {  	v6 =	vld.idx.msk [tilespmem:v2+s4+$0x0], $0xffff  }
0x26d: {  	v4 =	vld.idx.msk [tilespmem:v4+s4+$0x0], $0xffff  }
0x26e: {  	v1 =	vld.idx.msk [tilespmem:v8+s4+$0x0], $0xffff  }
0x26f: {  	s8 =	simm.s32 $0x200;
	s17 =	simm.s32 $0x0;
	v2 =	vld.idx.msk [tilespmem:v9+s4+$0x0], $0xffff  }
.LBB2_19:
0x270: {  	s9 =	sand.u32 $0xE00, s8;
	s17 =	sadd.s32 $0x8, s17;
	v5 =	vld.idx.msk [tilespmem:v5+s4+$0x0], $0xffff;
	s5 =	sadd.s32 $0x10, s5  }
0x271: {  	s10 =	sand.u32 $0x180, s5;
	s11 =	sor.u32 s9, s5;
	p1 =	slt.u32 s17, $0xF8;
	v3 =	vld.idx.msk [tilespmem:v3+s4+$0x0], $0xffff;
	[tilespmem:s16+$0x1E700] =	vst v7  }
0x272: {  	s9 =	sor.u32 s10, s9;
	s16 =	sor.u32 $0x70, s11;
	[tilespmem:s0+$0x1E700] =	vst v6;
	v0 =	vld.idx.msk [tilespmem:v0+s4+$0x0], $0xffff  }
0x273: {  	v6 =	vld [tilespmem:s16+$0x18700];
	[tilespmem:s0+$0x1E710] =	vst v4  }
0x274: {  	v4 =	vld [tilespmem:s9+$0x18700];
	[tilespmem:s0+$0x1E720] =	vst v1  }
0x275: {  	v1 =	vld [tilespmem:s9+$0x18710];
	[tilespmem:s0+$0x1E730] =	vst v2  }
0x276: {  	v2 =	vld [tilespmem:s9+$0x18720];
	[tilespmem:s0+$0x1E740] =	vst v5  }
0x277: {  	v8 =	vld [tilespmem:s9+$0x18730];
	[tilespmem:s0+$0x1E750] =	vst v3  }
0x278: {  	v5 =	vld [tilespmem:s9+$0x18740];
	[tilespmem:s0+$0x1E760] =	vst v0;
	s0 =	smov.u32 s9  }
0x279: {  	v3 =	vld [tilespmem:s0+$0x18750]  }
0x27a: {  	v0 =	vld [tilespmem:s0+$0x18760]  }
.Ltmp8:
0x27b: {  	v7 =	vld.idx.msk [tilespmem:v6+s4+$0x0], $0xffff;
	(pc) =	sbr.rel @p1 .LBB2_19-.Ltmp8, $4  }
0x27c: {  	v6 =	vld.idx.msk [tilespmem:v4+s4+$0x0], $0xffff  }
0x27d: {  	v4 =	vld.idx.msk [tilespmem:v1+s4+$0x0], $0xffff  }
0x27e: {  	v1 =	vld.idx.msk [tilespmem:v2+s4+$0x0], $0xffff  }
0x27f: {  	s8 =	sadd.s32 $0x200, s8;
	v2 =	vld.idx.msk [tilespmem:v8+s4+$0x0], $0xffff  }
0x280: {  	_ =	sdelay $0x3  }
0x281: {  	v5 =	vld.idx.msk [tilespmem:v5+s4+$0x0], $0xffff;
	[tilespmem:s16+$0x1E700] =	vst v7  }
0x282: {  	v3 =	vld.idx.msk [tilespmem:v3+s4+$0x0], $0xffff;
	[tilespmem:s0+$0x1E700] =	vst v6  }
0x283: {  	v0 =	vld.idx.msk [tilespmem:v0+s4+$0x0], $0xffff;
	[tilespmem:s0+$0x1E710] =	vst v4  }
0x284: {  	[tilespmem:s0+$0x1E720] =	vst v1  }
0x285: {  	[tilespmem:s0+$0x1E730] =	vst v2  }
0x286: {  	s5 =	sadd.s32 $0x1A80000, s30;
	[tilespmem:s0+$0x1E740] =	vst v5  }
0x287: {  	s5 =	sshrl.u32 s5, $0x3;
	[tilespmem:s0+$0x1E750] =	vst v3  }
0x288: {  	s16 =	simm.s32 $0x1E700;
	[tilespmem:s0+$0x1E760] =	vst v0;
	s0 =	sadd.s32 s3, s5  }
0x289: {  	[hbm4b:s0+s28] =	stream.strided.scatter [tilespmem:s16], [sflag:$0x8], $0x200, s7, s28, $0x38;
	[tilespmem:$0x1F700] =	vst v63  }
0x28a: {  	s8 =	simm.s32 $0x1E900;
	s17 =	sadd.s32 $0x80, s0  }
0x28b: {  	[hbm4b:s17+s28] =	stream.strided.scatter [tilespmem:s8], [sflag:$0x8], $0x200, s7, s28, $0x38;
	[tilespmem:$0x1F700] =	vst v63  }
0x28c: {  	s25 =	simm.s32 $0x1EB00;
	s18 =	sadd.s32 $0x100, s0  }
0x28d: {  	[hbm4b:s18+s28] =	stream.strided.scatter [tilespmem:s25], [sflag:$0x8], $0x200, s7, s28, $0x38;
	[tilespmem:$0x1F700] =	vst v63  }
0x28e: {  	s10 =	simm.s32 $0x1ED00;
	s9 =	sadd.s32 $0x180, s0  }
0x28f: {  	[hbm4b:s9+s28] =	stream.strided.scatter [tilespmem:s10], [sflag:$0x8], $0x200, s7, s28, $0x38;
	[tilespmem:$0x1F700] =	vst v63  }
0x290: {  	s12 =	simm.s32 $0x1EF00;
	s11 =	sadd.s32 $0x200, s0  }
0x291: {  	[hbm4b:s11+s28] =	stream.strided.scatter [tilespmem:s12], [sflag:$0x8], $0x200, s7, s28, $0x38;
	[tilespmem:$0x1F700] =	vst v63  }
0x292: {  	s14 =	simm.s32 $0x1F100;
	s13 =	sadd.s32 $0x280, s0  }
0x293: {  	[hbm4b:s13+s28] =	stream.strided.scatter [tilespmem:s14], [sflag:$0x8], $0x200, s7, s28, $0x38;
	[tilespmem:$0x1F700] =	vst v63  }
0x294: {  	s15 =	sadd.s32 $0x300, s0;
	s16 =	simm.s32 $0x1F300  }
0x295: {  	[hbm4b:s15+s28] =	stream.strided.scatter [tilespmem:s16], [sflag:$0x8], $0x200, s7, s28, $0x38;
	[tilespmem:$0x1F700] =	vst v63  }
0x296: {  	s0 =	sadd.s32 $0x380, s0;
	s17 =	simm.s32 $0x1F500  }
0x297: {  	[hbm4b:s0+s28] =	stream.strided.scatter [tilespmem:s17], [sflag:$0x8], $0x200, s7, s28, $0x38;
	[tilespmem:$0x1F700] =	vst v63  }
0x298: {  	s5 =	sadd.s32 $0x1800, s31;
	s0 =	simm.s32 $0x2000  }
0x299: {  	[tilespmem:s29], [sflag:$0x2] =	stream.strided.gather [hbm4b:s5+s24], $0x0, s0, s24, $0x38;
	[tilespmem:$0x1F700] =	vst v63  }
0x29a: {  	s8 =	sadd.s32 $0x1880, s31;
	s12 =	simm.s32 $0x18900  }
0x29b: {  	[tilespmem:s12], [sflag:$0x2] =	stream.strided.gather [hbm4b:s8+s24], $0x0, s0, s24, $0x38;
	[tilespmem:$0x1F700] =	vst v63  }
0x29c: {  	s9 =	sadd.s32 $0x1900, s31;
	s13 =	simm.s32 $0x18B00  }
0x29d: {  	[tilespmem:s13], [sflag:$0x2] =	stream.strided.gather [hbm4b:s9+s24], $0x0, s0, s24, $0x38;
	[tilespmem:$0x1F700] =	vst v63  }
0x29e: {  	s10 =	sadd.s32 $0x1980, s31;
	s14 =	simm.s32 $0x18D00  }
0x29f: {  	[tilespmem:s14], [sflag:$0x2] =	stream.strided.gather [hbm4b:s10+s24], $0x0, s0, s24, $0x38;
	[tilespmem:$0x1F700] =	vst v63  }
0x2a0: {  	s25 =	simm.s32 $0x18F00;
	s11 =	sadd.s32 $0x1A00, s31  }
0x2a1: {  	[tilespmem:s25], [sflag:$0x2] =	stream.strided.gather [hbm4b:s11+s24], $0x0, s0, s24, $0x38;
	[tilespmem:$0x1F700] =	vst v63  }
0x2a2: {  	s16 =	sadd.s32 $0x1A80, s31  }
0x2a3: {  	[tilespmem:s26], [sflag:$0x2] =	stream.strided.gather [hbm4b:s16+s24], $0x0, s0, s24, $0x38;
	[tilespmem:$0x1F700] =	vst v63  }
0x2a4: {  	s15 =	simm.s32 $0x19300;
	s17 =	sadd.s32 $0x1B00, s31  }
0x2a5: {  	[tilespmem:s15], [sflag:$0x2] =	stream.strided.gather [hbm4b:s17+s24], $0x0, s0, s24, $0x38;
	[tilespmem:$0x1F700] =	vst v63  }
0x2a6: {  	s18 =	sadd.s32 $0x1B80, s31;
	s31 =	simm.s32 $0x19500  }
0x2a7: {  	[tilespmem:s31], [sflag:$0x2] =	stream.strided.gather [hbm4b:s18+s24], $0x0, s0, s24, $0x38;
	[tilespmem:$0x1F700] =	vst v63  }
0x2a8: {  	s0 =	simm.s32 $0x0  }
0x2a9: {  	[tilespmem:s29], [sflag:$0x2] =	stream.linear.gather [hbm4b:s5+s0], $0x100, $0x38;
	[tilespmem:$0x1F700] =	vst v63  }
0x2aa: {  	_ = 	snop  }
0x2ab: {  	[tilespmem:s12], [sflag:$0x2] =	stream.linear.gather [hbm4b:s8+s0], $0x100, $0x38;
	[tilespmem:$0x1F700] =	vst v63  }
0x2ac: {  	_ = 	snop  }
0x2ad: {  	[tilespmem:s13], [sflag:$0x2] =	stream.linear.gather [hbm4b:s9+s0], $0x100, $0x38;
	[tilespmem:$0x1F700] =	vst v63  }
0x2ae: {  	_ = 	snop  }
0x2af: {  	[tilespmem:s14], [sflag:$0x2] =	stream.linear.gather [hbm4b:s10+s0], $0x100, $0x38;
	[tilespmem:$0x1F700] =	vst v63  }
0x2b0: {  	_ = 	snop  }
0x2b1: {  	[tilespmem:s25], [sflag:$0x2] =	stream.linear.gather [hbm4b:s11+s0], $0x100, $0x38;
	[tilespmem:$0x1F700] =	vst v63  }
0x2b2: {  	_ = 	snop  }
0x2b3: {  	[tilespmem:s26], [sflag:$0x2] =	stream.linear.gather [hbm4b:s16+s0], $0x100, $0x38;
	[tilespmem:$0x1F700] =	vst v63  }
0x2b4: {  	_ = 	snop  }
0x2b5: {  	[tilespmem:s15], [sflag:$0x2] =	stream.linear.gather [hbm4b:s17+s0], $0x100, $0x38;
	[tilespmem:$0x1F700] =	vst v63  }
0x2b6: {  	s15 =	simm.s32 $0x3  }
0x2b7: {  	[tilespmem:s31], [sflag:$0x2] =	stream.linear.gather [hbm4b:s18+s0], $0x100, $0x38;
	[tilespmem:$0x1F700] =	vst v63  }
0x2b8: {  	_ =	swait.ge [sflag:s15], $0x1000  }
0x2b9: {  	[sflag:s15] =	ssyncset.done $0x0  }
0x2ba: {  	[sflag:s15] =	ssyncadd.s32 $0xFFFFF000  }
0x2bb: {  	s18 =	sand.u32 $0xE00, s0;
	_ =	swait.ge [sflag:s22], $0x1000  }
0x2bc: {  	s25 =	sor.u32 s18, s0;
	[sflag:s22] =	ssyncset.done $0x0  }
0x2bd: {  	s31 =	sand.u32 $0x180, s0;
	s16 =	sor.u32 $0x70, s25;
	[sflag:s22] =	ssyncadd.s32 $0xFFFFF000  }
0x2be: {  	s5 =	sor.u32 s31, s18;
	v1 =	vld [tilespmem:s16+$0x19700]  }
0x2bf: {  	v2 =	vld [tilespmem:s5+$0x19700]  }
0x2c0: {  	v4 =	vld [tilespmem:s5+$0x19710]  }
0x2c1: {  	v8 =	vld [tilespmem:s5+$0x19720]  }
0x2c2: {  	v9 =	vld [tilespmem:s5+$0x19730]  }
0x2c3: {  	v5 =	vld [tilespmem:s5+$0x19740]  }
0x2c4: {  	v3 =	vld [tilespmem:s5+$0x19750]  }
0x2c5: {  	v0 =	vld [tilespmem:s5+$0x19760]  }
0x2c6: {  	v7 =	vld.idx.msk [tilespmem:v1+s4+$0x0], $0xffff  }
0x2c7: {  	v6 =	vld.idx.msk [tilespmem:v2+s4+$0x0], $0xffff  }
0x2c8: {  	v4 =	vld.idx.msk [tilespmem:v4+s4+$0x0], $0xffff  }
0x2c9: {  	v1 =	vld.idx.msk [tilespmem:v8+s4+$0x0], $0xffff  }
0x2ca: {  	s8 =	simm.s32 $0x200;
	s17 =	simm.s32 $0x0;
	v2 =	vld.idx.msk [tilespmem:v9+s4+$0x0], $0xffff  }
.LBB2_21:
0x2cb: {  	s9 =	sand.u32 $0xE00, s8;
	s17 =	sadd.s32 $0x8, s17;
	v5 =	vld.idx.msk [tilespmem:v5+s4+$0x0], $0xffff;
	s0 =	sadd.s32 $0x10, s0  }
0x2cc: {  	s10 =	sand.u32 $0x180, s0;
	s11 =	sor.u32 s9, s0;
	p1 =	slt.u32 s17, $0xF8;
	v3 =	vld.idx.msk [tilespmem:v3+s4+$0x0], $0xffff;
	[tilespmem:s16+$0x1C700] =	vst v7  }
0x2cd: {  	s9 =	sor.u32 s10, s9;
	s16 =	sor.u32 $0x70, s11;
	[tilespmem:s5+$0x1C700] =	vst v6;
	v0 =	vld.idx.msk [tilespmem:v0+s4+$0x0], $0xffff  }
0x2ce: {  	v6 =	vld [tilespmem:s16+$0x19700];
	[tilespmem:s5+$0x1C710] =	vst v4  }
0x2cf: {  	v4 =	vld [tilespmem:s9+$0x19700];
	[tilespmem:s5+$0x1C720] =	vst v1  }
0x2d0: {  	v1 =	vld [tilespmem:s9+$0x19710];
	[tilespmem:s5+$0x1C730] =	vst v2  }
0x2d1: {  	v2 =	vld [tilespmem:s9+$0x19720];
	[tilespmem:s5+$0x1C740] =	vst v5  }
0x2d2: {  	v8 =	vld [tilespmem:s9+$0x19730];
	[tilespmem:s5+$0x1C750] =	vst v3  }
0x2d3: {  	v5 =	vld [tilespmem:s9+$0x19740];
	[tilespmem:s5+$0x1C760] =	vst v0;
	s5 =	smov.u32 s9  }
0x2d4: {  	v3 =	vld [tilespmem:s5+$0x19750]  }
0x2d5: {  	v0 =	vld [tilespmem:s5+$0x19760]  }
.Ltmp9:
0x2d6: {  	v7 =	vld.idx.msk [tilespmem:v6+s4+$0x0], $0xffff;
	(pc) =	sbr.rel @p1 .LBB2_21-.Ltmp9, $4  }
0x2d7: {  	v6 =	vld.idx.msk [tilespmem:v4+s4+$0x0], $0xffff  }
0x2d8: {  	v4 =	vld.idx.msk [tilespmem:v1+s4+$0x0], $0xffff  }
0x2d9: {  	v1 =	vld.idx.msk [tilespmem:v2+s4+$0x0], $0xffff  }
0x2da: {  	s8 =	sadd.s32 $0x200, s8;
	v2 =	vld.idx.msk [tilespmem:v8+s4+$0x0], $0xffff  }
0x2db: {  	_ =	sdelay $0x3  }
0x2dc: {  	v5 =	vld.idx.msk [tilespmem:v5+s4+$0x0], $0xffff;
	[tilespmem:s16+$0x1C700] =	vst v7  }
0x2dd: {  	v3 =	vld.idx.msk [tilespmem:v3+s4+$0x0], $0xffff;
	[tilespmem:s5+$0x1C700] =	vst v6  }
0x2de: {  	v0 =	vld.idx.msk [tilespmem:v0+s4+$0x0], $0xffff;
	[tilespmem:s5+$0x1C710] =	vst v4  }
0x2df: {  	[tilespmem:s5+$0x1C720] =	vst v1  }
0x2e0: {  	[tilespmem:s5+$0x1C730] =	vst v2  }
0x2e1: {  	s0 =	sadd.s32 $0x1DD0000, s30;
	[tilespmem:s5+$0x1C740] =	vst v5  }
0x2e2: {  	s0 =	sshrl.u32 s0, $0x3;
	[tilespmem:s5+$0x1C750] =	vst v3  }
0x2e3: {  	s25 =	simm.s32 $0x1C700;
	s0 =	sadd.s32 s3, s0;
	[tilespmem:s5+$0x1C760] =	vst v0  }
0x2e4: {  	[hbm4b:s0+s28] =	stream.strided.scatter [tilespmem:s25], [sflag:$0x6], $0x200, s7, s28, $0x38;
	[tilespmem:$0x1F700] =	vst v63  }
0x2e5: {  	s8 =	simm.s32 $0x1C900;
	s31 =	sadd.s32 $0x80, s0  }
0x2e6: {  	[hbm4b:s31+s28] =	stream.strided.scatter [tilespmem:s8], [sflag:$0x6], $0x200, s7, s28, $0x38;
	[tilespmem:$0x1F700] =	vst v63  }
0x2e7: {  	s10 =	simm.s32 $0x1CB00;
	s9 =	sadd.s32 $0x100, s0  }
0x2e8: {  	[hbm4b:s9+s28] =	stream.strided.scatter [tilespmem:s10], [sflag:$0x6], $0x200, s7, s28, $0x38;
	[tilespmem:$0x1F700] =	vst v63  }
0x2e9: {  	s12 =	simm.s32 $0x1CD00;
	s11 =	sadd.s32 $0x180, s0  }
0x2ea: {  	[hbm4b:s11+s28] =	stream.strided.scatter [tilespmem:s12], [sflag:$0x6], $0x200, s7, s28, $0x38;
	[tilespmem:$0x1F700] =	vst v63  }
0x2eb: {  	s14 =	simm.s32 $0x1CF00;
	s13 =	sadd.s32 $0x200, s0  }
0x2ec: {  	[hbm4b:s13+s28] =	stream.strided.scatter [tilespmem:s14], [sflag:$0x6], $0x200, s7, s28, $0x38;
	[tilespmem:$0x1F700] =	vst v63  }
0x2ed: {  	s16 =	sadd.s32 $0x280, s0;
	s12 =	simm.s32 $0x1D100  }
0x2ee: {  	[hbm4b:s16+s28] =	stream.strided.scatter [tilespmem:s12], [sflag:$0x6], $0x200, s7, s28, $0x38;
	[tilespmem:$0x1F700] =	vst v63  }
0x2ef: {  	s17 =	sadd.s32 $0x300, s0;
	s13 =	simm.s32 $0x1D300  }
0x2f0: {  	[hbm4b:s17+s28] =	stream.strided.scatter [tilespmem:s13], [sflag:$0x6], $0x200, s7, s28, $0x38;
	[tilespmem:$0x1F700] =	vst v63  }
0x2f1: {  	s0 =	sadd.s32 $0x380, s0;
	s14 =	simm.s32 $0x1D500  }
0x2f2: {  	[hbm4b:s0+s28] =	stream.strided.scatter [tilespmem:s14], [sflag:$0x6], $0x200, s7, s28, $0x38;
	[tilespmem:$0x1F700] =	vst v63  }
0x2f3: {  	_ =	swait.ge [sflag:s20], $0x1000  }
0x2f4: {  	[sflag:s20] =	ssyncset.done $0x0  }
0x2f5: {  	s5 =	simm.s32 $0x0;
	[sflag:s20] =	ssyncadd.s32 $0xFFFFF000  }
0x2f6: {  	s18 =	sand.u32 $0xE00, s5;
	_ =	swait.ge [sflag:s1], $0x1000  }
0x2f7: {  	s31 =	sor.u32 s18, s5;
	[sflag:s1] =	ssyncset.done $0x0  }
0x2f8: {  	s9 =	sand.u32 $0x180, s5;
	s16 =	sor.u32 $0x70, s31;
	[sflag:s1] =	ssyncadd.s32 $0xFFFFF000  }
0x2f9: {  	s0 =	sor.u32 s9, s18;
	v1 =	vld [tilespmem:s16+$0x1A700]  }
0x2fa: {  	v2 =	vld [tilespmem:s0+$0x1A700]  }
0x2fb: {  	v4 =	vld [tilespmem:s0+$0x1A710]  }
0x2fc: {  	v8 =	vld [tilespmem:s0+$0x1A720]  }
0x2fd: {  	v9 =	vld [tilespmem:s0+$0x1A730]  }
0x2fe: {  	v5 =	vld [tilespmem:s0+$0x1A740]  }
0x2ff: {  	v3 =	vld [tilespmem:s0+$0x1A750]  }
0x300: {  	v0 =	vld [tilespmem:s0+$0x1A760]  }
0x301: {  	v7 =	vld.idx.msk [tilespmem:v1+s4+$0x0], $0xffff  }
0x302: {  	v6 =	vld.idx.msk [tilespmem:v2+s4+$0x0], $0xffff  }
0x303: {  	v4 =	vld.idx.msk [tilespmem:v4+s4+$0x0], $0xffff  }
0x304: {  	v1 =	vld.idx.msk [tilespmem:v8+s4+$0x0], $0xffff  }
0x305: {  	s8 =	simm.s32 $0x200;
	s17 =	simm.s32 $0x0;
	s18 =	simm.s32 $0x1D700;
	v2 =	vld.idx.msk [tilespmem:v9+s4+$0x0], $0xffff  }
.LBB2_23:
0x306: {  	s9 =	sand.u32 $0xE00, s8;
	s17 =	sadd.s32 $0x8, s17;
	v5 =	vld.idx.msk [tilespmem:v5+s4+$0x0], $0xffff;
	s5 =	sadd.s32 $0x10, s5  }
0x307: {  	s10 =	sand.u32 $0x180, s5;
	s11 =	sor.u32 s9, s5;
	p1 =	slt.u32 s17, $0xF8;
	v3 =	vld.idx.msk [tilespmem:v3+s4+$0x0], $0xffff;
	[tilespmem:s16+$0x1D700] =	vst v7  }
0x308: {  	s9 =	sor.u32 s10, s9;
	s16 =	sor.u32 $0x70, s11;
	[tilespmem:s0+$0x1D700] =	vst v6;
	v0 =	vld.idx.msk [tilespmem:v0+s4+$0x0], $0xffff  }
0x309: {  	v6 =	vld [tilespmem:s16+$0x1A700];
	[tilespmem:s0+$0x1D710] =	vst v4  }
0x30a: {  	v4 =	vld [tilespmem:s9+$0x1A700];
	[tilespmem:s0+$0x1D720] =	vst v1  }
0x30b: {  	v1 =	vld [tilespmem:s9+$0x1A710];
	[tilespmem:s0+$0x1D730] =	vst v2  }
0x30c: {  	v2 =	vld [tilespmem:s9+$0x1A720];
	[tilespmem:s0+$0x1D740] =	vst v5  }
0x30d: {  	v8 =	vld [tilespmem:s9+$0x1A730];
	[tilespmem:s0+$0x1D750] =	vst v3  }
0x30e: {  	v5 =	vld [tilespmem:s9+$0x1A740];
	[tilespmem:s0+$0x1D760] =	vst v0;
	s0 =	smov.u32 s9  }
0x30f: {  	v3 =	vld [tilespmem:s0+$0x1A750]  }
0x310: {  	v0 =	vld [tilespmem:s0+$0x1A760]  }
.Ltmp10:
0x311: {  	v7 =	vld.idx.msk [tilespmem:v6+s4+$0x0], $0xffff;
	(pc) =	sbr.rel @p1 .LBB2_23-.Ltmp10, $4  }
0x312: {  	v6 =	vld.idx.msk [tilespmem:v4+s4+$0x0], $0xffff  }
0x313: {  	v4 =	vld.idx.msk [tilespmem:v1+s4+$0x0], $0xffff  }
0x314: {  	v1 =	vld.idx.msk [tilespmem:v2+s4+$0x0], $0xffff  }
0x315: {  	s8 =	sadd.s32 $0x200, s8;
	v2 =	vld.idx.msk [tilespmem:v8+s4+$0x0], $0xffff  }
0x316: {  	_ =	sdelay $0x3  }
0x317: {  	v5 =	vld.idx.msk [tilespmem:v5+s4+$0x0], $0xffff;
	[tilespmem:s16+$0x1D700] =	vst v7  }
0x318: {  	v3 =	vld.idx.msk [tilespmem:v3+s4+$0x0], $0xffff;
	[tilespmem:s0+$0x1D700] =	vst v6  }
0x319: {  	v0 =	vld.idx.msk [tilespmem:v0+s4+$0x0], $0xffff;
	[tilespmem:s0+$0x1D710] =	vst v4  }
0x31a: {  	[tilespmem:s0+$0x1D720] =	vst v1  }
0x31b: {  	[tilespmem:s0+$0x1D730] =	vst v2  }
0x31c: {  	s5 =	sadd.s32 $0x2120000, s30;
	[tilespmem:s0+$0x1D740] =	vst v5  }
0x31d: {  	s5 =	sshrl.u32 s5, $0x3;
	[tilespmem:s0+$0x1D750] =	vst v3  }
0x31e: {  	[tilespmem:s0+$0x1D760] =	vst v0;
	s0 =	sadd.s32 s3, s5  }
0x31f: {  	[hbm4b:s0+s28] =	stream.strided.scatter [tilespmem:s18], [sflag:$0x7], $0x200, s7, s28, $0x38;
	[tilespmem:$0x1F700] =	vst v63  }
0x320: {  	s8 =	simm.s32 $0x1D900;
	s5 =	sadd.s32 $0x80, s0  }
0x321: {  	[hbm4b:s5+s28] =	stream.strided.scatter [tilespmem:s8], [sflag:$0x7], $0x200, s7, s28, $0x38;
	[tilespmem:$0x1F700] =	vst v63  }
0x322: {  	s11 =	simm.s32 $0x1DB00;
	s10 =	sadd.s32 $0x100, s0  }
0x323: {  	[hbm4b:s10+s28] =	stream.strided.scatter [tilespmem:s11], [sflag:$0x7], $0x200, s7, s28, $0x38;
	[tilespmem:$0x1F700] =	vst v63  }
0x324: {  	s17 =	simm.s32 $0x1DD00;
	s16 =	sadd.s32 $0x180, s0  }
0x325: {  	[hbm4b:s16+s28] =	stream.strided.scatter [tilespmem:s17], [sflag:$0x7], $0x200, s7, s28, $0x38;
	[tilespmem:$0x1F700] =	vst v63  }
0x326: {  	s31 =	simm.s32 $0x1DF00;
	s18 =	sadd.s32 $0x200, s0  }
0x327: {  	[hbm4b:s18+s28] =	stream.strided.scatter [tilespmem:s31], [sflag:$0x7], $0x200, s7, s28, $0x38;
	[tilespmem:$0x1F700] =	vst v63  }
0x328: {  	s9 =	sadd.s32 $0x280, s0;
	s10 =	simm.s32 $0x1E100  }
0x329: {  	[hbm4b:s9+s28] =	stream.strided.scatter [tilespmem:s10], [sflag:$0x7], $0x200, s7, s28, $0x38;
	[tilespmem:$0x1F700] =	vst v63  }
0x32a: {  	s11 =	sadd.s32 $0x300, s0;
	s16 =	simm.s32 $0x1E300  }
0x32b: {  	[hbm4b:s11+s28] =	stream.strided.scatter [tilespmem:s16], [sflag:$0x7], $0x200, s7, s28, $0x38;
	[tilespmem:$0x1F700] =	vst v63  }
0x32c: {  	s0 =	sadd.s32 $0x380, s0;
	s17 =	simm.s32 $0x1E500  }
0x32d: {  	[hbm4b:s0+s28] =	stream.strided.scatter [tilespmem:s17], [sflag:$0x7], $0x200, s7, s28, $0x38;
	[tilespmem:$0x1F700] =	vst v63  }
0x32e: {  	_ =	swait.ge [sflag:s19], $0x1000  }
0x32f: {  	[sflag:s19] =	ssyncset.done $0x0  }
0x330: {  	s5 =	simm.s32 $0x0;
	[sflag:s19] =	ssyncadd.s32 $0xFFFFF000  }
0x331: {  	s18 =	sand.u32 $0xE00, s5;
	_ =	swait.ge [sflag:s2], $0x1000  }
0x332: {  	s31 =	sor.u32 s18, s5;
	[sflag:s2] =	ssyncset.done $0x0  }
0x333: {  	s9 =	sand.u32 $0x180, s5;
	s16 =	sor.u32 $0x70, s31;
	[sflag:s2] =	ssyncadd.s32 $0xFFFFF000  }
0x334: {  	s0 =	sor.u32 s9, s18;
	v1 =	vld [tilespmem:s16+$0x1B700]  }
0x335: {  	v2 =	vld [tilespmem:s0+$0x1B700]  }
0x336: {  	v4 =	vld [tilespmem:s0+$0x1B710]  }
0x337: {  	v8 =	vld [tilespmem:s0+$0x1B720]  }
0x338: {  	v9 =	vld [tilespmem:s0+$0x1B730]  }
0x339: {  	v5 =	vld [tilespmem:s0+$0x1B740]  }
0x33a: {  	v3 =	vld [tilespmem:s0+$0x1B750]  }
0x33b: {  	v0 =	vld [tilespmem:s0+$0x1B760]  }
0x33c: {  	v7 =	vld.idx.msk [tilespmem:v1+s4+$0x0], $0xffff  }
0x33d: {  	v6 =	vld.idx.msk [tilespmem:v2+s4+$0x0], $0xffff  }
0x33e: {  	v4 =	vld.idx.msk [tilespmem:v4+s4+$0x0], $0xffff  }
0x33f: {  	v1 =	vld.idx.msk [tilespmem:v8+s4+$0x0], $0xffff  }
0x340: {  	s8 =	simm.s32 $0x200;
	s17 =	simm.s32 $0x0;
	v2 =	vld.idx.msk [tilespmem:v9+s4+$0x0], $0xffff  }
.LBB2_25:
0x341: {  	s9 =	sand.u32 $0xE00, s8;
	s17 =	sadd.s32 $0x8, s17;
	v5 =	vld.idx.msk [tilespmem:v5+s4+$0x0], $0xffff;
	s5 =	sadd.s32 $0x10, s5  }
0x342: {  	s10 =	sand.u32 $0x180, s5;
	s11 =	sor.u32 s9, s5;
	p1 =	slt.u32 s17, $0xF8;
	v3 =	vld.idx.msk [tilespmem:v3+s4+$0x0], $0xffff;
	[tilespmem:s16+$0x1E700] =	vst v7  }
0x343: {  	s9 =	sor.u32 s10, s9;
	s16 =	sor.u32 $0x70, s11;
	[tilespmem:s0+$0x1E700] =	vst v6;
	v0 =	vld.idx.msk [tilespmem:v0+s4+$0x0], $0xffff  }
0x344: {  	v6 =	vld [tilespmem:s16+$0x1B700];
	[tilespmem:s0+$0x1E710] =	vst v4  }
0x345: {  	v4 =	vld [tilespmem:s9+$0x1B700];
	[tilespmem:s0+$0x1E720] =	vst v1  }
0x346: {  	v1 =	vld [tilespmem:s9+$0x1B710];
	[tilespmem:s0+$0x1E730] =	vst v2  }
0x347: {  	v2 =	vld [tilespmem:s9+$0x1B720];
	[tilespmem:s0+$0x1E740] =	vst v5  }
0x348: {  	v8 =	vld [tilespmem:s9+$0x1B730];
	[tilespmem:s0+$0x1E750] =	vst v3  }
0x349: {  	v5 =	vld [tilespmem:s9+$0x1B740];
	[tilespmem:s0+$0x1E760] =	vst v0;
	s0 =	smov.u32 s9  }
0x34a: {  	v3 =	vld [tilespmem:s0+$0x1B750]  }
0x34b: {  	v0 =	vld [tilespmem:s0+$0x1B760]  }
.Ltmp11:
0x34c: {  	v7 =	vld.idx.msk [tilespmem:v6+s4+$0x0], $0xffff;
	(pc) =	sbr.rel @p1 .LBB2_25-.Ltmp11, $4  }
0x34d: {  	v6 =	vld.idx.msk [tilespmem:v4+s4+$0x0], $0xffff  }
0x34e: {  	v4 =	vld.idx.msk [tilespmem:v1+s4+$0x0], $0xffff  }
0x34f: {  	v1 =	vld.idx.msk [tilespmem:v2+s4+$0x0], $0xffff  }
0x350: {  	s8 =	sadd.s32 $0x200, s8;
	v2 =	vld.idx.msk [tilespmem:v8+s4+$0x0], $0xffff  }
0x351: {  	_ =	sdelay $0x3  }
0x352: {  	v5 =	vld.idx.msk [tilespmem:v5+s4+$0x0], $0xffff;
	[tilespmem:s16+$0x1E700] =	vst v7  }
0x353: {  	v3 =	vld.idx.msk [tilespmem:v3+s4+$0x0], $0xffff;
	[tilespmem:s0+$0x1E700] =	vst v6  }
0x354: {  	v0 =	vld.idx.msk [tilespmem:v0+s4+$0x0], $0xffff;
	[tilespmem:s0+$0x1E710] =	vst v4  }
0x355: {  	[tilespmem:s0+$0x1E720] =	vst v1  }
0x356: {  	[tilespmem:s0+$0x1E730] =	vst v2  }
0x357: {  	s5 =	sadd.s32 $0x2470000, s30;
	[tilespmem:s0+$0x1E740] =	vst v5  }
0x358: {  	s5 =	sshrl.u32 s5, $0x3;
	[tilespmem:s0+$0x1E750] =	vst v3  }
0x359: {  	s8 =	simm.s32 $0x1E700;
	[tilespmem:s0+$0x1E760] =	vst v0;
	s0 =	sadd.s32 s3, s5  }
0x35a: {  	[hbm4b:s0+s28] =	stream.strided.scatter [tilespmem:s8], [sflag:$0x8], $0x200, s7, s28, $0x38;
	[tilespmem:$0x1F700] =	vst v63  }
0x35b: {  	s9 =	sadd.s32 $0x80, s0;
	s8 =	simm.s32 $0x1E900  }
0x35c: {  	[hbm4b:s9+s28] =	stream.strided.scatter [tilespmem:s8], [sflag:$0x8], $0x200, s7, s28, $0x38;
	[tilespmem:$0x1F700] =	vst v63  }
0x35d: {  	s11 =	simm.s32 $0x1EB00;
	s10 =	sadd.s32 $0x100, s0  }
0x35e: {  	[hbm4b:s10+s28] =	stream.strided.scatter [tilespmem:s11], [sflag:$0x8], $0x200, s7, s28, $0x38;
	[tilespmem:$0x1F700] =	vst v63  }
0x35f: {  	s17 =	simm.s32 $0x1ED00;
	s16 =	sadd.s32 $0x180, s0  }
0x360: {  	[hbm4b:s16+s28] =	stream.strided.scatter [tilespmem:s17], [sflag:$0x8], $0x200, s7, s28, $0x38;
	[tilespmem:$0x1F700] =	vst v63  }
0x361: {  	s31 =	simm.s32 $0x1EF00;
	s18 =	sadd.s32 $0x200, s0  }
0x362: {  	[hbm4b:s18+s28] =	stream.strided.scatter [tilespmem:s31], [sflag:$0x8], $0x200, s7, s28, $0x38;
	[tilespmem:$0x1F700] =	vst v63  }
0x363: {  	s9 =	sadd.s32 $0x280, s0;
	s10 =	simm.s32 $0x1F100  }
0x364: {  	[hbm4b:s9+s28] =	stream.strided.scatter [tilespmem:s10], [sflag:$0x8], $0x200, s7, s28, $0x38;
	[tilespmem:$0x1F700] =	vst v63  }
0x365: {  	s11 =	sadd.s32 $0x300, s0;
	s16 =	simm.s32 $0x1F300  }
0x366: {  	[hbm4b:s11+s28] =	stream.strided.scatter [tilespmem:s16], [sflag:$0x8], $0x200, s7, s28, $0x38;
	[tilespmem:$0x1F700] =	vst v63  }
0x367: {  	s0 =	sadd.s32 $0x380, s0;
	s17 =	simm.s32 $0x1F500  }
0x368: {  	[hbm4b:s0+s28] =	stream.strided.scatter [tilespmem:s17], [sflag:$0x8], $0x200, s7, s28, $0x38;
	[tilespmem:$0x1F700] =	vst v63  }
0x369: {  	_ =	swait.ge [sflag:s6], $0x800  }
0x36a: {  	[sflag:s6] =	ssyncset.done $0x0  }
0x36b: {  	s5 =	simm.s32 $0x0;
	[sflag:s6] =	ssyncadd.s32 $0xFFFFF800  }
0x36c: {  	s18 =	sand.u32 $0xE00, s5;
	_ =	swait.ge [sflag:s22], $0x1000  }
0x36d: {  	s31 =	sor.u32 s18, s5;
	[sflag:s22] =	ssyncset.done $0x0  }
0x36e: {  	s9 =	sand.u32 $0x80, s5;
	s16 =	sor.u32 $0x70, s31;
	[sflag:s22] =	ssyncadd.s32 $0xFFFFF000  }
0x36f: {  	s0 =	sor.u32 s9, s18;
	v1 =	vld [tilespmem:s16+$0x18700]  }
0x370: {  	v2 =	vld [tilespmem:s0+$0x18700]  }
0x371: {  	v4 =	vld [tilespmem:s0+$0x18710]  }
0x372: {  	v8 =	vld [tilespmem:s0+$0x18720]  }
0x373: {  	v9 =	vld [tilespmem:s0+$0x18730]  }
0x374: {  	v5 =	vld [tilespmem:s0+$0x18740]  }
0x375: {  	v3 =	vld [tilespmem:s0+$0x18750]  }
0x376: {  	v0 =	vld [tilespmem:s0+$0x18760]  }
0x377: {  	v7 =	vld.idx.msk [tilespmem:v1+s4+$0x0], $0xffff  }
0x378: {  	v6 =	vld.idx.msk [tilespmem:v2+s4+$0x0], $0xffff  }
0x379: {  	v4 =	vld.idx.msk [tilespmem:v4+s4+$0x0], $0xffff  }
0x37a: {  	v1 =	vld.idx.msk [tilespmem:v8+s4+$0x0], $0xffff  }
0x37b: {  	s8 =	simm.s32 $0x200;
	s17 =	simm.s32 $0x0;
	v2 =	vld.idx.msk [tilespmem:v9+s4+$0x0], $0xffff  }
.LBB2_27:
0x37c: {  	s9 =	sand.u32 $0xE00, s8;
	s17 =	sadd.s32 $0x8, s17;
	v5 =	vld.idx.msk [tilespmem:v5+s4+$0x0], $0xffff;
	s5 =	sadd.s32 $0x10, s5  }
0x37d: {  	s10 =	sand.u32 $0x80, s5;
	s11 =	sor.u32 s9, s5;
	p1 =	slt.u32 s17, $0x78;
	v3 =	vld.idx.msk [tilespmem:v3+s4+$0x0], $0xffff;
	[tilespmem:s16+$0x1C700] =	vst v7  }
0x37e: {  	s9 =	sor.u32 s10, s9;
	s16 =	sor.u32 $0x70, s11;
	[tilespmem:s0+$0x1C700] =	vst v6;
	v0 =	vld.idx.msk [tilespmem:v0+s4+$0x0], $0xffff  }
0x37f: {  	v6 =	vld [tilespmem:s16+$0x18700];
	[tilespmem:s0+$0x1C710] =	vst v4  }
0x380: {  	v4 =	vld [tilespmem:s9+$0x18700];
	[tilespmem:s0+$0x1C720] =	vst v1  }
0x381: {  	v1 =	vld [tilespmem:s9+$0x18710];
	[tilespmem:s0+$0x1C730] =	vst v2  }
0x382: {  	v2 =	vld [tilespmem:s9+$0x18720];
	[tilespmem:s0+$0x1C740] =	vst v5  }
0x383: {  	v8 =	vld [tilespmem:s9+$0x18730];
	[tilespmem:s0+$0x1C750] =	vst v3  }
0x384: {  	v5 =	vld [tilespmem:s9+$0x18740];
	[tilespmem:s0+$0x1C760] =	vst v0;
	s0 =	smov.u32 s9  }
0x385: {  	v3 =	vld [tilespmem:s0+$0x18750]  }
0x386: {  	v0 =	vld [tilespmem:s0+$0x18760]  }
.Ltmp12:
0x387: {  	v7 =	vld.idx.msk [tilespmem:v6+s4+$0x0], $0xffff;
	(pc) =	sbr.rel @p1 .LBB2_27-.Ltmp12, $4  }
0x388: {  	v6 =	vld.idx.msk [tilespmem:v4+s4+$0x0], $0xffff  }
0x389: {  	v4 =	vld.idx.msk [tilespmem:v1+s4+$0x0], $0xffff  }
0x38a: {  	v1 =	vld.idx.msk [tilespmem:v2+s4+$0x0], $0xffff  }
0x38b: {  	s8 =	sadd.s32 $0x200, s8;
	v2 =	vld.idx.msk [tilespmem:v8+s4+$0x0], $0xffff  }
0x38c: {  	_ =	sdelay $0x3  }
0x38d: {  	v5 =	vld.idx.msk [tilespmem:v5+s4+$0x0], $0xffff;
	[tilespmem:s16+$0x1C700] =	vst v7  }
0x38e: {  	v3 =	vld.idx.msk [tilespmem:v3+s4+$0x0], $0xffff;
	[tilespmem:s0+$0x1C700] =	vst v6  }
0x38f: {  	v0 =	vld.idx.msk [tilespmem:v0+s4+$0x0], $0xffff;
	[tilespmem:s0+$0x1C710] =	vst v4  }
0x390: {  	[tilespmem:s0+$0x1C720] =	vst v1  }
0x391: {  	[tilespmem:s0+$0x1C730] =	vst v2  }
0x392: {  	s5 =	sadd.s32 $0x27C0000, s30;
	[tilespmem:s0+$0x1C740] =	vst v5  }
0x393: {  	s5 =	sshrl.u32 s5, $0x3;
	[tilespmem:s0+$0x1C750] =	vst v3  }
0x394: {  	[tilespmem:s0+$0x1C760] =	vst v0;
	s0 =	sadd.s32 s3, s5  }
0x395: {  	[hbm4b:s0+s28] =	stream.strided.scatter [tilespmem:s25], [sflag:$0x6], $0x100, s7, s28, $0x38;
	[tilespmem:$0x1F700] =	vst v63  }
0x396: {  	s8 =	simm.s32 $0x1C900;
	s5 =	sadd.s32 $0x80, s0  }
0x397: {  	[hbm4b:s5+s28] =	stream.strided.scatter [tilespmem:s8], [sflag:$0x6], $0x100, s7, s28, $0x38;
	[tilespmem:$0x1F700] =	vst v63  }
0x398: {  	s10 =	simm.s32 $0x1CB00;
	s9 =	sadd.s32 $0x100, s0  }
0x399: {  	[hbm4b:s9+s28] =	stream.strided.scatter [tilespmem:s10], [sflag:$0x6], $0x100, s7, s28, $0x38;
	[tilespmem:$0x1F700] =	vst v63  }
0x39a: {  	s16 =	simm.s32 $0x1CD00;
	s11 =	sadd.s32 $0x180, s0  }
0x39b: {  	[hbm4b:s11+s28] =	stream.strided.scatter [tilespmem:s16], [sflag:$0x6], $0x100, s7, s28, $0x38;
	[tilespmem:$0x1F700] =	vst v63  }
0x39c: {  	s18 =	simm.s32 $0x1CF00;
	s17 =	sadd.s32 $0x200, s0  }
0x39d: {  	[hbm4b:s17+s28] =	stream.strided.scatter [tilespmem:s18], [sflag:$0x6], $0x100, s7, s28, $0x38;
	[tilespmem:$0x1F700] =	vst v63  }
0x39e: {  	s30 =	sadd.s32 $0x280, s0  }
0x39f: {  	[hbm4b:s30+s28] =	stream.strided.scatter [tilespmem:s12], [sflag:$0x6], $0x100, s7, s28, $0x38;
	[tilespmem:$0x1F700] =	vst v63  }
0x3a0: {  	s31 =	sadd.s32 $0x300, s0  }
0x3a1: {  	[hbm4b:s31+s28] =	stream.strided.scatter [tilespmem:s13], [sflag:$0x6], $0x100, s7, s28, $0x38;
	[tilespmem:$0x1F700] =	vst v63  }
0x3a2: {  	s0 =	sadd.s32 $0x380, s0  }
0x3a3: {  	[hbm4b:s0+s28] =	stream.strided.scatter [tilespmem:s14], [sflag:$0x6], $0x100, s7, s28, $0x38;
	[tilespmem:$0x1F700] =	vst v63  }
0x3a4: {  	_ =	swait.ge [sflag:s1], $0x1000  }
0x3a5: {  	[sflag:s1] =	ssyncset.done $0x0  }
0x3a6: {  	s21 =	sadd.s32 $0x1, s21;
	[sflag:s1] =	ssyncadd.s32 $0xFFFFF000  }
0x3a7: {  	p1 =	sne.s32 s21, $0x1A;
	_ =	swait.ge [sflag:s2], $0x1000  }
.Ltmp13:
0x3a8: {  	[sflag:s2] =	ssyncset.done $0x0;
	(pc) =	sbr.rel @p1 .LBB2_2-.Ltmp13, $4  }
0x3a9: {  	[sflag:s2] =	ssyncadd.s32 $0xFFFFF000  }
0x3aa: {  	_ =	swait.ge [sflag:s22], $0x800  }
0x3ab: {  	[sflag:s22] =	ssyncset.done $0x0  }
0x3ac: {  	[sflag:s22] =	ssyncadd.s32 $0xFFFFF800  }
0x3ad: {  	s5 =	rddreg [dreg:$0x16]  }
0x3ae: {  	s0 =	rddreg [dreg:$0x15];
	s5 =	sadd.s32 $0x1, s5  }
0x3af: {  	p1 =	sne.s32 s5, s0  }
.Ltmp14:
0x3b0: {  	_ = 	snop;
	(pc) =	sbr.rel @p1 .LBB2_1-.Ltmp14, $1  }
0x3b1: {  	_ =	sdelay $0x3  }
0x3b2: {  	_ =	sfence.sel $0x180000  }
0x3b3: {  	[bflag:$0x0] =	sbarrier.arrive $0xFFFF  }
0x3b4: {  	_ =	strace $0x90000047  }
0x3b5: {  	s0 =	stileid.u32;
	[bflag:$0x2] =	sbarrier.arrive $0xFFFF  }
0x3b6: {  	p0 =	sne.s32 s0, $0x0;
	s0 =	rddreg [dreg:$0x4]  }
0x3b7: {  	s0 =	sadd.s32 @!p0 $0x100000, s0  }
0x3b8: {  	[sflag:s0] =	ssyncadd.tile.s32 @!p0 $0x1;
	_ =	shalt  }
.Lfunc_end2:
_tile_overlayer_lowered:
.L_overlay_start_2:
0x3b9: {  	(tag) =	ssettag $0x2  }
0x3ba: {  	s0 =	rddreg [dreg:$0x0];
	s2 =	stileid.u32  }
0x3bb: {  	s1 =	rddreg [dreg:$0x1];
	p0 =	sne.s32 s2, $0x0  }
0x3bc: {  	s3 =	rddreg [dreg:$0x2];
	[bflag:$0x3] =	sbarrier.arrive $0xFFFF;
	s2 =	simm.s32 @!p0 $0x1C09  }
0x3bd: {  	[timem:s3], [sflag:s2] =	dma.local @!p0 [hbm:s0], s1  }
0x3be: {  	s0 =	simm.s32 @!p0 $0x9  }
0x3bf: {  	_ =	swait.ge @!p0 [sflag:s0], s1  }
0x3c0: {  	s1 =	ssub.s32 @!p0 $0x0, s1;
	[sflag:s0] =	ssyncset.done @!p0 $0x0  }
0x3c1: {  	[sflag:s0] =	ssyncadd.s32 @!p0 s1  }
0x3c2: {  	[bflag:$0x3] =	sbarrier.arrive $0xFFFF  }
0x3c3: {  	_ =	shalt  }

</sc_bundles>
